<compile_context>
chip_gen: v7x
topology: tpu7x:2x2x1
jax: 0.10.2.dev20260603
libtpu: 0.0.44.dev20260713+nightly
codegen_flags: <defaults>
</compile_context>

<pallas_src>
import functools

import jax
import jax.numpy as jnp
from jax import lax
from jax.experimental import pallas as pl
from jax.experimental.pallas import tpu as pltpu
from jax.experimental.pallas import tpu_sc as plsc

N = 10000
E = 320000
D = 128

NUM_CORES = 2
NUM_SUBCORES = 16
NUM_TILES = NUM_CORES * NUM_SUBCORES
K = 80
CPT = 128
EPT = CPT * K
NPAD = EPT - E // NUM_TILES
NJ = 16
GSZ = 32
NG = CPT // GSZ
DCH = 400
NDCH = N // DCH
ZR = 80

BLK = 2000
GRID = N // BLK
EPS = 1e-5

_mesh = plsc.VectorSubcoreMesh(core_axis_name="c", subcore_axis_name="s")



@functools.partial(
    pl.kernel,
    out_type=[jax.ShapeDtypeStruct((N + NJ,), jnp.float32),
              jax.ShapeDtypeStruct((N + NJ,), jnp.float32)],
    mesh=_mesh,
    scratch_types=[
        pltpu.VMEM((CPT, K), jnp.int32),
        pltpu.VMEM((K,), jnp.float32),
        pltpu.VMEM((N + NJ,), jnp.float32),
        pltpu.VMEM_SHARED((N + NJ,), jnp.float32),
    ],
)
def _deg_kernel(dst_hbm, out0_hbm, out1_hbm, dstv, ones_v, zv, hist_sh):
    c = lax.axis_index("c")
    s = lax.axis_index("s")
    wid = c * NUM_SUBCORES + s

    pltpu.sync_copy(dst_hbm.at[wid], dstv)

    def fill_ones(i, carry):
        ones_v[pl.ds(i * 16, 16)] = jnp.full((16,), 1.0, jnp.float32)
        return carry
    lax.fori_loop(0, K // 16, fill_ones, 0)

    @pl.when(s == 0)
    def _():
        def zf(i, carry):
            zv[pl.ds(i * 16, 16)] = jnp.zeros((16,), jnp.float32)
            return carry
        lax.fori_loop(0, (N + NJ) // 16, zf, 0)
        pltpu.sync_copy(zv, hist_sh)

    plsc.subcore_barrier()

    def body(j, carry):
        pltpu.sync_copy(ones_v, hist_sh.at[dstv.at[j]], add=True)
        return carry
    lax.fori_loop(0, CPT, body, 0)

    plsc.subcore_barrier()

    @pl.when((s == 0) & (c == 0))
    def _():
        pltpu.sync_copy(hist_sh, out0_hbm)

    @pl.when((s == 0) & (c == 1))
    def _():
        pltpu.sync_copy(hist_sh, out1_hbm)


@functools.partial(
    pl.kernel,
    out_type=[jax.ShapeDtypeStruct((N, D), jnp.float32),
              jax.ShapeDtypeStruct((N, D), jnp.float32)],
    mesh=_mesh,
    scratch_types=[
        pltpu.VMEM((EPT,), jnp.int32),
        pltpu.VMEM((GSZ, K), jnp.int32),
        pltpu.VMEM((GSZ, K), jnp.int32),
        pltpu.VMEM((K, D), jnp.float32),
        pltpu.VMEM((K, D), jnp.float32),
        pltpu.VMEM((K, D), jnp.float32),
        pltpu.VMEM_SHARED((N + NJ, D), jnp.float32),
        pltpu.SemaphoreType.DMA,
        pltpu.SemaphoreType.DMA,
        pltpu.SemaphoreType.DMA,
    ],
)
def _agg_kernel(g_hbm, src_hbm, dst_hbm, out0_hbm, out1_hbm, srcv, dstR0,
                dstR1, rows0, rows1, rows2, acc_sh, sem0, sem1, sem2):
    c = lax.axis_index("c")
    s = lax.axis_index("s")
    wid = c * NUM_SUBCORES + s
    bufs = (rows0, rows1, rows2)
    sems = (sem0, sem1, sem2)
    rings = (dstR0, dstR1)

    pltpu.sync_copy(src_hbm.at[pl.ds(pl.multiple_of(wid * EPT, 16), EPT)],
                    srcv)
    pltpu.sync_copy(dst_hbm.at[wid, pl.ds(0, GSZ)], dstR0)

    def zf(i, carry):
        rows0[i // 8, pl.ds((i % 8) * 16, 16)] = jnp.zeros((16,), jnp.float32)
        return carry
    lax.fori_loop(0, K * 8, zf, 0)

    def zero_chunk(k, carry):
        ch = s + NUM_SUBCORES * k

        @pl.when(ch < NDCH)
        def _():
            def zc(q, carry2):
                off = pl.multiple_of(ch * DCH + q * ZR, 8)
                pltpu.sync_copy(rows0.at[pl.ds(0, ZR)],
                                acc_sh.at[pl.ds(off, ZR)])
                return carry2
            lax.fori_loop(0, DCH // ZR, zc, 0)
        return carry
    lax.fori_loop(0, (NDCH + NUM_SUBCORES - 1) // NUM_SUBCORES, zero_chunk, 0)

    plsc.subcore_barrier()

    def _gidx(ch):
        return srcv.at[pl.ds(pl.multiple_of(ch * K, 16), K)]

    def _gwait(buf, sem):
        pltpu.make_async_copy(g_hbm.at[pl.ds(0, K)], buf, sem).wait()

    pltpu.async_copy(g_hbm.at[_gidx(0)], rows0, sem0)
    pltpu.async_copy(g_hbm.at[_gidx(1)], rows1, sem1)
    pltpu.async_copy(g_hbm.at[_gidx(2)], rows2, sem2)

    def group(gi, carry):
        for pp in range(2):
            @pl.when((gi < NG - 1) & (lax.rem(gi + 1, 2) == pp))
            def _():
                pltpu.sync_copy(
                    dst_hbm.at[wid, pl.ds(pl.multiple_of((gi + 1) * GSZ, 8),
                                          GSZ)], rings[pp])

        def inner(q, carry2):
            ch = gi * GSZ + q
            b = lax.rem(ch, 3)
            for bb in range(3):
                @pl.when(b == bb)
                def _():
                    _gwait(bufs[bb], sems[bb])
                    for pp in range(2):
                        @pl.when(lax.rem(gi, 2) == pp)
                        def _():
                            pltpu.sync_copy(bufs[bb],
                                            acc_sh.at[rings[pp].at[q]],
                                            add=True)

                    @pl.when(ch + 3 < CPT)
                    def _():
                        pltpu.async_copy(g_hbm.at[_gidx(ch + 3)], bufs[bb],
                                         sems[bb])
            return carry2
        lax.fori_loop(0, GSZ, inner, 0)
        return carry
    lax.fori_loop(0, NG, group, 0)

    plsc.subcore_barrier()

    def dump_chunk(k, carry):
        ch = s + NUM_SUBCORES * k

        @pl.when(ch < NDCH)
        def _():
            off = pl.multiple_of(ch * DCH, 8)

            @pl.when(c == 0)
            def _():
                pltpu.sync_copy(acc_sh.at[pl.ds(off, DCH)],
                                out0_hbm.at[pl.ds(off, DCH)])

            @pl.when(c == 1)
            def _():
                pltpu.sync_copy(acc_sh.at[pl.ds(off, DCH)],
                                out1_hbm.at[pl.ds(off, DCH)])
        return carry
    lax.fori_loop(0, (NDCH + NUM_SUBCORES - 1) // NUM_SUBCORES, dump_chunk, 0)



def _g1_body(x_ref, w_ref, d0_ref, d1_ref, g_ref, dinv_ref):
    d = d0_ref[...] + d1_ref[...]
    dinv = lax.rsqrt(1.0 + d)
    g_ref[...] = jnp.dot(x_ref[...], w_ref[...],
                         preferred_element_type=jnp.float32) * dinv
    dinv_ref[...] = dinv


_g1_call = pl.pallas_call(
    _g1_body,
    grid=(GRID,),
    in_specs=[
        pl.BlockSpec((BLK, D), lambda i: (i, 0)),
        pl.BlockSpec((D, D), lambda i: (0, 0)),
        pl.BlockSpec((BLK, 1), lambda i: (i, 0)),
        pl.BlockSpec((BLK, 1), lambda i: (i, 0)),
    ],
    out_specs=[
        pl.BlockSpec((BLK, D), lambda i: (i, 0)),
        pl.BlockSpec((BLK, 1), lambda i: (i, 0)),
    ],
    out_shape=[
        jax.ShapeDtypeStruct((N, D), jnp.float32),
        jax.ShapeDtypeStruct((N, 1), jnp.float32),
    ],
)


def _stats_body(a0_ref, a1_ref, g_ref, dinv_ref, b_ref, z_ref, s_ref):
    i = pl.program_id(0)
    a = a0_ref[...] + a1_ref[...] + g_ref[...]
    z = jnp.maximum(a * dinv_ref[...] + b_ref[...], 0.0)
    z_ref[...] = z
    cs = jnp.sum(z, axis=0, keepdims=True)
    cs2 = jnp.sum(z * z, axis=0, keepdims=True)
    st = jnp.concatenate([cs, cs2], axis=0)

    @pl.when(i == 0)
    def _():
        s_ref[...] = st

    @pl.when(i > 0)
    def _():
        s_ref[...] = s_ref[...] + st


_stats_call = pl.pallas_call(
    _stats_body,
    grid=(GRID,),
    in_specs=[
        pl.BlockSpec((BLK, D), lambda i: (i, 0)),
        pl.BlockSpec((BLK, D), lambda i: (i, 0)),
        pl.BlockSpec((BLK, D), lambda i: (i, 0)),
        pl.BlockSpec((BLK, 1), lambda i: (i, 0)),
        pl.BlockSpec((1, D), lambda i: (0, 0)),
    ],
    out_specs=[
        pl.BlockSpec((BLK, D), lambda i: (i, 0)),
        pl.BlockSpec((2, D), lambda i: (0, 0)),
    ],
    out_shape=[
        jax.ShapeDtypeStruct((N, D), jnp.float32),
        jax.ShapeDtypeStruct((2, D), jnp.float32),
    ],
)


def _gn_ln(z, st, gnw, gnb, gnms, lnw, lnb):
    mean = st[0:1] * (1.0 / N)
    ex2 = st[1:2] * (1.0 / N)
    m2 = mean * gnms
    var = ex2 - 2.0 * m2 * mean + m2 * m2
    y = gnw * (z - m2) * lax.rsqrt(var + EPS) + gnb
    rm = jnp.mean(y, axis=1, keepdims=True)
    yc = y - rm
    rv = jnp.mean(yc * yc, axis=1, keepdims=True)
    return yc * lax.rsqrt(rv + EPS) * lnw + lnb


def _mid_body(z_ref, st_ref, dinv_ref, gnw_ref, gnb_ref, gnms_ref, lnw_ref,
              lnb_ref, w2_ref, g2_ref):
    t = _gn_ln(z_ref[...], st_ref[...], gnw_ref[...], gnb_ref[...],
               gnms_ref[...], lnw_ref[...], lnb_ref[...])
    g2_ref[...] = jnp.dot(t, w2_ref[...],
                          preferred_element_type=jnp.float32) * dinv_ref[...]


_mid_call = pl.pallas_call(
    _mid_body,
    grid=(GRID,),
    in_specs=[
        pl.BlockSpec((BLK, D), lambda i: (i, 0)),
        pl.BlockSpec((2, D), lambda i: (0, 0)),
        pl.BlockSpec((BLK, 1), lambda i: (i, 0)),
    ] + [pl.BlockSpec((1, D), lambda i: (0, 0))] * 5 + [
        pl.BlockSpec((D, D), lambda i: (0, 0)),
    ],
    out_specs=pl.BlockSpec((BLK, D), lambda i: (i, 0)),
    out_shape=jax.ShapeDtypeStruct((N, D), jnp.float32),
)


def _final_body(z_ref, st_ref, gnw_ref, gnb_ref, gnms_ref, lnw_ref, lnb_ref,
                fcw_ref, fcb_ref, emb_ref, pooled):
    i = pl.program_id(0)
    t = _gn_ln(z_ref[...], st_ref[...], gnw_ref[...], gnb_ref[...],
               gnms_ref[...], lnw_ref[...], lnb_ref[...])
    bm = jnp.max(t, axis=0, keepdims=True)

    @pl.when(i == 0)
    def _():
        pooled[...] = bm

    @pl.when(i > 0)
    def _():
        pooled[...] = jnp.maximum(pooled[...], bm)

    @pl.when(i == GRID - 1)
    def _():
        emb_ref[...] = lax.dot_general(
            pooled[...], fcw_ref[...], (((1,), (1,)), ((), ())),
            preferred_element_type=jnp.float32) + fcb_ref[...]


_final_call = pl.pallas_call(
    _final_body,
    grid=(GRID,),
    in_specs=[
        pl.BlockSpec((BLK, D), lambda i: (i, 0)),
        pl.BlockSpec((2, D), lambda i: (0, 0)),
    ] + [pl.BlockSpec((1, D), lambda i: (0, 0))] * 5 + [
        pl.BlockSpec((D, D), lambda i: (0, 0)),
        pl.BlockSpec((1, D), lambda i: (0, 0)),
    ],
    out_specs=pl.BlockSpec((1, D), lambda i: (0, 0)),
    out_shape=jax.ShapeDtypeStruct((1, D), jnp.float32),
    scratch_shapes=[pltpu.VMEM((1, D), jnp.float32)],
)



def kernel(x, edge_index, W1, b1, W2, b2, gn_weight, gn_bias, gn_mean_scale,
           ln_weight, ln_bias, fc_W, fc_b):
    pad_src = (jnp.arange(NUM_TILES * NPAD, dtype=jnp.int32) * 37) % N
    pad_dst = N + (jnp.arange(NUM_TILES * NPAD, dtype=jnp.int32) % NJ)
    src_flat = jnp.concatenate(
        [edge_index[0].reshape(NUM_TILES, -1),
         pad_src.reshape(NUM_TILES, NPAD)], axis=1).reshape(-1)
    dst_r = jnp.concatenate(
        [edge_index[1].reshape(NUM_TILES, -1),
         pad_dst.reshape(NUM_TILES, NPAD)], axis=1).reshape(NUM_TILES, CPT, K)

    gnw = gn_weight.reshape(1, D)
    gnb = gn_bias.reshape(1, D)
    gnms = gn_mean_scale.reshape(1, D)
    lnw = ln_weight.reshape(1, D)
    lnb = ln_bias.reshape(1, D)

    d0, d1 = _deg_kernel(dst_r)
    d0 = d0[:N].reshape(N, 1)
    d1 = d1[:N].reshape(N, 1)

    g1, dinv = _g1_call(x, W1, d0, d1)
    a0, a1 = _agg_kernel(g1, src_flat, dst_r)
    z1, st1 = _stats_call(a0, a1, g1, dinv, b1.reshape(1, D))
    g2 = _mid_call(z1, st1, dinv, gnw, gnb, gnms, lnw, lnb, W2)
    a0, a1 = _agg_kernel(g2, src_flat, dst_r)
    z2, st2 = _stats_call(a0, a1, g2, dinv, b2.reshape(1, D))
    emb = _final_call(z2, st2, gnw, gnb, gnms, lnw, lnb, fc_W,
                      fc_b.reshape(1, D))
    return emb.reshape(D)

# --- scband reference (transcript-rebuilt; emitter-appended) ---
"""Pipeline reference for scband-simple-gcn-39702677684790 (READ-ONLY COPY).

The authoritative reference and input builder live on the scoring server;
editing this copy changes nothing except your own understanding.
"""

import jax, jax.numpy as jnp
import numpy as np

N = 10000
E = 320000
D_IN = 128
D_HID = 128
D_EMB = 128


def setup_inputs(seed: int = 0) -> dict:
    key = jax.random.key(seed)
    ks = jax.random.split(key, 8)
    inp = {}
    inp["x"] = jax.random.normal(ks[0], (N, D_IN), dtype=jnp.float32)
    inp["edge_index"] = jax.random.randint(ks[1], (2, E), 0, N, dtype=jnp.int32)
    inp["W1"] = jax.random.normal(ks[2], (D_IN, D_HID), dtype=jnp.float32) * (1.0 / np.sqrt(D_IN))
    inp["b1"] = jnp.zeros((D_HID,), dtype=jnp.float32)
    inp["W2"] = jax.random.normal(ks[3], (D_HID, D_HID), dtype=jnp.float32) * (1.0 / np.sqrt(D_HID))
    inp["b2"] = jnp.zeros((D_HID,), dtype=jnp.float32)
    inp["gn_weight"] = jnp.ones((D_HID,), dtype=jnp.float32)
    inp["gn_bias"] = jnp.zeros((D_HID,), dtype=jnp.float32)
    inp["gn_mean_scale"] = jnp.ones((D_HID,), dtype=jnp.float32)
    inp["ln_weight"] = jnp.ones((D_HID,), dtype=jnp.float32)
    inp["ln_bias"] = jnp.zeros((D_HID,), dtype=jnp.float32)
    inp["fc_W"] = jax.random.normal(ks[4], (D_EMB, D_HID), dtype=jnp.float32) * (1.0 / np.sqrt(D_HID))
    inp["fc_b"] = jnp.zeros((D_EMB,), dtype=jnp.float32)
    return inp


def gcn_conv(x, edge_index, W, b):
    # PyG GCNConv with add_self_loops=True, symmetric normalization
    n = x.shape[0]
    h = x @ W
    src = edge_index[0]
    dst = edge_index[1]
    loop = jnp.arange(n, dtype=src.dtype)
    src_f = jnp.concatenate([src, loop])
    dst_f = jnp.concatenate([dst, loop])
    deg = jnp.zeros((n,), dtype=h.dtype).at[dst_f].add(1.0)
    deg_inv_sqrt = jnp.where(deg > 0, deg ** -0.5, 0.0)
    norm = deg_inv_sqrt[src_f] * deg_inv_sqrt[dst_f]
    msg = h[src_f] * norm[:, None]
    out = jnp.zeros_like(h).at[dst_f].add(msg)
    return out + b


def graph_norm(x, weight, bias, mean_scale, eps=1e-5):
    # PyG GraphNorm over a single graph (batch=None)
    mean = jnp.mean(x, axis=0, keepdims=True)
    out = x - mean * mean_scale
    var = jnp.mean(out * out, axis=0, keepdims=True)
    std = jnp.sqrt(var + eps)
    return weight * out / std + bias


def layer_norm(x, weight, bias, eps=1e-5):
    mean = jnp.mean(x, axis=-1, keepdims=True)
    var = jnp.mean((x - mean) ** 2, axis=-1, keepdims=True)
    return (x - mean) / jnp.sqrt(var + eps) * weight + bias


def reference(x, edge_index, W1, b1, W2, b2, gn_weight, gn_bias, gn_mean_scale, ln_weight, ln_bias, fc_W, fc_b):
    h = jax.nn.relu(gcn_conv(x, edge_index, W1, b1))
    h = graph_norm(h, gn_weight, gn_bias, gn_mean_scale)
    h = layer_norm(h, ln_weight, ln_bias)
    # dropout is identity in eval mode
    h = jax.nn.relu(gcn_conv(h, edge_index, W2, b2))
    h = graph_norm(h, gn_weight, gn_bias, gn_mean_scale)
    h = layer_norm(h, ln_weight, ln_bias)
    pooled = jnp.max(h, axis=0)
    embedding = pooled @ fc_W.T + fc_b
    # embedding_dim != 1, so no sigmoid
    return embedding

if __name__ == "__main__":
    import jax
    _d = setup_inputs()
    print(jax.jit(kernel)(*tuple(_d.values())))

</pallas_src>

<mosaic_0001>
#map = affine_map<(d0, d1) -> (0, 0, 0)>
#map1 = affine_map<(d0, d1) -> (0)>
module attributes {stable_mosaic.version = 14 : i64} {
  func.func @_deg_kernel(%arg0: i32, %arg1: i32, %arg2: memref<32x128x80xi32, #tpu.memory_space<hbm>>, %arg3: memref<10016xf32, #tpu.memory_space<hbm>>, %arg4: memref<10016xf32, #tpu.memory_space<hbm>>, %arg5: memref<128x80xi32, #tpu.memory_space<vmem>>, %arg6: memref<80xf32, #tpu.memory_space<vmem>>, %arg7: memref<10016xf32, #tpu.memory_space<vmem>>, %arg8: memref<10016xf32, #tpu.memory_space<vmem_shared>>) attributes {dimension_semantics = [#tpu.dimension_semantics<core_parallel>, #tpu.dimension_semantics<subcore_parallel>], iteration_bounds = array<i64: 2, 16>, scalar_prefetch = 0 : i64, scratch_operands = 4 : i64, tpu.core_type = #tpu.core_type<sc_vector_subcore>, window_params = [{transform_indices = #map}, {transform_indices = #map1}, {transform_indices = #map1}]} {
    %mul3A = arith.constant 16 : i32
    %mul3A_0 = arith.muli %arg0, %mul3A : i32
    %add3A = arith.addi %mul3A_0, %arg1 : i32
    "tpu.region"() ({
      %run_scoped3A = tpu.sem_alloc : memref<!tpu.dma_semaphore, #tpu.memory_space<semaphore_mem>>
      %dma_start3A = arith.constant 0 : i32
      %dma_start3A_30 = arith.constant 0 : i32
      %dma_start3A_31 = tpu.memref_slice %arg2[%add3A, %dma_start3A, %dma_start3A_30] : memref<32x128x80xi32, #tpu.memory_space<hbm>> -> memref<1x128x80xi32, #tpu.memory_space<hbm>>
      %dma_start3A_32 = tpu.memref_squeeze %dma_start3A_31 : memref<1x128x80xi32, #tpu.memory_space<hbm>> -> memref<128x80xi32, #tpu.memory_space<hbm>>
      %dma_start3A_33 = arith.constant 0 : i32
      %dma_start3A_34 = arith.constant 0 : i32
      %dma_start3A_35 = tpu.memref_slice %arg2[%add3A, %dma_start3A_33, %dma_start3A_34] : memref<32x128x80xi32, #tpu.memory_space<hbm>> -> memref<1x128x80xi32, #tpu.memory_space<hbm>>
      %dma_start3A_36 = tpu.memref_squeeze %dma_start3A_35 : memref<1x128x80xi32, #tpu.memory_space<hbm>> -> memref<128x80xi32, #tpu.memory_space<hbm>>
      tpu.enqueue_dma source(%dma_start3A_36 : memref<128x80xi32, #tpu.memory_space<hbm>>) target(%arg5 : memref<128x80xi32, #tpu.memory_space<vmem>>) target_semaphore(%run_scoped3A : memref<!tpu.dma_semaphore, #tpu.memory_space<semaphore_mem>>)
      %dma_wait3A = arith.constant 0 : i32
      %dma_wait3A_37 = arith.constant 0 : i32
      %dma_wait3A_38 = tpu.memref_slice %arg2[%add3A, %dma_wait3A, %dma_wait3A_37] : memref<32x128x80xi32, #tpu.memory_space<hbm>> -> memref<1x128x80xi32, #tpu.memory_space<hbm>>
      %dma_wait3A_39 = tpu.memref_squeeze %dma_wait3A_38 : memref<1x128x80xi32, #tpu.memory_space<hbm>> -> memref<128x80xi32, #tpu.memory_space<hbm>>
      %dma_wait3A_40 = arith.constant 0 : i32
      %dma_wait3A_41 = arith.constant 0 : i32
      %dma_wait3A_42 = tpu.memref_slice %arg2[%add3A, %dma_wait3A_40, %dma_wait3A_41] : memref<32x128x80xi32, #tpu.memory_space<hbm>> -> memref<1x128x80xi32, #tpu.memory_space<hbm>>
      %dma_wait3A_43 = tpu.memref_squeeze %dma_wait3A_42 : memref<1x128x80xi32, #tpu.memory_space<hbm>> -> memref<128x80xi32, #tpu.memory_space<hbm>>
      tpu.wait_dma2 semaphore(%run_scoped3A : memref<!tpu.dma_semaphore, #tpu.memory_space<semaphore_mem>>) src(%dma_wait3A_43 : memref<128x80xi32, #tpu.memory_space<hbm>>) dst(%arg5 : memref<128x80xi32, #tpu.memory_space<vmem>>)
      tpu.yield
    }) : () -> ()
    %scan3A = arith.constant 0 : i32
    %scan3A_1 = arith.constant 0 : i32
    %scan3A_2 = arith.constant 5 : i32
    %scan3A_3 = arith.addi %scan3A_1, %scan3A_2 : i32
    %scan3A_4 = arith.constant 1 : i32
    scf.for %scan3A_30 = %scan3A_1 to %scan3A_3 step %scan3A_4  : i32 {
      %broadcast_in_dim3A = arith.constant 1.000000e+00 : f32
      %broadcast_in_dim3A_31 = vector.broadcast %broadcast_in_dim3A : f32 to vector<16xf32>
      %mul3A_32 = arith.constant 16 : i32
      %mul3A_33 = arith.muli %scan3A_30, %mul3A_32 : i32
      %swap3A = arith.index_cast %mul3A_33 : i32 to index
      %swap3A_34 = tpu.vector_load %arg6[%swap3A] {strides = array<i32>} : memref<80xf32, #tpu.memory_space<vmem>>, vector<16xf32>,
      %swap3A_35 = vector.shape_cast %swap3A_34 : vector<16xf32> to vector<16xf32>
      %swap3A_36 = vector.shape_cast %broadcast_in_dim3A_31 : vector<16xf32> to vector<16xf32>
      tpu.vector_store %arg6[%swap3A], %swap3A_36 {strides = array<i32>} : memref<80xf32, #tpu.memory_space<vmem>>, vector<16xf32>,
    }
    %scan3A_5 = arith.constant 5 : i32
    %eq3A = arith.constant 0 : i32
    %eq3A_6 = arith.cmpi eq, %arg1, %eq3A : i32
    %convert_element_type3A = arith.extui %eq3A_6 : i1 to i32
    %cond3A = arith.constant 0 : i32
    %cond3A_7 = arith.cmpi ne, %convert_element_type3A, %cond3A : i32
    scf.if %cond3A_7 {
      %scan3A_30 = arith.constant 0 : i32
      %scan3A_31 = arith.constant 0 : i32
      %scan3A_32 = arith.constant 626 : i32
      %scan3A_33 = arith.addi %scan3A_31, %scan3A_32 : i32
      %scan3A_34 = arith.constant 1 : i32
      scf.for %scan3A_36 = %scan3A_31 to %scan3A_33 step %scan3A_34  : i32 {
        %broadcast_in_dim3A = arith.constant 0.000000e+00 : f32
        %broadcast_in_dim3A_37 = vector.broadcast %broadcast_in_dim3A : f32 to vector<16xf32>
        %mul3A_38 = arith.constant 16 : i32
        %mul3A_39 = arith.muli %scan3A_36, %mul3A_38 : i32
        %swap3A = arith.index_cast %mul3A_39 : i32 to index
        %swap3A_40 = tpu.vector_load %arg7[%swap3A] {strides = array<i32>} : memref<10016xf32, #tpu.memory_space<vmem>>, vector<16xf32>,
        %swap3A_41 = vector.shape_cast %swap3A_40 : vector<16xf32> to vector<16xf32>
        %swap3A_42 = vector.shape_cast %broadcast_in_dim3A_37 : vector<16xf32> to vector<16xf32>
        tpu.vector_store %arg7[%swap3A], %swap3A_42 {strides = array<i32>} : memref<10016xf32, #tpu.memory_space<vmem>>, vector<16xf32>,
      }
      %scan3A_35 = arith.constant 626 : i32
      "tpu.region"() ({
        %run_scoped3A = tpu.sem_alloc : memref<!tpu.dma_semaphore, #tpu.memory_space<semaphore_mem>>
        tpu.enqueue_dma source(%arg7 : memref<10016xf32, #tpu.memory_space<vmem>>) target(%arg8 : memref<10016xf32, #tpu.memory_space<vmem_shared>>) target_semaphore(%run_scoped3A : memref<!tpu.dma_semaphore, #tpu.memory_space<semaphore_mem>>)
        tpu.wait_dma2 semaphore(%run_scoped3A : memref<!tpu.dma_semaphore, #tpu.memory_space<semaphore_mem>>) src(%arg7 : memref<10016xf32, #tpu.memory_space<vmem>>) dst(%arg8 : memref<10016xf32, #tpu.memory_space<vmem_shared>>)
        tpu.yield
      }) : () -> ()
    } else {
    }
    %barrier3A = arith.constant 0 : index
    tpu.barrier barrier_id(%barrier3A)
    %scan3A_8 = arith.constant 0 : i32
    %scan3A_9 = arith.constant 0 : i32
    %scan3A_10 = arith.constant 128 : i32
    %scan3A_11 = arith.addi %scan3A_9, %scan3A_10 : i32
    %scan3A_12 = arith.constant 1 : i32
    scf.for %scan3A_30 = %scan3A_9 to %scan3A_11 step %scan3A_12  : i32 {
      "tpu.region"() ({
        %run_scoped3A = tpu.sem_alloc : memref<!tpu.dma_semaphore, #tpu.memory_space<semaphore_mem>>
        %dma_start3A = arith.constant 0 : i32
        %dma_start3A_31 = tpu.memref_slice %arg5[%scan3A_30, %dma_start3A] : memref<128x80xi32, #tpu.memory_space<vmem>> -> memref<1x80xi32, #tpu.memory_space<vmem>>
        %dma_start3A_32 = tpu.memref_squeeze %dma_start3A_31 : memref<1x80xi32, #tpu.memory_space<vmem>> -> memref<80xi32, #tpu.memory_space<vmem>>
        %dma_start3A_33 = arith.constant 0 : i32
        %dma_start3A_34 = tpu.memref_slice %arg8[%dma_start3A_33] : memref<10016xf32, #tpu.memory_space<vmem_shared>> -> memref<10016xf32, #tpu.memory_space<vmem_shared>>
        tpu.enqueue_indirect_dma source(%arg6 : memref<80xf32, #tpu.memory_space<vmem>>) target(%dma_start3A_34 : memref<10016xf32, #tpu.memory_space<vmem_shared>>) offsets(%dma_start3A_32 : memref<80xi32, #tpu.memory_space<vmem>>) semaphore(%run_scoped3A : memref<!tpu.dma_semaphore, #tpu.memory_space<semaphore_mem>>) {add = true}
        %dma_wait3A = arith.constant 0 : i32
        %dma_wait3A_35 = tpu.memref_slice %arg5[%scan3A_30, %dma_wait3A] : memref<128x80xi32, #tpu.memory_space<vmem>> -> memref<1x80xi32, #tpu.memory_space<vmem>>
        %dma_wait3A_36 = tpu.memref_squeeze %dma_wait3A_35 : memref<1x80xi32, #tpu.memory_space<vmem>> -> memref<80xi32, #tpu.memory_space<vmem>>
        %dma_wait3A_37 = arith.constant 0 : i32
        %dma_wait3A_38 = tpu.memref_slice %arg8[%dma_wait3A_37] : memref<10016xf32, #tpu.memory_space<vmem_shared>> -> memref<10016xf32, #tpu.memory_space<vmem_shared>>
        tpu.wait_indirect_dma semaphore(%run_scoped3A : memref<!tpu.dma_semaphore, #tpu.memory_space<semaphore_mem>>) src(%arg6 : memref<80xf32, #tpu.memory_space<vmem>>) dst(%dma_wait3A_38 : memref<10016xf32, #tpu.memory_space<vmem_shared>>)
        tpu.yield
      }) : () -> ()
    }
    %scan3A_13 = arith.constant 128 : i32
    %barrier3A_14 = arith.constant 0 : index
    tpu.barrier barrier_id(%barrier3A_14)
    %eq3A_15 = arith.constant 0 : i32
    %eq3A_16 = arith.cmpi eq, %arg1, %eq3A_15 : i32
    %eq3A_17 = arith.constant 0 : i32
    %eq3A_18 = arith.cmpi eq, %arg0, %eq3A_17 : i32
    %and3A = arith.andi %eq3A_16, %eq3A_18 : i1
    %convert_element_type3A_19 = arith.extui %and3A : i1 to i32
    %cond3A_20 = arith.constant 0 : i32
    %cond3A_21 = arith.cmpi ne, %convert_element_type3A_19, %cond3A_20 : i32
    scf.if %cond3A_21 {
      "tpu.region"() ({
        %run_scoped3A = tpu.sem_alloc : memref<!tpu.dma_semaphore, #tpu.memory_space<semaphore_mem>>
        tpu.enqueue_dma source(%arg8 : memref<10016xf32, #tpu.memory_space<vmem_shared>>) target(%arg3 : memref<10016xf32, #tpu.memory_space<hbm>>) target_semaphore(%run_scoped3A : memref<!tpu.dma_semaphore, #tpu.memory_space<semaphore_mem>>)
        tpu.wait_dma2 semaphore(%run_scoped3A : memref<!tpu.dma_semaphore, #tpu.memory_space<semaphore_mem>>) src(%arg8 : memref<10016xf32, #tpu.memory_space<vmem_shared>>) dst(%arg3 : memref<10016xf32, #tpu.memory_space<hbm>>)
        tpu.yield
      }) : () -> ()
    } else {
    }
    %eq3A_22 = arith.constant 0 : i32
    %eq3A_23 = arith.cmpi eq, %arg1, %eq3A_22 : i32
    %eq3A_24 = arith.constant 1 : i32
    %eq3A_25 = arith.cmpi eq, %arg0, %eq3A_24 : i32
    %and3A_26 = arith.andi %eq3A_23, %eq3A_25 : i1
    %convert_element_type3A_27 = arith.extui %and3A_26 : i1 to i32
    %cond3A_28 = arith.constant 0 : i32
    %cond3A_29 = arith.cmpi ne, %convert_element_type3A_27, %cond3A_28 : i32
    scf.if %cond3A_29 {
      "tpu.region"() ({
        %run_scoped3A = tpu.sem_alloc : memref<!tpu.dma_semaphore, #tpu.memory_space<semaphore_mem>>
        tpu.enqueue_dma source(%arg8 : memref<10016xf32, #tpu.memory_space<vmem_shared>>) target(%arg4 : memref<10016xf32, #tpu.memory_space<hbm>>) target_semaphore(%run_scoped3A : memref<!tpu.dma_semaphore, #tpu.memory_space<semaphore_mem>>)
        tpu.wait_dma2 semaphore(%run_scoped3A : memref<!tpu.dma_semaphore, #tpu.memory_space<semaphore_mem>>) src(%arg8 : memref<10016xf32, #tpu.memory_space<vmem_shared>>) dst(%arg4 : memref<10016xf32, #tpu.memory_space<hbm>>)
        tpu.yield
      }) : () -> ()
    } else {
    }
    return
  }
}

#map = affine_map<(d0, d1) -> (0, 0)>
#map1 = affine_map<(d0, d1) -> (0)>
#map2 = affine_map<(d0, d1) -> (0, 0, 0)>
module attributes {stable_mosaic.version = 14 : i64} {
  func.func @_agg_kernel(%arg0: i32, %arg1: i32, %arg2: memref<10000x128xf32, #tpu.memory_space<hbm>>, %arg3: memref<327680xi32, #tpu.memory_space<hbm>>, %arg4: memref<32x128x80xi32, #tpu.memory_space<hbm>>, %arg5: memref<10000x128xf32, #tpu.memory_space<hbm>>, %arg6: memref<10000x128xf32, #tpu.memory_space<hbm>>, %arg7: memref<10240xi32, #tpu.memory_space<vmem>>, %arg8: memref<32x80xi32, #tpu.memory_space<vmem>>, %arg9: memref<32x80xi32, #tpu.memory_space<vmem>>, %arg10: memref<80x128xf32, #tpu.memory_space<vmem>>, %arg11: memref<80x128xf32, #tpu.memory_space<vmem>>, %arg12: memref<80x128xf32, #tpu.memory_space<vmem>>, %arg13: memref<10016x128xf32, #tpu.memory_space<vmem_shared>>, %arg14: memref<!tpu.dma_semaphore, #tpu.memory_space<semaphore_mem>>, %arg15: memref<!tpu.dma_semaphore, #tpu.memory_space<semaphore_mem>>, %arg16: memref<!tpu.dma_semaphore, #tpu.memory_space<semaphore_mem>>) attributes {dimension_semantics = [#tpu.dimension_semantics<core_parallel>, #tpu.dimension_semantics<subcore_parallel>], iteration_bounds = array<i64: 2, 16>, scalar_prefetch = 0 : i64, scratch_operands = 10 : i64, tpu.core_type = #tpu.core_type<sc_vector_subcore>, window_params = [{transform_indices = #map}, {transform_indices = #map1}, {transform_indices = #map2}, {transform_indices = #map}, {transform_indices = #map}]} {
    %mul3A = arith.constant 16 : i32
    %mul3A_0 = arith.muli %arg0, %mul3A : i32
    %add3A = arith.addi %mul3A_0, %arg1 : i32
    %mul3A_1 = arith.constant 10240 : i32
    %mul3A_2 = arith.muli %add3A, %mul3A_1 : i32
    %multiple_of3A = tpu.assume_multiple %mul3A_2, 16 : i32
    "tpu.region"() ({
      %run_scoped3A = tpu.sem_alloc : memref<!tpu.dma_semaphore, #tpu.memory_space<semaphore_mem>>
      %dma_start3A_44 = tpu.memref_slice %arg3[%multiple_of3A] : memref<327680xi32, #tpu.memory_space<hbm>> -> memref<10240xi32, #tpu.memory_space<hbm>>
      %dma_start3A_45 = tpu.memref_slice %arg3[%multiple_of3A] : memref<327680xi32, #tpu.memory_space<hbm>> -> memref<10240xi32, #tpu.memory_space<hbm>>
      tpu.enqueue_dma source(%dma_start3A_45 : memref<10240xi32, #tpu.memory_space<hbm>>) target(%arg7 : memref<10240xi32, #tpu.memory_space<vmem>>) target_semaphore(%run_scoped3A : memref<!tpu.dma_semaphore, #tpu.memory_space<semaphore_mem>>)
      %dma_wait3A = tpu.memref_slice %arg3[%multiple_of3A] : memref<327680xi32, #tpu.memory_space<hbm>> -> memref<10240xi32, #tpu.memory_space<hbm>>
      %dma_wait3A_46 = tpu.memref_slice %arg3[%multiple_of3A] : memref<327680xi32, #tpu.memory_space<hbm>> -> memref<10240xi32, #tpu.memory_space<hbm>>
      tpu.wait_dma2 semaphore(%run_scoped3A : memref<!tpu.dma_semaphore, #tpu.memory_space<semaphore_mem>>) src(%dma_wait3A_46 : memref<10240xi32, #tpu.memory_space<hbm>>) dst(%arg7 : memref<10240xi32, #tpu.memory_space<vmem>>)
      tpu.yield
    }) : () -> ()
    "tpu.region"() ({
      %run_scoped3A = tpu.sem_alloc : memref<!tpu.dma_semaphore, #tpu.memory_space<semaphore_mem>>
      %dma_start3A_44 = arith.constant 0 : i32
      %dma_start3A_45 = arith.constant 0 : i32
      %dma_start3A_46 = tpu.memref_slice %arg4[%add3A, %dma_start3A_44, %dma_start3A_45] : memref<32x128x80xi32, #tpu.memory_space<hbm>> -> memref<1x32x80xi32, #tpu.memory_space<hbm>>
      %dma_start3A_47 = tpu.memref_squeeze %dma_start3A_46 : memref<1x32x80xi32, #tpu.memory_space<hbm>> -> memref<32x80xi32, #tpu.memory_space<hbm>>
      %dma_start3A_48 = arith.constant 0 : i32
      %dma_start3A_49 = arith.constant 0 : i32
      %dma_start3A_50 = tpu.memref_slice %arg4[%add3A, %dma_start3A_48, %dma_start3A_49] : memref<32x128x80xi32, #tpu.memory_space<hbm>> -> memref<1x32x80xi32, #tpu.memory_space<hbm>>
      %dma_start3A_51 = tpu.memref_squeeze %dma_start3A_50 : memref<1x32x80xi32, #tpu.memory_space<hbm>> -> memref<32x80xi32, #tpu.memory_space<hbm>>
      tpu.enqueue_dma source(%dma_start3A_51 : memref<32x80xi32, #tpu.memory_space<hbm>>) target(%arg8 : memref<32x80xi32, #tpu.memory_space<vmem>>) target_semaphore(%run_scoped3A : memref<!tpu.dma_semaphore, #tpu.memory_space<semaphore_mem>>)
      %dma_wait3A = arith.constant 0 : i32
      %dma_wait3A_52 = arith.constant 0 : i32
      %dma_wait3A_53 = tpu.memref_slice %arg4[%add3A, %dma_wait3A, %dma_wait3A_52] : memref<32x128x80xi32, #tpu.memory_space<hbm>> -> memref<1x32x80xi32, #tpu.memory_space<hbm>>
      %dma_wait3A_54 = tpu.memref_squeeze %dma_wait3A_53 : memref<1x32x80xi32, #tpu.memory_space<hbm>> -> memref<32x80xi32, #tpu.memory_space<hbm>>
      %dma_wait3A_55 = arith.constant 0 : i32
      %dma_wait3A_56 = arith.constant 0 : i32
      %dma_wait3A_57 = tpu.memref_slice %arg4[%add3A, %dma_wait3A_55, %dma_wait3A_56] : memref<32x128x80xi32, #tpu.memory_space<hbm>> -> memref<1x32x80xi32, #tpu.memory_space<hbm>>
      %dma_wait3A_58 = tpu.memref_squeeze %dma_wait3A_57 : memref<1x32x80xi32, #tpu.memory_space<hbm>> -> memref<32x80xi32, #tpu.memory_space<hbm>>
      tpu.wait_dma2 semaphore(%run_scoped3A : memref<!tpu.dma_semaphore, #tpu.memory_space<semaphore_mem>>) src(%dma_wait3A_58 : memref<32x80xi32, #tpu.memory_space<hbm>>) dst(%arg8 : memref<32x80xi32, #tpu.memory_space<vmem>>)
      tpu.yield
    }) : () -> ()
    %scan3A = arith.constant 0 : i32
    %scan3A_3 = arith.constant 0 : i32
    %scan3A_4 = arith.constant 640 : i32
    %scan3A_5 = arith.addi %scan3A_3, %scan3A_4 : i32
    %scan3A_6 = arith.constant 1 : i32
    scf.for %scan3A_44 = %scan3A_3 to %scan3A_5 step %scan3A_6  : i32 {
      %broadcast_in_dim3A = arith.constant 0.000000e+00 : f32
      %broadcast_in_dim3A_45 = vector.broadcast %broadcast_in_dim3A : f32 to vector<16xf32>
      %jit3A = arith.constant 8 : i32
      %div3A = arith.divsi %scan3A_44, %jit3A : i32
      %sign3A = arith.constant 0 : i32
      %sign3A_46 = arith.cmpi sgt, %scan3A_44, %sign3A : i32
      %sign3A_47 = arith.extui %sign3A_46 : i1 to i32
      %sign3A_48 = arith.constant 0 : i32
      %sign3A_49 = arith.cmpi slt, %scan3A_44, %sign3A_48 : i32
      %sign3A_50 = arith.extui %sign3A_49 : i1 to i32
      %sign3A_51 = arith.subi %sign3A_47, %sign3A_50 : i32
      %sign3A_52 = arith.constant 0 : i32
      %sign3A_53 = arith.cmpi sgt, %jit3A, %sign3A_52 : i32
      %sign3A_54 = arith.extui %sign3A_53 : i1 to i32
      %sign3A_55 = arith.constant 0 : i32
      %sign3A_56 = arith.cmpi slt, %jit3A, %sign3A_55 : i32
      %sign3A_57 = arith.extui %sign3A_56 : i1 to i32
      %sign3A_58 = arith.subi %sign3A_54, %sign3A_57 : i32
      %ne3A = arith.cmpi ne, %sign3A_51, %sign3A_58 : i32
      %rem3A = arith.remsi %scan3A_44, %jit3A : i32
      %ne3A_59 = arith.constant 0 : i32
      %ne3A_60 = arith.cmpi ne, %rem3A, %ne3A_59 : i32
      %and3A = arith.andi %ne3A, %ne3A_60 : i1
      %sub3A = arith.constant 1 : i32
      %sub3A_61 = arith.subi %div3A, %sub3A : i32
      %select_n3A = arith.select %and3A, %sub3A_61, %div3A : i32
      %jit3A_62 = arith.constant 8 : i32
      %eq3A = arith.constant 0 : i32
      %eq3A_63 = arith.cmpi eq, %jit3A_62, %eq3A : i32
      %jit3A_64 = arith.constant 1 : i32
      %select_n3A_65 = arith.select %eq3A_63, %jit3A_64, %jit3A_62 : i32
      %rem3A_66 = arith.remsi %scan3A_44, %select_n3A_65 : i32
      %ne3A_67 = arith.constant 0 : i32
      %ne3A_68 = arith.cmpi ne, %rem3A_66, %ne3A_67 : i32
      %lt3A = arith.constant 0 : i32
      %lt3A_69 = arith.cmpi slt, %rem3A_66, %lt3A : i32
      %lt3A_70 = arith.constant 0 : i32
      %lt3A_71 = arith.cmpi slt, %select_n3A_65, %lt3A_70 : i32
      %ne3A_72 = arith.xori %lt3A_69, %lt3A_71 : i1
      %and3A_73 = arith.andi %ne3A_72, %ne3A_68 : i1
      %add3A_74 = arith.addi %rem3A_66, %select_n3A_65 : i32
      %select_n3A_75 = arith.select %and3A_73, %add3A_74, %rem3A_66 : i32
      %mul3A_76 = arith.constant 16 : i32
      %mul3A_77 = arith.muli %select_n3A_75, %mul3A_76 : i32
      %swap3A = arith.index_cast %select_n3A : i32 to index
      %swap3A_78 = arith.index_cast %mul3A_77 : i32 to index
      %swap3A_79 = tpu.vector_load %arg10[%swap3A, %swap3A_78] {strides = array<i32>} : memref<80x128xf32, #tpu.memory_space<vmem>>, vector<1x16xf32>,
      %swap3A_80 = vector.shape_cast %swap3A_79 : vector<1x16xf32> to vector<16xf32>
      %swap3A_81 = vector.shape_cast %broadcast_in_dim3A_45 : vector<16xf32> to vector<1x16xf32>
      tpu.vector_store %arg10[%swap3A, %swap3A_78], %swap3A_81 {strides = array<i32>} : memref<80x128xf32, #tpu.memory_space<vmem>>, vector<1x16xf32>,
    }
    %scan3A_7 = arith.constant 640 : i32
    %scan3A_8 = arith.constant 0 : i32
    %scan3A_9 = arith.constant 0 : i32
    %scan3A_10 = arith.constant 2 : i32
    %scan3A_11 = arith.addi %scan3A_9, %scan3A_10 : i32
    %scan3A_12 = arith.constant 1 : i32
    scf.for %scan3A_44 = %scan3A_9 to %scan3A_11 step %scan3A_12  : i32 {
      %mul3A_45 = arith.constant 16 : i32
      %mul3A_46 = arith.muli %mul3A_45, %scan3A_44 : i32
      %add3A_47 = arith.addi %arg1, %mul3A_46 : i32
      %lt3A = arith.constant 25 : i32
      %lt3A_48 = arith.cmpi slt, %add3A_47, %lt3A : i32
      %convert_element_type3A = arith.extui %lt3A_48 : i1 to i32
      %cond3A = arith.constant 0 : i32
      %cond3A_49 = arith.cmpi ne, %convert_element_type3A, %cond3A : i32
      scf.if %cond3A_49 {
        %scan3A_50 = arith.constant 0 : i32
        %scan3A_51 = arith.constant 0 : i32
        %scan3A_52 = arith.constant 5 : i32
        %scan3A_53 = arith.addi %scan3A_51, %scan3A_52 : i32
        %scan3A_54 = arith.constant 1 : i32
        scf.for %scan3A_56 = %scan3A_51 to %scan3A_53 step %scan3A_54  : i32 {
          %mul3A_57 = arith.constant 400 : i32
          %mul3A_58 = arith.muli %add3A_47, %mul3A_57 : i32
          %mul3A_59 = arith.constant 80 : i32
          %mul3A_60 = arith.muli %scan3A_56, %mul3A_59 : i32
          %add3A_61 = arith.addi %mul3A_58, %mul3A_60 : i32
          %multiple_of3A_62 = tpu.assume_multiple %add3A_61, 8 : i32
          "tpu.region"() ({
            %run_scoped3A = tpu.sem_alloc : memref<!tpu.dma_semaphore, #tpu.memory_space<semaphore_mem>>
            %dma_start3A_63 = arith.constant 0 : i32
            %dma_start3A_64 = arith.constant 0 : i32
            %dma_start3A_65 = tpu.memref_slice %arg10[%dma_start3A_63, %dma_start3A_64] : memref<80x128xf32, #tpu.memory_space<vmem>> -> memref<80x128xf32, #tpu.memory_space<vmem>>
            %dma_start3A_66 = arith.constant 0 : i32
            %dma_start3A_67 = tpu.memref_slice %arg13[%multiple_of3A_62, %dma_start3A_66] : memref<10016x128xf32, #tpu.memory_space<vmem_shared>> -> memref<80x128xf32, #tpu.memory_space<vmem_shared>>
            %dma_start3A_68 = arith.constant 0 : i32
            %dma_start3A_69 = tpu.memref_slice %arg13[%multiple_of3A_62, %dma_start3A_68] : memref<10016x128xf32, #tpu.memory_space<vmem_shared>> -> memref<80x128xf32, #tpu.memory_space<vmem_shared>>
            %dma_start3A_70 = arith.constant 0 : i32
            %dma_start3A_71 = arith.constant 0 : i32
            %dma_start3A_72 = tpu.memref_slice %arg10[%dma_start3A_70, %dma_start3A_71] : memref<80x128xf32, #tpu.memory_space<vmem>> -> memref<80x128xf32, #tpu.memory_space<vmem>>
            tpu.enqueue_dma source(%dma_start3A_72 : memref<80x128xf32, #tpu.memory_space<vmem>>) target(%dma_start3A_69 : memref<80x128xf32, #tpu.memory_space<vmem_shared>>) target_semaphore(%run_scoped3A : memref<!tpu.dma_semaphore, #tpu.memory_space<semaphore_mem>>)
            %dma_wait3A = arith.constant 0 : i32
            %dma_wait3A_73 = arith.constant 0 : i32
            %dma_wait3A_74 = tpu.memref_slice %arg10[%dma_wait3A, %dma_wait3A_73] : memref<80x128xf32, #tpu.memory_space<vmem>> -> memref<80x128xf32, #tpu.memory_space<vmem>>
            %dma_wait3A_75 = arith.constant 0 : i32
            %dma_wait3A_76 = tpu.memref_slice %arg13[%multiple_of3A_62, %dma_wait3A_75] : memref<10016x128xf32, #tpu.memory_space<vmem_shared>> -> memref<80x128xf32, #tpu.memory_space<vmem_shared>>
            %dma_wait3A_77 = arith.constant 0 : i32
            %dma_wait3A_78 = tpu.memref_slice %arg13[%multiple_of3A_62, %dma_wait3A_77] : memref<10016x128xf32, #tpu.memory_space<vmem_shared>> -> memref<80x128xf32, #tpu.memory_space<vmem_shared>>
            %dma_wait3A_79 = arith.constant 0 : i32
            %dma_wait3A_80 = arith.constant 0 : i32
            %dma_wait3A_81 = tpu.memref_slice %arg10[%dma_wait3A_79, %dma_wait3A_80] : memref<80x128xf32, #tpu.memory_space<vmem>> -> memref<80x128xf32, #tpu.memory_space<vmem>>
            tpu.wait_dma2 semaphore(%run_scoped3A : memref<!tpu.dma_semaphore, #tpu.memory_space<semaphore_mem>>) src(%dma_wait3A_81 : memref<80x128xf32, #tpu.memory_space<vmem>>) dst(%dma_wait3A_78 : memref<80x128xf32, #tpu.memory_space<vmem_shared>>)
            tpu.yield
          }) : () -> ()
        }
        %scan3A_55 = arith.constant 5 : i32
      } else {
      }
    }
    %scan3A_13 = arith.constant 2 : i32
    %barrier3A = arith.constant 0 : index
    tpu.barrier barrier_id(%barrier3A)
    %multiple_of3A_14 = arith.constant 0 : i32
    %multiple_of3A_15 = tpu.assume_multiple %multiple_of3A_14, 16 : i32
    %dma_start3A = tpu.memref_slice %arg7[%multiple_of3A_15] : memref<10240xi32, #tpu.memory_space<vmem>> -> memref<80xi32, #tpu.memory_space<vmem>>
    %dma_start3A_16 = arith.constant 0 : i32
    %dma_start3A_17 = arith.constant 0 : i32
    %dma_start3A_18 = tpu.memref_slice %arg2[%dma_start3A_16, %dma_start3A_17] : memref<10000x128xf32, #tpu.memory_space<hbm>> -> memref<10000x128xf32, #tpu.memory_space<hbm>>
    tpu.enqueue_indirect_dma source(%dma_start3A_18 : memref<10000x128xf32, #tpu.memory_space<hbm>>) target(%arg10 : memref<80x128xf32, #tpu.memory_space<vmem>>) offsets(%dma_start3A : memref<80xi32, #tpu.memory_space<vmem>>) semaphore(%arg14 : memref<!tpu.dma_semaphore, #tpu.memory_space<semaphore_mem>>)
    %multiple_of3A_19 = arith.constant 80 : i32
    %multiple_of3A_20 = tpu.assume_multiple %multiple_of3A_19, 16 : i32
    %dma_start3A_21 = tpu.memref_slice %arg7[%multiple_of3A_20] : memref<10240xi32, #tpu.memory_space<vmem>> -> memref<80xi32, #tpu.memory_space<vmem>>
    %dma_start3A_22 = arith.constant 0 : i32
    %dma_start3A_23 = arith.constant 0 : i32
    %dma_start3A_24 = tpu.memref_slice %arg2[%dma_start3A_22, %dma_start3A_23] : memref<10000x128xf32, #tpu.memory_space<hbm>> -> memref<10000x128xf32, #tpu.memory_space<hbm>>
    tpu.enqueue_indirect_dma source(%dma_start3A_24 : memref<10000x128xf32, #tpu.memory_space<hbm>>) target(%arg11 : memref<80x128xf32, #tpu.memory_space<vmem>>) offsets(%dma_start3A_21 : memref<80xi32, #tpu.memory_space<vmem>>) semaphore(%arg15 : memref<!tpu.dma_semaphore, #tpu.memory_space<semaphore_mem>>)
    %multiple_of3A_25 = arith.constant 160 : i32
    %multiple_of3A_26 = tpu.assume_multiple %multiple_of3A_25, 16 : i32
    %dma_start3A_27 = tpu.memref_slice %arg7[%multiple_of3A_26] : memref<10240xi32, #tpu.memory_space<vmem>> -> memref<80xi32, #tpu.memory_space<vmem>>
    %dma_start3A_28 = arith.constant 0 : i32
    %dma_start3A_29 = arith.constant 0 : i32
    %dma_start3A_30 = tpu.memref_slice %arg2[%dma_start3A_28, %dma_start3A_29] : memref<10000x128xf32, #tpu.memory_space<hbm>> -> memref<10000x128xf32, #tpu.memory_space<hbm>>
    tpu.enqueue_indirect_dma source(%dma_start3A_30 : memref<10000x128xf32, #tpu.memory_space<hbm>>) target(%arg12 : memref<80x128xf32, #tpu.memory_space<vmem>>) offsets(%dma_start3A_27 : memref<80xi32, #tpu.memory_space<vmem>>) semaphore(%arg16 : memref<!tpu.dma_semaphore, #tpu.memory_space<semaphore_mem>>)
    %scan3A_31 = arith.constant 0 : i32
    %scan3A_32 = arith.constant 0 : i32
    %scan3A_33 = arith.constant 4 : i32
    %scan3A_34 = arith.addi %scan3A_32, %scan3A_33 : i32
    %scan3A_35 = arith.constant 1 : i32
    scf.for %scan3A_44 = %scan3A_32 to %scan3A_34 step %scan3A_35  : i32 {
      %lt3A = arith.constant 3 : i32
      %lt3A_45 = arith.cmpi slt, %scan3A_44, %lt3A : i32
      %add3A_46 = arith.constant 1 : i32
      %add3A_47 = arith.addi %scan3A_44, %add3A_46 : i32
      %rem3A = arith.constant 2 : i32
      %rem3A_48 = arith.remsi %add3A_47, %rem3A : i32
      %eq3A = arith.constant 0 : i32
      %eq3A_49 = arith.cmpi eq, %rem3A_48, %eq3A : i32
      %and3A = arith.andi %lt3A_45, %eq3A_49 : i1
      %convert_element_type3A = arith.extui %and3A : i1 to i32
      %cond3A = arith.constant 0 : i32
      %cond3A_50 = arith.cmpi ne, %convert_element_type3A, %cond3A : i32
      scf.if %cond3A_50 {
        %add3A_69 = arith.constant 1 : i32
        %add3A_70 = arith.addi %scan3A_44, %add3A_69 : i32
        %mul3A_71 = arith.constant 32 : i32
        %mul3A_72 = arith.muli %add3A_70, %mul3A_71 : i32
        %multiple_of3A_73 = tpu.assume_multiple %mul3A_72, 8 : i32
        "tpu.region"() ({
          %run_scoped3A = tpu.sem_alloc : memref<!tpu.dma_semaphore, #tpu.memory_space<semaphore_mem>>
          %dma_start3A_74 = arith.constant 0 : i32
          %dma_start3A_75 = tpu.memref_slice %arg4[%add3A, %multiple_of3A_73, %dma_start3A_74] : memref<32x128x80xi32, #tpu.memory_space<hbm>> -> memref<1x32x80xi32, #tpu.memory_space<hbm>>
          %dma_start3A_76 = tpu.memref_squeeze %dma_start3A_75 : memref<1x32x80xi32, #tpu.memory_space<hbm>> -> memref<32x80xi32, #tpu.memory_space<hbm>>
          %dma_start3A_77 = arith.constant 0 : i32
          %dma_start3A_78 = tpu.memref_slice %arg4[%add3A, %multiple_of3A_73, %dma_start3A_77] : memref<32x128x80xi32, #tpu.memory_space<hbm>> -> memref<1x32x80xi32, #tpu.memory_space<hbm>>
          %dma_start3A_79 = tpu.memref_squeeze %dma_start3A_78 : memref<1x32x80xi32, #tpu.memory_space<hbm>> -> memref<32x80xi32, #tpu.memory_space<hbm>>
          tpu.enqueue_dma source(%dma_start3A_79 : memref<32x80xi32, #tpu.memory_space<hbm>>) target(%arg8 : memref<32x80xi32, #tpu.memory_space<vmem>>) target_semaphore(%run_scoped3A : memref<!tpu.dma_semaphore, #tpu.memory_space<semaphore_mem>>)
          %dma_wait3A = arith.constant 0 : i32
          %dma_wait3A_80 = tpu.memref_slice %arg4[%add3A, %multiple_of3A_73, %dma_wait3A] : memref<32x128x80xi32, #tpu.memory_space<hbm>> -> memref<1x32x80xi32, #tpu.memory_space<hbm>>
          %dma_wait3A_81 = tpu.memref_squeeze %dma_wait3A_80 : memref<1x32x80xi32, #tpu.memory_space<hbm>> -> memref<32x80xi32, #tpu.memory_space<hbm>>
          %dma_wait3A_82 = arith.constant 0 : i32
          %dma_wait3A_83 = tpu.memref_slice %arg4[%add3A, %multiple_of3A_73, %dma_wait3A_82] : memref<32x128x80xi32, #tpu.memory_space<hbm>> -> memref<1x32x80xi32, #tpu.memory_space<hbm>>
          %dma_wait3A_84 = tpu.memref_squeeze %dma_wait3A_83 : memref<1x32x80xi32, #tpu.memory_space<hbm>> -> memref<32x80xi32, #tpu.memory_space<hbm>>
          tpu.wait_dma2 semaphore(%run_scoped3A : memref<!tpu.dma_semaphore, #tpu.memory_space<semaphore_mem>>) src(%dma_wait3A_84 : memref<32x80xi32, #tpu.memory_space<hbm>>) dst(%arg8 : memref<32x80xi32, #tpu.memory_space<vmem>>)
          tpu.yield
        }) : () -> ()
      } else {
      }
      %lt3A_51 = arith.constant 3 : i32
      %lt3A_52 = arith.cmpi slt, %scan3A_44, %lt3A_51 : i32
      %add3A_53 = arith.constant 1 : i32
      %add3A_54 = arith.addi %scan3A_44, %add3A_53 : i32
      %rem3A_55 = arith.constant 2 : i32
      %rem3A_56 = arith.remsi %add3A_54, %rem3A_55 : i32
      %eq3A_57 = arith.constant 1 : i32
      %eq3A_58 = arith.cmpi eq, %rem3A_56, %eq3A_57 : i32
      %and3A_59 = arith.andi %lt3A_52, %eq3A_58 : i1
      %convert_element_type3A_60 = arith.extui %and3A_59 : i1 to i32
      %cond3A_61 = arith.constant 0 : i32
      %cond3A_62 = arith.cmpi ne, %convert_element_type3A_60, %cond3A_61 : i32
      scf.if %cond3A_62 {
        %add3A_69 = arith.constant 1 : i32
        %add3A_70 = arith.addi %scan3A_44, %add3A_69 : i32
        %mul3A_71 = arith.constant 32 : i32
        %mul3A_72 = arith.muli %add3A_70, %mul3A_71 : i32
        %multiple_of3A_73 = tpu.assume_multiple %mul3A_72, 8 : i32
        "tpu.region"() ({
          %run_scoped3A = tpu.sem_alloc : memref<!tpu.dma_semaphore, #tpu.memory_space<semaphore_mem>>
          %dma_start3A_74 = arith.constant 0 : i32
          %dma_start3A_75 = tpu.memref_slice %arg4[%add3A, %multiple_of3A_73, %dma_start3A_74] : memref<32x128x80xi32, #tpu.memory_space<hbm>> -> memref<1x32x80xi32, #tpu.memory_space<hbm>>
          %dma_start3A_76 = tpu.memref_squeeze %dma_start3A_75 : memref<1x32x80xi32, #tpu.memory_space<hbm>> -> memref<32x80xi32, #tpu.memory_space<hbm>>
          %dma_start3A_77 = arith.constant 0 : i32
          %dma_start3A_78 = tpu.memref_slice %arg4[%add3A, %multiple_of3A_73, %dma_start3A_77] : memref<32x128x80xi32, #tpu.memory_space<hbm>> -> memref<1x32x80xi32, #tpu.memory_space<hbm>>
          %dma_start3A_79 = tpu.memref_squeeze %dma_start3A_78 : memref<1x32x80xi32, #tpu.memory_space<hbm>> -> memref<32x80xi32, #tpu.memory_space<hbm>>
          tpu.enqueue_dma source(%dma_start3A_79 : memref<32x80xi32, #tpu.memory_space<hbm>>) target(%arg9 : memref<32x80xi32, #tpu.memory_space<vmem>>) target_semaphore(%run_scoped3A : memref<!tpu.dma_semaphore, #tpu.memory_space<semaphore_mem>>)
          %dma_wait3A = arith.constant 0 : i32
          %dma_wait3A_80 = tpu.memref_slice %arg4[%add3A, %multiple_of3A_73, %dma_wait3A] : memref<32x128x80xi32, #tpu.memory_space<hbm>> -> memref<1x32x80xi32, #tpu.memory_space<hbm>>
          %dma_wait3A_81 = tpu.memref_squeeze %dma_wait3A_80 : memref<1x32x80xi32, #tpu.memory_space<hbm>> -> memref<32x80xi32, #tpu.memory_space<hbm>>
          %dma_wait3A_82 = arith.constant 0 : i32
          %dma_wait3A_83 = tpu.memref_slice %arg4[%add3A, %multiple_of3A_73, %dma_wait3A_82] : memref<32x128x80xi32, #tpu.memory_space<hbm>> -> memref<1x32x80xi32, #tpu.memory_space<hbm>>
          %dma_wait3A_84 = tpu.memref_squeeze %dma_wait3A_83 : memref<1x32x80xi32, #tpu.memory_space<hbm>> -> memref<32x80xi32, #tpu.memory_space<hbm>>
          tpu.wait_dma2 semaphore(%run_scoped3A : memref<!tpu.dma_semaphore, #tpu.memory_space<semaphore_mem>>) src(%dma_wait3A_84 : memref<32x80xi32, #tpu.memory_space<hbm>>) dst(%arg9 : memref<32x80xi32, #tpu.memory_space<vmem>>)
          tpu.yield
        }) : () -> ()
      } else {
      }
      %scan3A_63 = arith.constant 0 : i32
      %scan3A_64 = arith.constant 0 : i32
      %scan3A_65 = arith.constant 32 : i32
      %scan3A_66 = arith.addi %scan3A_64, %scan3A_65 : i32
      %scan3A_67 = arith.constant 1 : i32
      scf.for %scan3A_69 = %scan3A_64 to %scan3A_66 step %scan3A_67  : i32 {
        %mul3A_70 = arith.constant 32 : i32
        %mul3A_71 = arith.muli %scan3A_44, %mul3A_70 : i32
        %add3A_72 = arith.addi %mul3A_71, %scan3A_69 : i32
        %rem3A_73 = arith.constant 3 : i32
        %rem3A_74 = arith.remsi %add3A_72, %rem3A_73 : i32
        %eq3A_75 = arith.constant 0 : i32
        %eq3A_76 = arith.cmpi eq, %rem3A_74, %eq3A_75 : i32
        %convert_element_type3A_77 = arith.extui %eq3A_76 : i1 to i32
        %cond3A_78 = arith.constant 0 : i32
        %cond3A_79 = arith.cmpi ne, %convert_element_type3A_77, %cond3A_78 : i32
        scf.if %cond3A_79 {
          %dma_wait3A = arith.constant 0 : i32
          %dma_wait3A_90 = arith.constant 0 : i32
          %dma_wait3A_91 = tpu.memref_slice %arg2[%dma_wait3A, %dma_wait3A_90] : memref<10000x128xf32, #tpu.memory_space<hbm>> -> memref<80x128xf32, #tpu.memory_space<hbm>>
          %dma_wait3A_92 = arith.constant 0 : i32
          %dma_wait3A_93 = arith.constant 0 : i32
          %dma_wait3A_94 = tpu.memref_slice %arg2[%dma_wait3A_92, %dma_wait3A_93] : memref<10000x128xf32, #tpu.memory_space<hbm>> -> memref<80x128xf32, #tpu.memory_space<hbm>>
          tpu.wait_dma2 semaphore(%arg14 : memref<!tpu.dma_semaphore, #tpu.memory_space<semaphore_mem>>) src(%dma_wait3A_94 : memref<80x128xf32, #tpu.memory_space<hbm>>) dst(%arg10 : memref<80x128xf32, #tpu.memory_space<vmem>>)
          %rem3A_95 = arith.constant 2 : i32
          %rem3A_96 = arith.remsi %scan3A_44, %rem3A_95 : i32
          %eq3A_97 = arith.constant 0 : i32
          %eq3A_98 = arith.cmpi eq, %rem3A_96, %eq3A_97 : i32
          %convert_element_type3A_99 = arith.extui %eq3A_98 : i1 to i32
          %cond3A_100 = arith.constant 0 : i32
          %cond3A_101 = arith.cmpi ne, %convert_element_type3A_99, %cond3A_100 : i32
          scf.if %cond3A_101 {
            "tpu.region"() ({
              %run_scoped3A = tpu.sem_alloc : memref<!tpu.dma_semaphore, #tpu.memory_space<semaphore_mem>>
              %dma_start3A_116 = arith.constant 0 : i32
              %dma_start3A_117 = tpu.memref_slice %arg8[%scan3A_69, %dma_start3A_116] : memref<32x80xi32, #tpu.memory_space<vmem>> -> memref<1x80xi32, #tpu.memory_space<vmem>>
              %dma_start3A_118 = tpu.memref_squeeze %dma_start3A_117 : memref<1x80xi32, #tpu.memory_space<vmem>> -> memref<80xi32, #tpu.memory_space<vmem>>
              %dma_start3A_119 = arith.constant 0 : i32
              %dma_start3A_120 = arith.constant 0 : i32
              %dma_start3A_121 = tpu.memref_slice %arg13[%dma_start3A_119, %dma_start3A_120] : memref<10016x128xf32, #tpu.memory_space<vmem_shared>> -> memref<10016x128xf32, #tpu.memory_space<vmem_shared>>
              tpu.enqueue_indirect_dma source(%arg10 : memref<80x128xf32, #tpu.memory_space<vmem>>) target(%dma_start3A_121 : memref<10016x128xf32, #tpu.memory_space<vmem_shared>>) offsets(%dma_start3A_118 : memref<80xi32, #tpu.memory_space<vmem>>) semaphore(%run_scoped3A : memref<!tpu.dma_semaphore, #tpu.memory_space<semaphore_mem>>) {add = true}
              %dma_wait3A_122 = arith.constant 0 : i32
              %dma_wait3A_123 = tpu.memref_slice %arg8[%scan3A_69, %dma_wait3A_122] : memref<32x80xi32, #tpu.memory_space<vmem>> -> memref<1x80xi32, #tpu.memory_space<vmem>>
              %dma_wait3A_124 = tpu.memref_squeeze %dma_wait3A_123 : memref<1x80xi32, #tpu.memory_space<vmem>> -> memref<80xi32, #tpu.memory_space<vmem>>
              %dma_wait3A_125 = arith.constant 0 : i32
              %dma_wait3A_126 = arith.constant 0 : i32
              %dma_wait3A_127 = tpu.memref_slice %arg13[%dma_wait3A_125, %dma_wait3A_126] : memref<10016x128xf32, #tpu.memory_space<vmem_shared>> -> memref<10016x128xf32, #tpu.memory_space<vmem_shared>>
              tpu.wait_indirect_dma semaphore(%run_scoped3A : memref<!tpu.dma_semaphore, #tpu.memory_space<semaphore_mem>>) src(%arg10 : memref<80x128xf32, #tpu.memory_space<vmem>>) dst(%dma_wait3A_127 : memref<10016x128xf32, #tpu.memory_space<vmem_shared>>)
              tpu.yield
            }) : () -> ()
          } else {
          }
          %rem3A_102 = arith.constant 2 : i32
          %rem3A_103 = arith.remsi %scan3A_44, %rem3A_102 : i32
          %eq3A_104 = arith.constant 1 : i32
          %eq3A_105 = arith.cmpi eq, %rem3A_103, %eq3A_104 : i32
          %convert_element_type3A_106 = arith.extui %eq3A_105 : i1 to i32
          %cond3A_107 = arith.constant 0 : i32
          %cond3A_108 = arith.cmpi ne, %convert_element_type3A_106, %cond3A_107 : i32
          scf.if %cond3A_108 {
            "tpu.region"() ({
              %run_scoped3A = tpu.sem_alloc : memref<!tpu.dma_semaphore, #tpu.memory_space<semaphore_mem>>
              %dma_start3A_116 = arith.constant 0 : i32
              %dma_start3A_117 = tpu.memref_slice %arg9[%scan3A_69, %dma_start3A_116] : memref<32x80xi32, #tpu.memory_space<vmem>> -> memref<1x80xi32, #tpu.memory_space<vmem>>
              %dma_start3A_118 = tpu.memref_squeeze %dma_start3A_117 : memref<1x80xi32, #tpu.memory_space<vmem>> -> memref<80xi32, #tpu.memory_space<vmem>>
              %dma_start3A_119 = arith.constant 0 : i32
              %dma_start3A_120 = arith.constant 0 : i32
              %dma_start3A_121 = tpu.memref_slice %arg13[%dma_start3A_119, %dma_start3A_120] : memref<10016x128xf32, #tpu.memory_space<vmem_shared>> -> memref<10016x128xf32, #tpu.memory_space<vmem_shared>>
              tpu.enqueue_indirect_dma source(%arg10 : memref<80x128xf32, #tpu.memory_space<vmem>>) target(%dma_start3A_121 : memref<10016x128xf32, #tpu.memory_space<vmem_shared>>) offsets(%dma_start3A_118 : memref<80xi32, #tpu.memory_space<vmem>>) semaphore(%run_scoped3A : memref<!tpu.dma_semaphore, #tpu.memory_space<semaphore_mem>>) {add = true}
              %dma_wait3A_122 = arith.constant 0 : i32
              %dma_wait3A_123 = tpu.memref_slice %arg9[%scan3A_69, %dma_wait3A_122] : memref<32x80xi32, #tpu.memory_space<vmem>> -> memref<1x80xi32, #tpu.memory_space<vmem>>
              %dma_wait3A_124 = tpu.memref_squeeze %dma_wait3A_123 : memref<1x80xi32, #tpu.memory_space<vmem>> -> memref<80xi32, #tpu.memory_space<vmem>>
              %dma_wait3A_125 = arith.constant 0 : i32
              %dma_wait3A_126 = arith.constant 0 : i32
              %dma_wait3A_127 = tpu.memref_slice %arg13[%dma_wait3A_125, %dma_wait3A_126] : memref<10016x128xf32, #tpu.memory_space<vmem_shared>> -> memref<10016x128xf32, #tpu.memory_space<vmem_shared>>
              tpu.wait_indirect_dma semaphore(%run_scoped3A : memref<!tpu.dma_semaphore, #tpu.memory_space<semaphore_mem>>) src(%arg10 : memref<80x128xf32, #tpu.memory_space<vmem>>) dst(%dma_wait3A_127 : memref<10016x128xf32, #tpu.memory_space<vmem_shared>>)
              tpu.yield
            }) : () -> ()
          } else {
          }
          %add3A_109 = arith.constant 3 : i32
          %add3A_110 = arith.addi %add3A_72, %add3A_109 : i32
          %lt3A_111 = arith.constant 128 : i32
          %lt3A_112 = arith.cmpi slt, %add3A_110, %lt3A_111 : i32
          %convert_element_type3A_113 = arith.extui %lt3A_112 : i1 to i32
          %cond3A_114 = arith.constant 0 : i32
          %cond3A_115 = arith.cmpi ne, %convert_element_type3A_113, %cond3A_114 : i32
          scf.if %cond3A_115 {
            %add3A_116 = arith.constant 3 : i32
            %add3A_117 = arith.addi %add3A_72, %add3A_116 : i32
            %mul3A_118 = arith.constant 80 : i32
            %mul3A_119 = arith.muli %add3A_117, %mul3A_118 : i32
            %multiple_of3A_120 = tpu.assume_multiple %mul3A_119, 16 : i32
            %dma_start3A_121 = tpu.memref_slice %arg7[%multiple_of3A_120] : memref<10240xi32, #tpu.memory_space<vmem>> -> memref<80xi32, #tpu.memory_space<vmem>>
            %dma_start3A_122 = arith.constant 0 : i32
            %dma_start3A_123 = arith.constant 0 : i32
            %dma_start3A_124 = tpu.memref_slice %arg2[%dma_start3A_122, %dma_start3A_123] : memref<10000x128xf32, #tpu.memory_space<hbm>> -> memref<10000x128xf32, #tpu.memory_space<hbm>>
            tpu.enqueue_indirect_dma source(%dma_start3A_124 : memref<10000x128xf32, #tpu.memory_space<hbm>>) target(%arg10 : memref<80x128xf32, #tpu.memory_space<vmem>>) offsets(%dma_start3A_121 : memref<80xi32, #tpu.memory_space<vmem>>) semaphore(%arg14 : memref<!tpu.dma_semaphore, #tpu.memory_space<semaphore_mem>>)
          } else {
          }
        } else {
        }
        %eq3A_80 = arith.constant 1 : i32
        %eq3A_81 = arith.cmpi eq, %rem3A_74, %eq3A_80 : i32
        %convert_element_type3A_82 = arith.extui %eq3A_81 : i1 to i32
        %cond3A_83 = arith.constant 0 : i32
        %cond3A_84 = arith.cmpi ne, %convert_element_type3A_82, %cond3A_83 : i32
        scf.if %cond3A_84 {
          %dma_wait3A = arith.constant 0 : i32
          %dma_wait3A_90 = arith.constant 0 : i32
          %dma_wait3A_91 = tpu.memref_slice %arg2[%dma_wait3A, %dma_wait3A_90] : memref<10000x128xf32, #tpu.memory_space<hbm>> -> memref<80x128xf32, #tpu.memory_space<hbm>>
          %dma_wait3A_92 = arith.constant 0 : i32
          %dma_wait3A_93 = arith.constant 0 : i32
          %dma_wait3A_94 = tpu.memref_slice %arg2[%dma_wait3A_92, %dma_wait3A_93] : memref<10000x128xf32, #tpu.memory_space<hbm>> -> memref<80x128xf32, #tpu.memory_space<hbm>>
          tpu.wait_dma2 semaphore(%arg15 : memref<!tpu.dma_semaphore, #tpu.memory_space<semaphore_mem>>) src(%dma_wait3A_94 : memref<80x128xf32, #tpu.memory_space<hbm>>) dst(%arg11 : memref<80x128xf32, #tpu.memory_space<vmem>>)
          %rem3A_95 = arith.constant 2 : i32
          %rem3A_96 = arith.remsi %scan3A_44, %rem3A_95 : i32
          %eq3A_97 = arith.constant 0 : i32
          %eq3A_98 = arith.cmpi eq, %rem3A_96, %eq3A_97 : i32
          %convert_element_type3A_99 = arith.extui %eq3A_98 : i1 to i32
          %cond3A_100 = arith.constant 0 : i32
          %cond3A_101 = arith.cmpi ne, %convert_element_type3A_99, %cond3A_100 : i32
          scf.if %cond3A_101 {
            "tpu.region"() ({
              %run_scoped3A = tpu.sem_alloc : memref<!tpu.dma_semaphore, #tpu.memory_space<semaphore_mem>>
              %dma_start3A_116 = arith.constant 0 : i32
              %dma_start3A_117 = tpu.memref_slice %arg8[%scan3A_69, %dma_start3A_116] : memref<32x80xi32, #tpu.memory_space<vmem>> -> memref<1x80xi32, #tpu.memory_space<vmem>>
              %dma_start3A_118 = tpu.memref_squeeze %dma_start3A_117 : memref<1x80xi32, #tpu.memory_space<vmem>> -> memref<80xi32, #tpu.memory_space<vmem>>
              %dma_start3A_119 = arith.constant 0 : i32
              %dma_start3A_120 = arith.constant 0 : i32
              %dma_start3A_121 = tpu.memref_slice %arg13[%dma_start3A_119, %dma_start3A_120] : memref<10016x128xf32, #tpu.memory_space<vmem_shared>> -> memref<10016x128xf32, #tpu.memory_space<vmem_shared>>
              tpu.enqueue_indirect_dma source(%arg11 : memref<80x128xf32, #tpu.memory_space<vmem>>) target(%dma_start3A_121 : memref<10016x128xf32, #tpu.memory_space<vmem_shared>>) offsets(%dma_start3A_118 : memref<80xi32, #tpu.memory_space<vmem>>) semaphore(%run_scoped3A : memref<!tpu.dma_semaphore, #tpu.memory_space<semaphore_mem>>) {add = true}
              %dma_wait3A_122 = arith.constant 0 : i32
              %dma_wait3A_123 = tpu.memref_slice %arg8[%scan3A_69, %dma_wait3A_122] : memref<32x80xi32, #tpu.memory_space<vmem>> -> memref<1x80xi32, #tpu.memory_space<vmem>>
              %dma_wait3A_124 = tpu.memref_squeeze %dma_wait3A_123 : memref<1x80xi32, #tpu.memory_space<vmem>> -> memref<80xi32, #tpu.memory_space<vmem>>
              %dma_wait3A_125 = arith.constant 0 : i32
              %dma_wait3A_126 = arith.constant 0 : i32
              %dma_wait3A_127 = tpu.memref_slice %arg13[%dma_wait3A_125, %dma_wait3A_126] : memref<10016x128xf32, #tpu.memory_space<vmem_shared>> -> memref<10016x128xf32, #tpu.memory_space<vmem_shared>>
              tpu.wait_indirect_dma semaphore(%run_scoped3A : memref<!tpu.dma_semaphore, #tpu.memory_space<semaphore_mem>>) src(%arg11 : memref<80x128xf32, #tpu.memory_space<vmem>>) dst(%dma_wait3A_127 : memref<10016x128xf32, #tpu.memory_space<vmem_shared>>)
              tpu.yield
            }) : () -> ()
          } else {
          }
          %rem3A_102 = arith.constant 2 : i32
          %rem3A_103 = arith.remsi %scan3A_44, %rem3A_102 : i32
          %eq3A_104 = arith.constant 1 : i32
          %eq3A_105 = arith.cmpi eq, %rem3A_103, %eq3A_104 : i32
          %convert_element_type3A_106 = arith.extui %eq3A_105 : i1 to i32
          %cond3A_107 = arith.constant 0 : i32
          %cond3A_108 = arith.cmpi ne, %convert_element_type3A_106, %cond3A_107 : i32
          scf.if %cond3A_108 {
            "tpu.region"() ({
              %run_scoped3A = tpu.sem_alloc : memref<!tpu.dma_semaphore, #tpu.memory_space<semaphore_mem>>
              %dma_start3A_116 = arith.constant 0 : i32
              %dma_start3A_117 = tpu.memref_slice %arg9[%scan3A_69, %dma_start3A_116] : memref<32x80xi32, #tpu.memory_space<vmem>> -> memref<1x80xi32, #tpu.memory_space<vmem>>
              %dma_start3A_118 = tpu.memref_squeeze %dma_start3A_117 : memref<1x80xi32, #tpu.memory_space<vmem>> -> memref<80xi32, #tpu.memory_space<vmem>>
              %dma_start3A_119 = arith.constant 0 : i32
              %dma_start3A_120 = arith.constant 0 : i32
              %dma_start3A_121 = tpu.memref_slice %arg13[%dma_start3A_119, %dma_start3A_120] : memref<10016x128xf32, #tpu.memory_space<vmem_shared>> -> memref<10016x128xf32, #tpu.memory_space<vmem_shared>>
              tpu.enqueue_indirect_dma source(%arg11 : memref<80x128xf32, #tpu.memory_space<vmem>>) target(%dma_start3A_121 : memref<10016x128xf32, #tpu.memory_space<vmem_shared>>) offsets(%dma_start3A_118 : memref<80xi32, #tpu.memory_space<vmem>>) semaphore(%run_scoped3A : memref<!tpu.dma_semaphore, #tpu.memory_space<semaphore_mem>>) {add = true}
              %dma_wait3A_122 = arith.constant 0 : i32
              %dma_wait3A_123 = tpu.memref_slice %arg9[%scan3A_69, %dma_wait3A_122] : memref<32x80xi32, #tpu.memory_space<vmem>> -> memref<1x80xi32, #tpu.memory_space<vmem>>
              %dma_wait3A_124 = tpu.memref_squeeze %dma_wait3A_123 : memref<1x80xi32, #tpu.memory_space<vmem>> -> memref<80xi32, #tpu.memory_space<vmem>>
              %dma_wait3A_125 = arith.constant 0 : i32
              %dma_wait3A_126 = arith.constant 0 : i32
              %dma_wait3A_127 = tpu.memref_slice %arg13[%dma_wait3A_125, %dma_wait3A_126] : memref<10016x128xf32, #tpu.memory_space<vmem_shared>> -> memref<10016x128xf32, #tpu.memory_space<vmem_shared>>
              tpu.wait_indirect_dma semaphore(%run_scoped3A : memref<!tpu.dma_semaphore, #tpu.memory_space<semaphore_mem>>) src(%arg11 : memref<80x128xf32, #tpu.memory_space<vmem>>) dst(%dma_wait3A_127 : memref<10016x128xf32, #tpu.memory_space<vmem_shared>>)
              tpu.yield
            }) : () -> ()
          } else {
          }
          %add3A_109 = arith.constant 3 : i32
          %add3A_110 = arith.addi %add3A_72, %add3A_109 : i32
          %lt3A_111 = arith.constant 128 : i32
          %lt3A_112 = arith.cmpi slt, %add3A_110, %lt3A_111 : i32
          %convert_element_type3A_113 = arith.extui %lt3A_112 : i1 to i32
          %cond3A_114 = arith.constant 0 : i32
          %cond3A_115 = arith.cmpi ne, %convert_element_type3A_113, %cond3A_114 : i32
          scf.if %cond3A_115 {
            %add3A_116 = arith.constant 3 : i32
            %add3A_117 = arith.addi %add3A_72, %add3A_116 : i32
            %mul3A_118 = arith.constant 80 : i32
            %mul3A_119 = arith.muli %add3A_117, %mul3A_118 : i32
            %multiple_of3A_120 = tpu.assume_multiple %mul3A_119, 16 : i32
            %dma_start3A_121 = tpu.memref_slice %arg7[%multiple_of3A_120] : memref<10240xi32, #tpu.memory_space<vmem>> -> memref<80xi32, #tpu.memory_space<vmem>>
            %dma_start3A_122 = arith.constant 0 : i32
            %dma_start3A_123 = arith.constant 0 : i32
            %dma_start3A_124 = tpu.memref_slice %arg2[%dma_start3A_122, %dma_start3A_123] : memref<10000x128xf32, #tpu.memory_space<hbm>> -> memref<10000x128xf32, #tpu.memory_space<hbm>>
            tpu.enqueue_indirect_dma source(%dma_start3A_124 : memref<10000x128xf32, #tpu.memory_space<hbm>>) target(%arg11 : memref<80x128xf32, #tpu.memory_space<vmem>>) offsets(%dma_start3A_121 : memref<80xi32, #tpu.memory_space<vmem>>) semaphore(%arg15 : memref<!tpu.dma_semaphore, #tpu.memory_space<semaphore_mem>>)
          } else {
          }
        } else {
        }
        %eq3A_85 = arith.constant 2 : i32
        %eq3A_86 = arith.cmpi eq, %rem3A_74, %eq3A_85 : i32
        %convert_element_type3A_87 = arith.extui %eq3A_86 : i1 to i32
        %cond3A_88 = arith.constant 0 : i32
        %cond3A_89 = arith.cmpi ne, %convert_element_type3A_87, %cond3A_88 : i32
        scf.if %cond3A_89 {
          %dma_wait3A = arith.constant 0 : i32
          %dma_wait3A_90 = arith.constant 0 : i32
          %dma_wait3A_91 = tpu.memref_slice %arg2[%dma_wait3A, %dma_wait3A_90] : memref<10000x128xf32, #tpu.memory_space<hbm>> -> memref<80x128xf32, #tpu.memory_space<hbm>>
          %dma_wait3A_92 = arith.constant 0 : i32
          %dma_wait3A_93 = arith.constant 0 : i32
          %dma_wait3A_94 = tpu.memref_slice %arg2[%dma_wait3A_92, %dma_wait3A_93] : memref<10000x128xf32, #tpu.memory_space<hbm>> -> memref<80x128xf32, #tpu.memory_space<hbm>>
          tpu.wait_dma2 semaphore(%arg16 : memref<!tpu.dma_semaphore, #tpu.memory_space<semaphore_mem>>) src(%dma_wait3A_94 : memref<80x128xf32, #tpu.memory_space<hbm>>) dst(%arg12 : memref<80x128xf32, #tpu.memory_space<vmem>>)
          %rem3A_95 = arith.constant 2 : i32
          %rem3A_96 = arith.remsi %scan3A_44, %rem3A_95 : i32
          %eq3A_97 = arith.constant 0 : i32
          %eq3A_98 = arith.cmpi eq, %rem3A_96, %eq3A_97 : i32
          %convert_element_type3A_99 = arith.extui %eq3A_98 : i1 to i32
          %cond3A_100 = arith.constant 0 : i32
          %cond3A_101 = arith.cmpi ne, %convert_element_type3A_99, %cond3A_100 : i32
          scf.if %cond3A_101 {
            "tpu.region"() ({
              %run_scoped3A = tpu.sem_alloc : memref<!tpu.dma_semaphore, #tpu.memory_space<semaphore_mem>>
              %dma_start3A_116 = arith.constant 0 : i32
              %dma_start3A_117 = tpu.memref_slice %arg8[%scan3A_69, %dma_start3A_116] : memref<32x80xi32, #tpu.memory_space<vmem>> -> memref<1x80xi32, #tpu.memory_space<vmem>>
              %dma_start3A_118 = tpu.memref_squeeze %dma_start3A_117 : memref<1x80xi32, #tpu.memory_space<vmem>> -> memref<80xi32, #tpu.memory_space<vmem>>
              %dma_start3A_119 = arith.constant 0 : i32
              %dma_start3A_120 = arith.constant 0 : i32
              %dma_start3A_121 = tpu.memref_slice %arg13[%dma_start3A_119, %dma_start3A_120] : memref<10016x128xf32, #tpu.memory_space<vmem_shared>> -> memref<10016x128xf32, #tpu.memory_space<vmem_shared>>
              tpu.enqueue_indirect_dma source(%arg12 : memref<80x128xf32, #tpu.memory_space<vmem>>) target(%dma_start3A_121 : memref<10016x128xf32, #tpu.memory_space<vmem_shared>>) offsets(%dma_start3A_118 : memref<80xi32, #tpu.memory_space<vmem>>) semaphore(%run_scoped3A : memref<!tpu.dma_semaphore, #tpu.memory_space<semaphore_mem>>) {add = true}
              %dma_wait3A_122 = arith.constant 0 : i32
              %dma_wait3A_123 = tpu.memref_slice %arg8[%scan3A_69, %dma_wait3A_122] : memref<32x80xi32, #tpu.memory_space<vmem>> -> memref<1x80xi32, #tpu.memory_space<vmem>>
              %dma_wait3A_124 = tpu.memref_squeeze %dma_wait3A_123 : memref<1x80xi32, #tpu.memory_space<vmem>> -> memref<80xi32, #tpu.memory_space<vmem>>
              %dma_wait3A_125 = arith.constant 0 : i32
              %dma_wait3A_126 = arith.constant 0 : i32
              %dma_wait3A_127 = tpu.memref_slice %arg13[%dma_wait3A_125, %dma_wait3A_126] : memref<10016x128xf32, #tpu.memory_space<vmem_shared>> -> memref<10016x128xf32, #tpu.memory_space<vmem_shared>>
              tpu.wait_indirect_dma semaphore(%run_scoped3A : memref<!tpu.dma_semaphore, #tpu.memory_space<semaphore_mem>>) src(%arg12 : memref<80x128xf32, #tpu.memory_space<vmem>>) dst(%dma_wait3A_127 : memref<10016x128xf32, #tpu.memory_space<vmem_shared>>)
              tpu.yield
            }) : () -> ()
          } else {
          }
          %rem3A_102 = arith.constant 2 : i32
          %rem3A_103 = arith.remsi %scan3A_44, %rem3A_102 : i32
          %eq3A_104 = arith.constant 1 : i32
          %eq3A_105 = arith.cmpi eq, %rem3A_103, %eq3A_104 : i32
          %convert_element_type3A_106 = arith.extui %eq3A_105 : i1 to i32
          %cond3A_107 = arith.constant 0 : i32
          %cond3A_108 = arith.cmpi ne, %convert_element_type3A_106, %cond3A_107 : i32
          scf.if %cond3A_108 {
            "tpu.region"() ({
              %run_scoped3A = tpu.sem_alloc : memref<!tpu.dma_semaphore, #tpu.memory_space<semaphore_mem>>
              %dma_start3A_116 = arith.constant 0 : i32
              %dma_start3A_117 = tpu.memref_slice %arg9[%scan3A_69, %dma_start3A_116] : memref<32x80xi32, #tpu.memory_space<vmem>> -> memref<1x80xi32, #tpu.memory_space<vmem>>
              %dma_start3A_118 = tpu.memref_squeeze %dma_start3A_117 : memref<1x80xi32, #tpu.memory_space<vmem>> -> memref<80xi32, #tpu.memory_space<vmem>>
              %dma_start3A_119 = arith.constant 0 : i32
              %dma_start3A_120 = arith.constant 0 : i32
              %dma_start3A_121 = tpu.memref_slice %arg13[%dma_start3A_119, %dma_start3A_120] : memref<10016x128xf32, #tpu.memory_space<vmem_shared>> -> memref<10016x128xf32, #tpu.memory_space<vmem_shared>>
              tpu.enqueue_indirect_dma source(%arg12 : memref<80x128xf32, #tpu.memory_space<vmem>>) target(%dma_start3A_121 : memref<10016x128xf32, #tpu.memory_space<vmem_shared>>) offsets(%dma_start3A_118 : memref<80xi32, #tpu.memory_space<vmem>>) semaphore(%run_scoped3A : memref<!tpu.dma_semaphore, #tpu.memory_space<semaphore_mem>>) {add = true}
              %dma_wait3A_122 = arith.constant 0 : i32
              %dma_wait3A_123 = tpu.memref_slice %arg9[%scan3A_69, %dma_wait3A_122] : memref<32x80xi32, #tpu.memory_space<vmem>> -> memref<1x80xi32, #tpu.memory_space<vmem>>
              %dma_wait3A_124 = tpu.memref_squeeze %dma_wait3A_123 : memref<1x80xi32, #tpu.memory_space<vmem>> -> memref<80xi32, #tpu.memory_space<vmem>>
              %dma_wait3A_125 = arith.constant 0 : i32
              %dma_wait3A_126 = arith.constant 0 : i32
              %dma_wait3A_127 = tpu.memref_slice %arg13[%dma_wait3A_125, %dma_wait3A_126] : memref<10016x128xf32, #tpu.memory_space<vmem_shared>> -> memref<10016x128xf32, #tpu.memory_space<vmem_shared>>
              tpu.wait_indirect_dma semaphore(%run_scoped3A : memref<!tpu.dma_semaphore, #tpu.memory_space<semaphore_mem>>) src(%arg12 : memref<80x128xf32, #tpu.memory_space<vmem>>) dst(%dma_wait3A_127 : memref<10016x128xf32, #tpu.memory_space<vmem_shared>>)
              tpu.yield
            }) : () -> ()
          } else {
          }
          %add3A_109 = arith.constant 3 : i32
          %add3A_110 = arith.addi %add3A_72, %add3A_109 : i32
          %lt3A_111 = arith.constant 128 : i32
          %lt3A_112 = arith.cmpi slt, %add3A_110, %lt3A_111 : i32
          %convert_element_type3A_113 = arith.extui %lt3A_112 : i1 to i32
          %cond3A_114 = arith.constant 0 : i32
          %cond3A_115 = arith.cmpi ne, %convert_element_type3A_113, %cond3A_114 : i32
          scf.if %cond3A_115 {
            %add3A_116 = arith.constant 3 : i32
            %add3A_117 = arith.addi %add3A_72, %add3A_116 : i32
            %mul3A_118 = arith.constant 80 : i32
            %mul3A_119 = arith.muli %add3A_117, %mul3A_118 : i32
            %multiple_of3A_120 = tpu.assume_multiple %mul3A_119, 16 : i32
            %dma_start3A_121 = tpu.memref_slice %arg7[%multiple_of3A_120] : memref<10240xi32, #tpu.memory_space<vmem>> -> memref<80xi32, #tpu.memory_space<vmem>>
            %dma_start3A_122 = arith.constant 0 : i32
            %dma_start3A_123 = arith.constant 0 : i32
            %dma_start3A_124 = tpu.memref_slice %arg2[%dma_start3A_122, %dma_start3A_123] : memref<10000x128xf32, #tpu.memory_space<hbm>> -> memref<10000x128xf32, #tpu.memory_space<hbm>>
            tpu.enqueue_indirect_dma source(%dma_start3A_124 : memref<10000x128xf32, #tpu.memory_space<hbm>>) target(%arg12 : memref<80x128xf32, #tpu.memory_space<vmem>>) offsets(%dma_start3A_121 : memref<80xi32, #tpu.memory_space<vmem>>) semaphore(%arg16 : memref<!tpu.dma_semaphore, #tpu.memory_space<semaphore_mem>>)
          } else {
          }
        } else {
        }
      }
      %scan3A_68 = arith.constant 32 : i32
    }
    %scan3A_36 = arith.constant 4 : i32
    %barrier3A_37 = arith.constant 0 : index
    tpu.barrier barrier_id(%barrier3A_37)
    %scan3A_38 = arith.constant 0 : i32
    %scan3A_39 = arith.constant 0 : i32
    %scan3A_40 = arith.constant 2 : i32
    %scan3A_41 = arith.addi %scan3A_39, %scan3A_40 : i32
    %scan3A_42 = arith.constant 1 : i32
    scf.for %scan3A_44 = %scan3A_39 to %scan3A_41 step %scan3A_42  : i32 {
      %mul3A_45 = arith.constant 16 : i32
      %mul3A_46 = arith.muli %mul3A_45, %scan3A_44 : i32
      %add3A_47 = arith.addi %arg1, %mul3A_46 : i32
      %lt3A = arith.constant 25 : i32
      %lt3A_48 = arith.cmpi slt, %add3A_47, %lt3A : i32
      %convert_element_type3A = arith.extui %lt3A_48 : i1 to i32
      %cond3A = arith.constant 0 : i32
      %cond3A_49 = arith.cmpi ne, %convert_element_type3A, %cond3A : i32
      scf.if %cond3A_49 {
        %mul3A_50 = arith.constant 400 : i32
        %mul3A_51 = arith.muli %add3A_47, %mul3A_50 : i32
        %multiple_of3A_52 = tpu.assume_multiple %mul3A_51, 8 : i32
        %eq3A = arith.constant 0 : i32
        %eq3A_53 = arith.cmpi eq, %arg0, %eq3A : i32
        %convert_element_type3A_54 = arith.extui %eq3A_53 : i1 to i32
        %cond3A_55 = arith.constant 0 : i32
        %cond3A_56 = arith.cmpi ne, %convert_element_type3A_54, %cond3A_55 : i32
        scf.if %cond3A_56 {
          "tpu.region"() ({
            %run_scoped3A = tpu.sem_alloc : memref<!tpu.dma_semaphore, #tpu.memory_space<semaphore_mem>>
            %dma_start3A_62 = arith.constant 0 : i32
            %dma_start3A_63 = tpu.memref_slice %arg5[%multiple_of3A_52, %dma_start3A_62] : memref<10000x128xf32, #tpu.memory_space<hbm>> -> memref<400x128xf32, #tpu.memory_space<hbm>>
            %dma_start3A_64 = arith.constant 0 : i32
            %dma_start3A_65 = tpu.memref_slice %arg13[%multiple_of3A_52, %dma_start3A_64] : memref<10016x128xf32, #tpu.memory_space<vmem_shared>> -> memref<400x128xf32, #tpu.memory_space<vmem_shared>>
            tpu.enqueue_dma source(%dma_start3A_65 : memref<400x128xf32, #tpu.memory_space<vmem_shared>>) target(%dma_start3A_63 : memref<400x128xf32, #tpu.memory_space<hbm>>) target_semaphore(%run_scoped3A : memref<!tpu.dma_semaphore, #tpu.memory_space<semaphore_mem>>)
            %dma_wait3A = arith.constant 0 : i32
            %dma_wait3A_66 = tpu.memref_slice %arg5[%multiple_of3A_52, %dma_wait3A] : memref<10000x128xf32, #tpu.memory_space<hbm>> -> memref<400x128xf32, #tpu.memory_space<hbm>>
            %dma_wait3A_67 = arith.constant 0 : i32
            %dma_wait3A_68 = tpu.memref_slice %arg13[%multiple_of3A_52, %dma_wait3A_67] : memref<10016x128xf32, #tpu.memory_space<vmem_shared>> -> memref<400x128xf32, #tpu.memory_space<vmem_shared>>
            tpu.wait_dma2 semaphore(%run_scoped3A : memref<!tpu.dma_semaphore, #tpu.memory_space<semaphore_mem>>) src(%dma_wait3A_68 : memref<400x128xf32, #tpu.memory_space<vmem_shared>>) dst(%dma_wait3A_66 : memref<400x128xf32, #tpu.memory_space<hbm>>)
            tpu.yield
          }) : () -> ()
        } else {
        }
        %eq3A_57 = arith.constant 1 : i32
        %eq3A_58 = arith.cmpi eq, %arg0, %eq3A_57 : i32
        %convert_element_type3A_59 = arith.extui %eq3A_58 : i1 to i32
        %cond3A_60 = arith.constant 0 : i32
        %cond3A_61 = arith.cmpi ne, %convert_element_type3A_59, %cond3A_60 : i32
        scf.if %cond3A_61 {
          "tpu.region"() ({
            %run_scoped3A = tpu.sem_alloc : memref<!tpu.dma_semaphore, #tpu.memory_space<semaphore_mem>>
            %dma_start3A_62 = arith.constant 0 : i32
            %dma_start3A_63 = tpu.memref_slice %arg6[%multiple_of3A_52, %dma_start3A_62] : memref<10000x128xf32, #tpu.memory_space<hbm>> -> memref<400x128xf32, #tpu.memory_space<hbm>>
            %dma_start3A_64 = arith.constant 0 : i32
            %dma_start3A_65 = tpu.memref_slice %arg13[%multiple_of3A_52, %dma_start3A_64] : memref<10016x128xf32, #tpu.memory_space<vmem_shared>> -> memref<400x128xf32, #tpu.memory_space<vmem_shared>>
            tpu.enqueue_dma source(%dma_start3A_65 : memref<400x128xf32, #tpu.memory_space<vmem_shared>>) target(%dma_start3A_63 : memref<400x128xf32, #tpu.memory_space<hbm>>) target_semaphore(%run_scoped3A : memref<!tpu.dma_semaphore, #tpu.memory_space<semaphore_mem>>)
            %dma_wait3A = arith.constant 0 : i32
            %dma_wait3A_66 = tpu.memref_slice %arg6[%multiple_of3A_52, %dma_wait3A] : memref<10000x128xf32, #tpu.memory_space<hbm>> -> memref<400x128xf32, #tpu.memory_space<hbm>>
            %dma_wait3A_67 = arith.constant 0 : i32
            %dma_wait3A_68 = tpu.memref_slice %arg13[%multiple_of3A_52, %dma_wait3A_67] : memref<10016x128xf32, #tpu.memory_space<vmem_shared>> -> memref<400x128xf32, #tpu.memory_space<vmem_shared>>
            tpu.wait_dma2 semaphore(%run_scoped3A : memref<!tpu.dma_semaphore, #tpu.memory_space<semaphore_mem>>) src(%dma_wait3A_68 : memref<400x128xf32, #tpu.memory_space<vmem_shared>>) dst(%dma_wait3A_66 : memref<400x128xf32, #tpu.memory_space<hbm>>)
            tpu.yield
          }) : () -> ()
        } else {
        }
      } else {
      }
    }
    %scan3A_43 = arith.constant 2 : i32
    return
  }
}

#map = affine_map<(d0, d1) -> (0, 0)>
#map1 = affine_map<(d0, d1) -> (0)>
#map2 = affine_map<(d0, d1) -> (0, 0, 0)>
module attributes {stable_mosaic.version = 14 : i64} {
  func.func @_agg_kernel(%arg0: i32, %arg1: i32, %arg2: memref<10000x128xf32, #tpu.memory_space<hbm>>, %arg3: memref<327680xi32, #tpu.memory_space<hbm>>, %arg4: memref<32x128x80xi32, #tpu.memory_space<hbm>>, %arg5: memref<10000x128xf32, #tpu.memory_space<hbm>>, %arg6: memref<10000x128xf32, #tpu.memory_space<hbm>>, %arg7: memref<10240xi32, #tpu.memory_space<vmem>>, %arg8: memref<32x80xi32, #tpu.memory_space<vmem>>, %arg9: memref<32x80xi32, #tpu.memory_space<vmem>>, %arg10: memref<80x128xf32, #tpu.memory_space<vmem>>, %arg11: memref<80x128xf32, #tpu.memory_space<vmem>>, %arg12: memref<80x128xf32, #tpu.memory_space<vmem>>, %arg13: memref<10016x128xf32, #tpu.memory_space<vmem_shared>>, %arg14: memref<!tpu.dma_semaphore, #tpu.memory_space<semaphore_mem>>, %arg15: memref<!tpu.dma_semaphore, #tpu.memory_space<semaphore_mem>>, %arg16: memref<!tpu.dma_semaphore, #tpu.memory_space<semaphore_mem>>) attributes {dimension_semantics = [#tpu.dimension_semantics<core_parallel>, #tpu.dimension_semantics<subcore_parallel>], iteration_bounds = array<i64: 2, 16>, scalar_prefetch = 0 : i64, scratch_operands = 10 : i64, tpu.core_type = #tpu.core_type<sc_vector_subcore>, window_params = [{transform_indices = #map}, {transform_indices = #map1}, {transform_indices = #map2}, {transform_indices = #map}, {transform_indices = #map}]} {
    %mul3A = arith.constant 16 : i32
    %mul3A_0 = arith.muli %arg0, %mul3A : i32
    %add3A = arith.addi %mul3A_0, %arg1 : i32
    %mul3A_1 = arith.constant 10240 : i32
    %mul3A_2 = arith.muli %add3A, %mul3A_1 : i32
    %multiple_of3A = tpu.assume_multiple %mul3A_2, 16 : i32
    "tpu.region"() ({
      %run_scoped3A = tpu.sem_alloc : memref<!tpu.dma_semaphore, #tpu.memory_space<semaphore_mem>>
      %dma_start3A_44 = tpu.memref_slice %arg3[%multiple_of3A] : memref<327680xi32, #tpu.memory_space<hbm>> -> memref<10240xi32, #tpu.memory_space<hbm>>
      %dma_start3A_45 = tpu.memref_slice %arg3[%multiple_of3A] : memref<327680xi32, #tpu.memory_space<hbm>> -> memref<10240xi32, #tpu.memory_space<hbm>>
      tpu.enqueue_dma source(%dma_start3A_45 : memref<10240xi32, #tpu.memory_space<hbm>>) target(%arg7 : memref<10240xi32, #tpu.memory_space<vmem>>) target_semaphore(%run_scoped3A : memref<!tpu.dma_semaphore, #tpu.memory_space<semaphore_mem>>)
      %dma_wait3A = tpu.memref_slice %arg3[%multiple_of3A] : memref<327680xi32, #tpu.memory_space<hbm>> -> memref<10240xi32, #tpu.memory_space<hbm>>
      %dma_wait3A_46 = tpu.memref_slice %arg3[%multiple_of3A] : memref<327680xi32, #tpu.memory_space<hbm>> -> memref<10240xi32, #tpu.memory_space<hbm>>
      tpu.wait_dma2 semaphore(%run_scoped3A : memref<!tpu.dma_semaphore, #tpu.memory_space<semaphore_mem>>) src(%dma_wait3A_46 : memref<10240xi32, #tpu.memory_space<hbm>>) dst(%arg7 : memref<10240xi32, #tpu.memory_space<vmem>>)
      tpu.yield
    }) : () -> ()
    "tpu.region"() ({
      %run_scoped3A = tpu.sem_alloc : memref<!tpu.dma_semaphore, #tpu.memory_space<semaphore_mem>>
      %dma_start3A_44 = arith.constant 0 : i32
      %dma_start3A_45 = arith.constant 0 : i32
      %dma_start3A_46 = tpu.memref_slice %arg4[%add3A, %dma_start3A_44, %dma_start3A_45] : memref<32x128x80xi32, #tpu.memory_space<hbm>> -> memref<1x32x80xi32, #tpu.memory_space<hbm>>
      %dma_start3A_47 = tpu.memref_squeeze %dma_start3A_46 : memref<1x32x80xi32, #tpu.memory_space<hbm>> -> memref<32x80xi32, #tpu.memory_space<hbm>>
      %dma_start3A_48 = arith.constant 0 : i32
      %dma_start3A_49 = arith.constant 0 : i32
      %dma_start3A_50 = tpu.memref_slice %arg4[%add3A, %dma_start3A_48, %dma_start3A_49] : memref<32x128x80xi32, #tpu.memory_space<hbm>> -> memref<1x32x80xi32, #tpu.memory_space<hbm>>
      %dma_start3A_51 = tpu.memref_squeeze %dma_start3A_50 : memref<1x32x80xi32, #tpu.memory_space<hbm>> -> memref<32x80xi32, #tpu.memory_space<hbm>>
      tpu.enqueue_dma source(%dma_start3A_51 : memref<32x80xi32, #tpu.memory_space<hbm>>) target(%arg8 : memref<32x80xi32, #tpu.memory_space<vmem>>) target_semaphore(%run_scoped3A : memref<!tpu.dma_semaphore, #tpu.memory_space<semaphore_mem>>)
      %dma_wait3A = arith.constant 0 : i32
      %dma_wait3A_52 = arith.constant 0 : i32
      %dma_wait3A_53 = tpu.memref_slice %arg4[%add3A, %dma_wait3A, %dma_wait3A_52] : memref<32x128x80xi32, #tpu.memory_space<hbm>> -> memref<1x32x80xi32, #tpu.memory_space<hbm>>
      %dma_wait3A_54 = tpu.memref_squeeze %dma_wait3A_53 : memref<1x32x80xi32, #tpu.memory_space<hbm>> -> memref<32x80xi32, #tpu.memory_space<hbm>>
      %dma_wait3A_55 = arith.constant 0 : i32
      %dma_wait3A_56 = arith.constant 0 : i32
      %dma_wait3A_57 = tpu.memref_slice %arg4[%add3A, %dma_wait3A_55, %dma_wait3A_56] : memref<32x128x80xi32, #tpu.memory_space<hbm>> -> memref<1x32x80xi32, #tpu.memory_space<hbm>>
      %dma_wait3A_58 = tpu.memref_squeeze %dma_wait3A_57 : memref<1x32x80xi32, #tpu.memory_space<hbm>> -> memref<32x80xi32, #tpu.memory_space<hbm>>
      tpu.wait_dma2 semaphore(%run_scoped3A : memref<!tpu.dma_semaphore, #tpu.memory_space<semaphore_mem>>) src(%dma_wait3A_58 : memref<32x80xi32, #tpu.memory_space<hbm>>) dst(%arg8 : memref<32x80xi32, #tpu.memory_space<vmem>>)
      tpu.yield
    }) : () -> ()
    %scan3A = arith.constant 0 : i32
    %scan3A_3 = arith.constant 0 : i32
    %scan3A_4 = arith.constant 640 : i32
    %scan3A_5 = arith.addi %scan3A_3, %scan3A_4 : i32
    %scan3A_6 = arith.constant 1 : i32
    scf.for %scan3A_44 = %scan3A_3 to %scan3A_5 step %scan3A_6  : i32 {
      %broadcast_in_dim3A = arith.constant 0.000000e+00 : f32
      %broadcast_in_dim3A_45 = vector.broadcast %broadcast_in_dim3A : f32 to vector<16xf32>
      %jit3A = arith.constant 8 : i32
      %div3A = arith.divsi %scan3A_44, %jit3A : i32
      %sign3A = arith.constant 0 : i32
      %sign3A_46 = arith.cmpi sgt, %scan3A_44, %sign3A : i32
      %sign3A_47 = arith.extui %sign3A_46 : i1 to i32
      %sign3A_48 = arith.constant 0 : i32
      %sign3A_49 = arith.cmpi slt, %scan3A_44, %sign3A_48 : i32
      %sign3A_50 = arith.extui %sign3A_49 : i1 to i32
      %sign3A_51 = arith.subi %sign3A_47, %sign3A_50 : i32
      %sign3A_52 = arith.constant 0 : i32
      %sign3A_53 = arith.cmpi sgt, %jit3A, %sign3A_52 : i32
      %sign3A_54 = arith.extui %sign3A_53 : i1 to i32
      %sign3A_55 = arith.constant 0 : i32
      %sign3A_56 = arith.cmpi slt, %jit3A, %sign3A_55 : i32
      %sign3A_57 = arith.extui %sign3A_56 : i1 to i32
      %sign3A_58 = arith.subi %sign3A_54, %sign3A_57 : i32
      %ne3A = arith.cmpi ne, %sign3A_51, %sign3A_58 : i32
      %rem3A = arith.remsi %scan3A_44, %jit3A : i32
      %ne3A_59 = arith.constant 0 : i32
      %ne3A_60 = arith.cmpi ne, %rem3A, %ne3A_59 : i32
      %and3A = arith.andi %ne3A, %ne3A_60 : i1
      %sub3A = arith.constant 1 : i32
      %sub3A_61 = arith.subi %div3A, %sub3A : i32
      %select_n3A = arith.select %and3A, %sub3A_61, %div3A : i32
      %jit3A_62 = arith.constant 8 : i32
      %eq3A = arith.constant 0 : i32
      %eq3A_63 = arith.cmpi eq, %jit3A_62, %eq3A : i32
      %jit3A_64 = arith.constant 1 : i32
      %select_n3A_65 = arith.select %eq3A_63, %jit3A_64, %jit3A_62 : i32
      %rem3A_66 = arith.remsi %scan3A_44, %select_n3A_65 : i32
      %ne3A_67 = arith.constant 0 : i32
      %ne3A_68 = arith.cmpi ne, %rem3A_66, %ne3A_67 : i32
      %lt3A = arith.constant 0 : i32
      %lt3A_69 = arith.cmpi slt, %rem3A_66, %lt3A : i32
      %lt3A_70 = arith.constant 0 : i32
      %lt3A_71 = arith.cmpi slt, %select_n3A_65, %lt3A_70 : i32
      %ne3A_72 = arith.xori %lt3A_69, %lt3A_71 : i1
      %and3A_73 = arith.andi %ne3A_72, %ne3A_68 : i1
      %add3A_74 = arith.addi %rem3A_66, %select_n3A_65 : i32
      %select_n3A_75 = arith.select %and3A_73, %add3A_74, %rem3A_66 : i32
      %mul3A_76 = arith.constant 16 : i32
      %mul3A_77 = arith.muli %select_n3A_75, %mul3A_76 : i32
      %swap3A = arith.index_cast %select_n3A : i32 to index
      %swap3A_78 = arith.index_cast %mul3A_77 : i32 to index
      %swap3A_79 = tpu.vector_load %arg10[%swap3A, %swap3A_78] {strides = array<i32>} : memref<80x128xf32, #tpu.memory_space<vmem>>, vector<1x16xf32>,
      %swap3A_80 = vector.shape_cast %swap3A_79 : vector<1x16xf32> to vector<16xf32>
      %swap3A_81 = vector.shape_cast %broadcast_in_dim3A_45 : vector<16xf32> to vector<1x16xf32>
      tpu.vector_store %arg10[%swap3A, %swap3A_78], %swap3A_81 {strides = array<i32>} : memref<80x128xf32, #tpu.memory_space<vmem>>, vector<1x16xf32>,
    }
    %scan3A_7 = arith.constant 640 : i32
    %scan3A_8 = arith.constant 0 : i32
    %scan3A_9 = arith.constant 0 : i32
    %scan3A_10 = arith.constant 2 : i32
    %scan3A_11 = arith.addi %scan3A_9, %scan3A_10 : i32
    %scan3A_12 = arith.constant 1 : i32
    scf.for %scan3A_44 = %scan3A_9 to %scan3A_11 step %scan3A_12  : i32 {
      %mul3A_45 = arith.constant 16 : i32
      %mul3A_46 = arith.muli %mul3A_45, %scan3A_44 : i32
      %add3A_47 = arith.addi %arg1, %mul3A_46 : i32
      %lt3A = arith.constant 25 : i32
      %lt3A_48 = arith.cmpi slt, %add3A_47, %lt3A : i32
      %convert_element_type3A = arith.extui %lt3A_48 : i1 to i32
      %cond3A = arith.constant 0 : i32
      %cond3A_49 = arith.cmpi ne, %convert_element_type3A, %cond3A : i32
      scf.if %cond3A_49 {
        %scan3A_50 = arith.constant 0 : i32
        %scan3A_51 = arith.constant 0 : i32
        %scan3A_52 = arith.constant 5 : i32
        %scan3A_53 = arith.addi %scan3A_51, %scan3A_52 : i32
        %scan3A_54 = arith.constant 1 : i32
        scf.for %scan3A_56 = %scan3A_51 to %scan3A_53 step %scan3A_54  : i32 {
          %mul3A_57 = arith.constant 400 : i32
          %mul3A_58 = arith.muli %add3A_47, %mul3A_57 : i32
          %mul3A_59 = arith.constant 80 : i32
          %mul3A_60 = arith.muli %scan3A_56, %mul3A_59 : i32
          %add3A_61 = arith.addi %mul3A_58, %mul3A_60 : i32
          %multiple_of3A_62 = tpu.assume_multiple %add3A_61, 8 : i32
          "tpu.region"() ({
            %run_scoped3A = tpu.sem_alloc : memref<!tpu.dma_semaphore, #tpu.memory_space<semaphore_mem>>
            %dma_start3A_63 = arith.constant 0 : i32
            %dma_start3A_64 = arith.constant 0 : i32
            %dma_start3A_65 = tpu.memref_slice %arg10[%dma_start3A_63, %dma_start3A_64] : memref<80x128xf32, #tpu.memory_space<vmem>> -> memref<80x128xf32, #tpu.memory_space<vmem>>
            %dma_start3A_66 = arith.constant 0 : i32
            %dma_start3A_67 = tpu.memref_slice %arg13[%multiple_of3A_62, %dma_start3A_66] : memref<10016x128xf32, #tpu.memory_space<vmem_shared>> -> memref<80x128xf32, #tpu.memory_space<vmem_shared>>
            %dma_start3A_68 = arith.constant 0 : i32
            %dma_start3A_69 = tpu.memref_slice %arg13[%multiple_of3A_62, %dma_start3A_68] : memref<10016x128xf32, #tpu.memory_space<vmem_shared>> -> memref<80x128xf32, #tpu.memory_space<vmem_shared>>
            %dma_start3A_70 = arith.constant 0 : i32
            %dma_start3A_71 = arith.constant 0 : i32
            %dma_start3A_72 = tpu.memref_slice %arg10[%dma_start3A_70, %dma_start3A_71] : memref<80x128xf32, #tpu.memory_space<vmem>> -> memref<80x128xf32, #tpu.memory_space<vmem>>
            tpu.enqueue_dma source(%dma_start3A_72 : memref<80x128xf32, #tpu.memory_space<vmem>>) target(%dma_start3A_69 : memref<80x128xf32, #tpu.memory_space<vmem_shared>>) target_semaphore(%run_scoped3A : memref<!tpu.dma_semaphore, #tpu.memory_space<semaphore_mem>>)
            %dma_wait3A = arith.constant 0 : i32
            %dma_wait3A_73 = arith.constant 0 : i32
            %dma_wait3A_74 = tpu.memref_slice %arg10[%dma_wait3A, %dma_wait3A_73] : memref<80x128xf32, #tpu.memory_space<vmem>> -> memref<80x128xf32, #tpu.memory_space<vmem>>
            %dma_wait3A_75 = arith.constant 0 : i32
            %dma_wait3A_76 = tpu.memref_slice %arg13[%multiple_of3A_62, %dma_wait3A_75] : memref<10016x128xf32, #tpu.memory_space<vmem_shared>> -> memref<80x128xf32, #tpu.memory_space<vmem_shared>>
            %dma_wait3A_77 = arith.constant 0 : i32
            %dma_wait3A_78 = tpu.memref_slice %arg13[%multiple_of3A_62, %dma_wait3A_77] : memref<10016x128xf32, #tpu.memory_space<vmem_shared>> -> memref<80x128xf32, #tpu.memory_space<vmem_shared>>
            %dma_wait3A_79 = arith.constant 0 : i32
            %dma_wait3A_80 = arith.constant 0 : i32
            %dma_wait3A_81 = tpu.memref_slice %arg10[%dma_wait3A_79, %dma_wait3A_80] : memref<80x128xf32, #tpu.memory_space<vmem>> -> memref<80x128xf32, #tpu.memory_space<vmem>>
            tpu.wait_dma2 semaphore(%run_scoped3A : memref<!tpu.dma_semaphore, #tpu.memory_space<semaphore_mem>>) src(%dma_wait3A_81 : memref<80x128xf32, #tpu.memory_space<vmem>>) dst(%dma_wait3A_78 : memref<80x128xf32, #tpu.memory_space<vmem_shared>>)
            tpu.yield
          }) : () -> ()
        }
        %scan3A_55 = arith.constant 5 : i32
      } else {
      }
    }
    %scan3A_13 = arith.constant 2 : i32
    %barrier3A = arith.constant 0 : index
    tpu.barrier barrier_id(%barrier3A)
    %multiple_of3A_14 = arith.constant 0 : i32
    %multiple_of3A_15 = tpu.assume_multiple %multiple_of3A_14, 16 : i32
    %dma_start3A = tpu.memref_slice %arg7[%multiple_of3A_15] : memref<10240xi32, #tpu.memory_space<vmem>> -> memref<80xi32, #tpu.memory_space<vmem>>
    %dma_start3A_16 = arith.constant 0 : i32
    %dma_start3A_17 = arith.constant 0 : i32
    %dma_start3A_18 = tpu.memref_slice %arg2[%dma_start3A_16, %dma_start3A_17] : memref<10000x128xf32, #tpu.memory_space<hbm>> -> memref<10000x128xf32, #tpu.memory_space<hbm>>
    tpu.enqueue_indirect_dma source(%dma_start3A_18 : memref<10000x128xf32, #tpu.memory_space<hbm>>) target(%arg10 : memref<80x128xf32, #tpu.memory_space<vmem>>) offsets(%dma_start3A : memref<80xi32, #tpu.memory_space<vmem>>) semaphore(%arg14 : memref<!tpu.dma_semaphore, #tpu.memory_space<semaphore_mem>>)
    %multiple_of3A_19 = arith.constant 80 : i32
    %multiple_of3A_20 = tpu.assume_multiple %multiple_of3A_19, 16 : i32
    %dma_start3A_21 = tpu.memref_slice %arg7[%multiple_of3A_20] : memref<10240xi32, #tpu.memory_space<vmem>> -> memref<80xi32, #tpu.memory_space<vmem>>
    %dma_start3A_22 = arith.constant 0 : i32
    %dma_start3A_23 = arith.constant 0 : i32
    %dma_start3A_24 = tpu.memref_slice %arg2[%dma_start3A_22, %dma_start3A_23] : memref<10000x128xf32, #tpu.memory_space<hbm>> -> memref<10000x128xf32, #tpu.memory_space<hbm>>
    tpu.enqueue_indirect_dma source(%dma_start3A_24 : memref<10000x128xf32, #tpu.memory_space<hbm>>) target(%arg11 : memref<80x128xf32, #tpu.memory_space<vmem>>) offsets(%dma_start3A_21 : memref<80xi32, #tpu.memory_space<vmem>>) semaphore(%arg15 : memref<!tpu.dma_semaphore, #tpu.memory_space<semaphore_mem>>)
    %multiple_of3A_25 = arith.constant 160 : i32
    %multiple_of3A_26 = tpu.assume_multiple %multiple_of3A_25, 16 : i32
    %dma_start3A_27 = tpu.memref_slice %arg7[%multiple_of3A_26] : memref<10240xi32, #tpu.memory_space<vmem>> -> memref<80xi32, #tpu.memory_space<vmem>>
    %dma_start3A_28 = arith.constant 0 : i32
    %dma_start3A_29 = arith.constant 0 : i32
    %dma_start3A_30 = tpu.memref_slice %arg2[%dma_start3A_28, %dma_start3A_29] : memref<10000x128xf32, #tpu.memory_space<hbm>> -> memref<10000x128xf32, #tpu.memory_space<hbm>>
    tpu.enqueue_indirect_dma source(%dma_start3A_30 : memref<10000x128xf32, #tpu.memory_space<hbm>>) target(%arg12 : memref<80x128xf32, #tpu.memory_space<vmem>>) offsets(%dma_start3A_27 : memref<80xi32, #tpu.memory_space<vmem>>) semaphore(%arg16 : memref<!tpu.dma_semaphore, #tpu.memory_space<semaphore_mem>>)
    %scan3A_31 = arith.constant 0 : i32
    %scan3A_32 = arith.constant 0 : i32
    %scan3A_33 = arith.constant 4 : i32
    %scan3A_34 = arith.addi %scan3A_32, %scan3A_33 : i32
    %scan3A_35 = arith.constant 1 : i32
    scf.for %scan3A_44 = %scan3A_32 to %scan3A_34 step %scan3A_35  : i32 {
      %lt3A = arith.constant 3 : i32
      %lt3A_45 = arith.cmpi slt, %scan3A_44, %lt3A : i32
      %add3A_46 = arith.constant 1 : i32
      %add3A_47 = arith.addi %scan3A_44, %add3A_46 : i32
      %rem3A = arith.constant 2 : i32
      %rem3A_48 = arith.remsi %add3A_47, %rem3A : i32
      %eq3A = arith.constant 0 : i32
      %eq3A_49 = arith.cmpi eq, %rem3A_48, %eq3A : i32
      %and3A = arith.andi %lt3A_45, %eq3A_49 : i1
      %convert_element_type3A = arith.extui %and3A : i1 to i32
      %cond3A = arith.constant 0 : i32
      %cond3A_50 = arith.cmpi ne, %convert_element_type3A, %cond3A : i32
      scf.if %cond3A_50 {
        %add3A_69 = arith.constant 1 : i32
        %add3A_70 = arith.addi %scan3A_44, %add3A_69 : i32
        %mul3A_71 = arith.constant 32 : i32
        %mul3A_72 = arith.muli %add3A_70, %mul3A_71 : i32
        %multiple_of3A_73 = tpu.assume_multiple %mul3A_72, 8 : i32
        "tpu.region"() ({
          %run_scoped3A = tpu.sem_alloc : memref<!tpu.dma_semaphore, #tpu.memory_space<semaphore_mem>>
          %dma_start3A_74 = arith.constant 0 : i32
          %dma_start3A_75 = tpu.memref_slice %arg4[%add3A, %multiple_of3A_73, %dma_start3A_74] : memref<32x128x80xi32, #tpu.memory_space<hbm>> -> memref<1x32x80xi32, #tpu.memory_space<hbm>>
          %dma_start3A_76 = tpu.memref_squeeze %dma_start3A_75 : memref<1x32x80xi32, #tpu.memory_space<hbm>> -> memref<32x80xi32, #tpu.memory_space<hbm>>
          %dma_start3A_77 = arith.constant 0 : i32
          %dma_start3A_78 = tpu.memref_slice %arg4[%add3A, %multiple_of3A_73, %dma_start3A_77] : memref<32x128x80xi32, #tpu.memory_space<hbm>> -> memref<1x32x80xi32, #tpu.memory_space<hbm>>
          %dma_start3A_79 = tpu.memref_squeeze %dma_start3A_78 : memref<1x32x80xi32, #tpu.memory_space<hbm>> -> memref<32x80xi32, #tpu.memory_space<hbm>>
          tpu.enqueue_dma source(%dma_start3A_79 : memref<32x80xi32, #tpu.memory_space<hbm>>) target(%arg8 : memref<32x80xi32, #tpu.memory_space<vmem>>) target_semaphore(%run_scoped3A : memref<!tpu.dma_semaphore, #tpu.memory_space<semaphore_mem>>)
          %dma_wait3A = arith.constant 0 : i32
          %dma_wait3A_80 = tpu.memref_slice %arg4[%add3A, %multiple_of3A_73, %dma_wait3A] : memref<32x128x80xi32, #tpu.memory_space<hbm>> -> memref<1x32x80xi32, #tpu.memory_space<hbm>>
          %dma_wait3A_81 = tpu.memref_squeeze %dma_wait3A_80 : memref<1x32x80xi32, #tpu.memory_space<hbm>> -> memref<32x80xi32, #tpu.memory_space<hbm>>
          %dma_wait3A_82 = arith.constant 0 : i32
          %dma_wait3A_83 = tpu.memref_slice %arg4[%add3A, %multiple_of3A_73, %dma_wait3A_82] : memref<32x128x80xi32, #tpu.memory_space<hbm>> -> memref<1x32x80xi32, #tpu.memory_space<hbm>>
          %dma_wait3A_84 = tpu.memref_squeeze %dma_wait3A_83 : memref<1x32x80xi32, #tpu.memory_space<hbm>> -> memref<32x80xi32, #tpu.memory_space<hbm>>
          tpu.wait_dma2 semaphore(%run_scoped3A : memref<!tpu.dma_semaphore, #tpu.memory_space<semaphore_mem>>) src(%dma_wait3A_84 : memref<32x80xi32, #tpu.memory_space<hbm>>) dst(%arg8 : memref<32x80xi32, #tpu.memory_space<vmem>>)
          tpu.yield
        }) : () -> ()
      } else {
      }
      %lt3A_51 = arith.constant 3 : i32
      %lt3A_52 = arith.cmpi slt, %scan3A_44, %lt3A_51 : i32
      %add3A_53 = arith.constant 1 : i32
      %add3A_54 = arith.addi %scan3A_44, %add3A_53 : i32
      %rem3A_55 = arith.constant 2 : i32
      %rem3A_56 = arith.remsi %add3A_54, %rem3A_55 : i32
      %eq3A_57 = arith.constant 1 : i32
      %eq3A_58 = arith.cmpi eq, %rem3A_56, %eq3A_57 : i32
      %and3A_59 = arith.andi %lt3A_52, %eq3A_58 : i1
      %convert_element_type3A_60 = arith.extui %and3A_59 : i1 to i32
      %cond3A_61 = arith.constant 0 : i32
      %cond3A_62 = arith.cmpi ne, %convert_element_type3A_60, %cond3A_61 : i32
      scf.if %cond3A_62 {
        %add3A_69 = arith.constant 1 : i32
        %add3A_70 = arith.addi %scan3A_44, %add3A_69 : i32
        %mul3A_71 = arith.constant 32 : i32
        %mul3A_72 = arith.muli %add3A_70, %mul3A_71 : i32
        %multiple_of3A_73 = tpu.assume_multiple %mul3A_72, 8 : i32
        "tpu.region"() ({
          %run_scoped3A = tpu.sem_alloc : memref<!tpu.dma_semaphore, #tpu.memory_space<semaphore_mem>>
          %dma_start3A_74 = arith.constant 0 : i32
          %dma_start3A_75 = tpu.memref_slice %arg4[%add3A, %multiple_of3A_73, %dma_start3A_74] : memref<32x128x80xi32, #tpu.memory_space<hbm>> -> memref<1x32x80xi32, #tpu.memory_space<hbm>>
          %dma_start3A_76 = tpu.memref_squeeze %dma_start3A_75 : memref<1x32x80xi32, #tpu.memory_space<hbm>> -> memref<32x80xi32, #tpu.memory_space<hbm>>
          %dma_start3A_77 = arith.constant 0 : i32
          %dma_start3A_78 = tpu.memref_slice %arg4[%add3A, %multiple_of3A_73, %dma_start3A_77] : memref<32x128x80xi32, #tpu.memory_space<hbm>> -> memref<1x32x80xi32, #tpu.memory_space<hbm>>
          %dma_start3A_79 = tpu.memref_squeeze %dma_start3A_78 : memref<1x32x80xi32, #tpu.memory_space<hbm>> -> memref<32x80xi32, #tpu.memory_space<hbm>>
          tpu.enqueue_dma source(%dma_start3A_79 : memref<32x80xi32, #tpu.memory_space<hbm>>) target(%arg9 : memref<32x80xi32, #tpu.memory_space<vmem>>) target_semaphore(%run_scoped3A : memref<!tpu.dma_semaphore, #tpu.memory_space<semaphore_mem>>)
          %dma_wait3A = arith.constant 0 : i32
          %dma_wait3A_80 = tpu.memref_slice %arg4[%add3A, %multiple_of3A_73, %dma_wait3A] : memref<32x128x80xi32, #tpu.memory_space<hbm>> -> memref<1x32x80xi32, #tpu.memory_space<hbm>>
          %dma_wait3A_81 = tpu.memref_squeeze %dma_wait3A_80 : memref<1x32x80xi32, #tpu.memory_space<hbm>> -> memref<32x80xi32, #tpu.memory_space<hbm>>
          %dma_wait3A_82 = arith.constant 0 : i32
          %dma_wait3A_83 = tpu.memref_slice %arg4[%add3A, %multiple_of3A_73, %dma_wait3A_82] : memref<32x128x80xi32, #tpu.memory_space<hbm>> -> memref<1x32x80xi32, #tpu.memory_space<hbm>>
          %dma_wait3A_84 = tpu.memref_squeeze %dma_wait3A_83 : memref<1x32x80xi32, #tpu.memory_space<hbm>> -> memref<32x80xi32, #tpu.memory_space<hbm>>
          tpu.wait_dma2 semaphore(%run_scoped3A : memref<!tpu.dma_semaphore, #tpu.memory_space<semaphore_mem>>) src(%dma_wait3A_84 : memref<32x80xi32, #tpu.memory_space<hbm>>) dst(%arg9 : memref<32x80xi32, #tpu.memory_space<vmem>>)
          tpu.yield
        }) : () -> ()
      } else {
      }
      %scan3A_63 = arith.constant 0 : i32
      %scan3A_64 = arith.constant 0 : i32
      %scan3A_65 = arith.constant 32 : i32
      %scan3A_66 = arith.addi %scan3A_64, %scan3A_65 : i32
      %scan3A_67 = arith.constant 1 : i32
      scf.for %scan3A_69 = %scan3A_64 to %scan3A_66 step %scan3A_67  : i32 {
        %mul3A_70 = arith.constant 32 : i32
        %mul3A_71 = arith.muli %scan3A_44, %mul3A_70 : i32
        %add3A_72 = arith.addi %mul3A_71, %scan3A_69 : i32
        %rem3A_73 = arith.constant 3 : i32
        %rem3A_74 = arith.remsi %add3A_72, %rem3A_73 : i32
        %eq3A_75 = arith.constant 0 : i32
        %eq3A_76 = arith.cmpi eq, %rem3A_74, %eq3A_75 : i32
        %convert_element_type3A_77 = arith.extui %eq3A_76 : i1 to i32
        %cond3A_78 = arith.constant 0 : i32
        %cond3A_79 = arith.cmpi ne, %convert_element_type3A_77, %cond3A_78 : i32
        scf.if %cond3A_79 {
          %dma_wait3A = arith.constant 0 : i32
          %dma_wait3A_90 = arith.constant 0 : i32
          %dma_wait3A_91 = tpu.memref_slice %arg2[%dma_wait3A, %dma_wait3A_90] : memref<10000x128xf32, #tpu.memory_space<hbm>> -> memref<80x128xf32, #tpu.memory_space<hbm>>
          %dma_wait3A_92 = arith.constant 0 : i32
          %dma_wait3A_93 = arith.constant 0 : i32
          %dma_wait3A_94 = tpu.memref_slice %arg2[%dma_wait3A_92, %dma_wait3A_93] : memref<10000x128xf32, #tpu.memory_space<hbm>> -> memref<80x128xf32, #tpu.memory_space<hbm>>
          tpu.wait_dma2 semaphore(%arg14 : memref<!tpu.dma_semaphore, #tpu.memory_space<semaphore_mem>>) src(%dma_wait3A_94 : memref<80x128xf32, #tpu.memory_space<hbm>>) dst(%arg10 : memref<80x128xf32, #tpu.memory_space<vmem>>)
          %rem3A_95 = arith.constant 2 : i32
          %rem3A_96 = arith.remsi %scan3A_44, %rem3A_95 : i32
          %eq3A_97 = arith.constant 0 : i32
          %eq3A_98 = arith.cmpi eq, %rem3A_96, %eq3A_97 : i32
          %convert_element_type3A_99 = arith.extui %eq3A_98 : i1 to i32
          %cond3A_100 = arith.constant 0 : i32
          %cond3A_101 = arith.cmpi ne, %convert_element_type3A_99, %cond3A_100 : i32
          scf.if %cond3A_101 {
            "tpu.region"() ({
              %run_scoped3A = tpu.sem_alloc : memref<!tpu.dma_semaphore, #tpu.memory_space<semaphore_mem>>
              %dma_start3A_116 = arith.constant 0 : i32
              %dma_start3A_117 = tpu.memref_slice %arg8[%scan3A_69, %dma_start3A_116] : memref<32x80xi32, #tpu.memory_space<vmem>> -> memref<1x80xi32, #tpu.memory_space<vmem>>
              %dma_start3A_118 = tpu.memref_squeeze %dma_start3A_117 : memref<1x80xi32, #tpu.memory_space<vmem>> -> memref<80xi32, #tpu.memory_space<vmem>>
              %dma_start3A_119 = arith.constant 0 : i32
              %dma_start3A_120 = arith.constant 0 : i32
              %dma_start3A_121 = tpu.memref_slice %arg13[%dma_start3A_119, %dma_start3A_120] : memref<10016x128xf32, #tpu.memory_space<vmem_shared>> -> memref<10016x128xf32, #tpu.memory_space<vmem_shared>>
              tpu.enqueue_indirect_dma source(%arg10 : memref<80x128xf32, #tpu.memory_space<vmem>>) target(%dma_start3A_121 : memref<10016x128xf32, #tpu.memory_space<vmem_shared>>) offsets(%dma_start3A_118 : memref<80xi32, #tpu.memory_space<vmem>>) semaphore(%run_scoped3A : memref<!tpu.dma_semaphore, #tpu.memory_space<semaphore_mem>>) {add = true}
              %dma_wait3A_122 = arith.constant 0 : i32
              %dma_wait3A_123 = tpu.memref_slice %arg8[%scan3A_69, %dma_wait3A_122] : memref<32x80xi32, #tpu.memory_space<vmem>> -> memref<1x80xi32, #tpu.memory_space<vmem>>
              %dma_wait3A_124 = tpu.memref_squeeze %dma_wait3A_123 : memref<1x80xi32, #tpu.memory_space<vmem>> -> memref<80xi32, #tpu.memory_space<vmem>>
              %dma_wait3A_125 = arith.constant 0 : i32
              %dma_wait3A_126 = arith.constant 0 : i32
              %dma_wait3A_127 = tpu.memref_slice %arg13[%dma_wait3A_125, %dma_wait3A_126] : memref<10016x128xf32, #tpu.memory_space<vmem_shared>> -> memref<10016x128xf32, #tpu.memory_space<vmem_shared>>
              tpu.wait_indirect_dma semaphore(%run_scoped3A : memref<!tpu.dma_semaphore, #tpu.memory_space<semaphore_mem>>) src(%arg10 : memref<80x128xf32, #tpu.memory_space<vmem>>) dst(%dma_wait3A_127 : memref<10016x128xf32, #tpu.memory_space<vmem_shared>>)
              tpu.yield
            }) : () -> ()
          } else {
          }
          %rem3A_102 = arith.constant 2 : i32
          %rem3A_103 = arith.remsi %scan3A_44, %rem3A_102 : i32
          %eq3A_104 = arith.constant 1 : i32
          %eq3A_105 = arith.cmpi eq, %rem3A_103, %eq3A_104 : i32
          %convert_element_type3A_106 = arith.extui %eq3A_105 : i1 to i32
          %cond3A_107 = arith.constant 0 : i32
          %cond3A_108 = arith.cmpi ne, %convert_element_type3A_106, %cond3A_107 : i32
          scf.if %cond3A_108 {
            "tpu.region"() ({
              %run_scoped3A = tpu.sem_alloc : memref<!tpu.dma_semaphore, #tpu.memory_space<semaphore_mem>>
              %dma_start3A_116 = arith.constant 0 : i32
              %dma_start3A_117 = tpu.memref_slice %arg9[%scan3A_69, %dma_start3A_116] : memref<32x80xi32, #tpu.memory_space<vmem>> -> memref<1x80xi32, #tpu.memory_space<vmem>>
              %dma_start3A_118 = tpu.memref_squeeze %dma_start3A_117 : memref<1x80xi32, #tpu.memory_space<vmem>> -> memref<80xi32, #tpu.memory_space<vmem>>
              %dma_start3A_119 = arith.constant 0 : i32
              %dma_start3A_120 = arith.constant 0 : i32
              %dma_start3A_121 = tpu.memref_slice %arg13[%dma_start3A_119, %dma_start3A_120] : memref<10016x128xf32, #tpu.memory_space<vmem_shared>> -> memref<10016x128xf32, #tpu.memory_space<vmem_shared>>
              tpu.enqueue_indirect_dma source(%arg10 : memref<80x128xf32, #tpu.memory_space<vmem>>) target(%dma_start3A_121 : memref<10016x128xf32, #tpu.memory_space<vmem_shared>>) offsets(%dma_start3A_118 : memref<80xi32, #tpu.memory_space<vmem>>) semaphore(%run_scoped3A : memref<!tpu.dma_semaphore, #tpu.memory_space<semaphore_mem>>) {add = true}
              %dma_wait3A_122 = arith.constant 0 : i32
              %dma_wait3A_123 = tpu.memref_slice %arg9[%scan3A_69, %dma_wait3A_122] : memref<32x80xi32, #tpu.memory_space<vmem>> -> memref<1x80xi32, #tpu.memory_space<vmem>>
              %dma_wait3A_124 = tpu.memref_squeeze %dma_wait3A_123 : memref<1x80xi32, #tpu.memory_space<vmem>> -> memref<80xi32, #tpu.memory_space<vmem>>
              %dma_wait3A_125 = arith.constant 0 : i32
              %dma_wait3A_126 = arith.constant 0 : i32
              %dma_wait3A_127 = tpu.memref_slice %arg13[%dma_wait3A_125, %dma_wait3A_126] : memref<10016x128xf32, #tpu.memory_space<vmem_shared>> -> memref<10016x128xf32, #tpu.memory_space<vmem_shared>>
              tpu.wait_indirect_dma semaphore(%run_scoped3A : memref<!tpu.dma_semaphore, #tpu.memory_space<semaphore_mem>>) src(%arg10 : memref<80x128xf32, #tpu.memory_space<vmem>>) dst(%dma_wait3A_127 : memref<10016x128xf32, #tpu.memory_space<vmem_shared>>)
              tpu.yield
            }) : () -> ()
          } else {
          }
          %add3A_109 = arith.constant 3 : i32
          %add3A_110 = arith.addi %add3A_72, %add3A_109 : i32
          %lt3A_111 = arith.constant 128 : i32
          %lt3A_112 = arith.cmpi slt, %add3A_110, %lt3A_111 : i32
          %convert_element_type3A_113 = arith.extui %lt3A_112 : i1 to i32
          %cond3A_114 = arith.constant 0 : i32
          %cond3A_115 = arith.cmpi ne, %convert_element_type3A_113, %cond3A_114 : i32
          scf.if %cond3A_115 {
            %add3A_116 = arith.constant 3 : i32
            %add3A_117 = arith.addi %add3A_72, %add3A_116 : i32
            %mul3A_118 = arith.constant 80 : i32
            %mul3A_119 = arith.muli %add3A_117, %mul3A_118 : i32
            %multiple_of3A_120 = tpu.assume_multiple %mul3A_119, 16 : i32
            %dma_start3A_121 = tpu.memref_slice %arg7[%multiple_of3A_120] : memref<10240xi32, #tpu.memory_space<vmem>> -> memref<80xi32, #tpu.memory_space<vmem>>
            %dma_start3A_122 = arith.constant 0 : i32
            %dma_start3A_123 = arith.constant 0 : i32
            %dma_start3A_124 = tpu.memref_slice %arg2[%dma_start3A_122, %dma_start3A_123] : memref<10000x128xf32, #tpu.memory_space<hbm>> -> memref<10000x128xf32, #tpu.memory_space<hbm>>
            tpu.enqueue_indirect_dma source(%dma_start3A_124 : memref<10000x128xf32, #tpu.memory_space<hbm>>) target(%arg10 : memref<80x128xf32, #tpu.memory_space<vmem>>) offsets(%dma_start3A_121 : memref<80xi32, #tpu.memory_space<vmem>>) semaphore(%arg14 : memref<!tpu.dma_semaphore, #tpu.memory_space<semaphore_mem>>)
          } else {
          }
        } else {
        }
        %eq3A_80 = arith.constant 1 : i32
        %eq3A_81 = arith.cmpi eq, %rem3A_74, %eq3A_80 : i32
        %convert_element_type3A_82 = arith.extui %eq3A_81 : i1 to i32
        %cond3A_83 = arith.constant 0 : i32
        %cond3A_84 = arith.cmpi ne, %convert_element_type3A_82, %cond3A_83 : i32
        scf.if %cond3A_84 {
          %dma_wait3A = arith.constant 0 : i32
          %dma_wait3A_90 = arith.constant 0 : i32
          %dma_wait3A_91 = tpu.memref_slice %arg2[%dma_wait3A, %dma_wait3A_90] : memref<10000x128xf32, #tpu.memory_space<hbm>> -> memref<80x128xf32, #tpu.memory_space<hbm>>
          %dma_wait3A_92 = arith.constant 0 : i32
          %dma_wait3A_93 = arith.constant 0 : i32
          %dma_wait3A_94 = tpu.memref_slice %arg2[%dma_wait3A_92, %dma_wait3A_93] : memref<10000x128xf32, #tpu.memory_space<hbm>> -> memref<80x128xf32, #tpu.memory_space<hbm>>
          tpu.wait_dma2 semaphore(%arg15 : memref<!tpu.dma_semaphore, #tpu.memory_space<semaphore_mem>>) src(%dma_wait3A_94 : memref<80x128xf32, #tpu.memory_space<hbm>>) dst(%arg11 : memref<80x128xf32, #tpu.memory_space<vmem>>)
          %rem3A_95 = arith.constant 2 : i32
          %rem3A_96 = arith.remsi %scan3A_44, %rem3A_95 : i32
          %eq3A_97 = arith.constant 0 : i32
          %eq3A_98 = arith.cmpi eq, %rem3A_96, %eq3A_97 : i32
          %convert_element_type3A_99 = arith.extui %eq3A_98 : i1 to i32
          %cond3A_100 = arith.constant 0 : i32
          %cond3A_101 = arith.cmpi ne, %convert_element_type3A_99, %cond3A_100 : i32
          scf.if %cond3A_101 {
            "tpu.region"() ({
              %run_scoped3A = tpu.sem_alloc : memref<!tpu.dma_semaphore, #tpu.memory_space<semaphore_mem>>
              %dma_start3A_116 = arith.constant 0 : i32
              %dma_start3A_117 = tpu.memref_slice %arg8[%scan3A_69, %dma_start3A_116] : memref<32x80xi32, #tpu.memory_space<vmem>> -> memref<1x80xi32, #tpu.memory_space<vmem>>
              %dma_start3A_118 = tpu.memref_squeeze %dma_start3A_117 : memref<1x80xi32, #tpu.memory_space<vmem>> -> memref<80xi32, #tpu.memory_space<vmem>>
              %dma_start3A_119 = arith.constant 0 : i32
              %dma_start3A_120 = arith.constant 0 : i32
              %dma_start3A_121 = tpu.memref_slice %arg13[%dma_start3A_119, %dma_start3A_120] : memref<10016x128xf32, #tpu.memory_space<vmem_shared>> -> memref<10016x128xf32, #tpu.memory_space<vmem_shared>>
              tpu.enqueue_indirect_dma source(%arg11 : memref<80x128xf32, #tpu.memory_space<vmem>>) target(%dma_start3A_121 : memref<10016x128xf32, #tpu.memory_space<vmem_shared>>) offsets(%dma_start3A_118 : memref<80xi32, #tpu.memory_space<vmem>>) semaphore(%run_scoped3A : memref<!tpu.dma_semaphore, #tpu.memory_space<semaphore_mem>>) {add = true}
              %dma_wait3A_122 = arith.constant 0 : i32
              %dma_wait3A_123 = tpu.memref_slice %arg8[%scan3A_69, %dma_wait3A_122] : memref<32x80xi32, #tpu.memory_space<vmem>> -> memref<1x80xi32, #tpu.memory_space<vmem>>
              %dma_wait3A_124 = tpu.memref_squeeze %dma_wait3A_123 : memref<1x80xi32, #tpu.memory_space<vmem>> -> memref<80xi32, #tpu.memory_space<vmem>>
              %dma_wait3A_125 = arith.constant 0 : i32
              %dma_wait3A_126 = arith.constant 0 : i32
              %dma_wait3A_127 = tpu.memref_slice %arg13[%dma_wait3A_125, %dma_wait3A_126] : memref<10016x128xf32, #tpu.memory_space<vmem_shared>> -> memref<10016x128xf32, #tpu.memory_space<vmem_shared>>
              tpu.wait_indirect_dma semaphore(%run_scoped3A : memref<!tpu.dma_semaphore, #tpu.memory_space<semaphore_mem>>) src(%arg11 : memref<80x128xf32, #tpu.memory_space<vmem>>) dst(%dma_wait3A_127 : memref<10016x128xf32, #tpu.memory_space<vmem_shared>>)
              tpu.yield
            }) : () -> ()
          } else {
          }
          %rem3A_102 = arith.constant 2 : i32
          %rem3A_103 = arith.remsi %scan3A_44, %rem3A_102 : i32
          %eq3A_104 = arith.constant 1 : i32
          %eq3A_105 = arith.cmpi eq, %rem3A_103, %eq3A_104 : i32
          %convert_element_type3A_106 = arith.extui %eq3A_105 : i1 to i32
          %cond3A_107 = arith.constant 0 : i32
          %cond3A_108 = arith.cmpi ne, %convert_element_type3A_106, %cond3A_107 : i32
          scf.if %cond3A_108 {
            "tpu.region"() ({
              %run_scoped3A = tpu.sem_alloc : memref<!tpu.dma_semaphore, #tpu.memory_space<semaphore_mem>>
              %dma_start3A_116 = arith.constant 0 : i32
              %dma_start3A_117 = tpu.memref_slice %arg9[%scan3A_69, %dma_start3A_116] : memref<32x80xi32, #tpu.memory_space<vmem>> -> memref<1x80xi32, #tpu.memory_space<vmem>>
              %dma_start3A_118 = tpu.memref_squeeze %dma_start3A_117 : memref<1x80xi32, #tpu.memory_space<vmem>> -> memref<80xi32, #tpu.memory_space<vmem>>
              %dma_start3A_119 = arith.constant 0 : i32
              %dma_start3A_120 = arith.constant 0 : i32
              %dma_start3A_121 = tpu.memref_slice %arg13[%dma_start3A_119, %dma_start3A_120] : memref<10016x128xf32, #tpu.memory_space<vmem_shared>> -> memref<10016x128xf32, #tpu.memory_space<vmem_shared>>
              tpu.enqueue_indirect_dma source(%arg11 : memref<80x128xf32, #tpu.memory_space<vmem>>) target(%dma_start3A_121 : memref<10016x128xf32, #tpu.memory_space<vmem_shared>>) offsets(%dma_start3A_118 : memref<80xi32, #tpu.memory_space<vmem>>) semaphore(%run_scoped3A : memref<!tpu.dma_semaphore, #tpu.memory_space<semaphore_mem>>) {add = true}
              %dma_wait3A_122 = arith.constant 0 : i32
              %dma_wait3A_123 = tpu.memref_slice %arg9[%scan3A_69, %dma_wait3A_122] : memref<32x80xi32, #tpu.memory_space<vmem>> -> memref<1x80xi32, #tpu.memory_space<vmem>>
              %dma_wait3A_124 = tpu.memref_squeeze %dma_wait3A_123 : memref<1x80xi32, #tpu.memory_space<vmem>> -> memref<80xi32, #tpu.memory_space<vmem>>
              %dma_wait3A_125 = arith.constant 0 : i32
              %dma_wait3A_126 = arith.constant 0 : i32
              %dma_wait3A_127 = tpu.memref_slice %arg13[%dma_wait3A_125, %dma_wait3A_126] : memref<10016x128xf32, #tpu.memory_space<vmem_shared>> -> memref<10016x128xf32, #tpu.memory_space<vmem_shared>>
              tpu.wait_indirect_dma semaphore(%run_scoped3A : memref<!tpu.dma_semaphore, #tpu.memory_space<semaphore_mem>>) src(%arg11 : memref<80x128xf32, #tpu.memory_space<vmem>>) dst(%dma_wait3A_127 : memref<10016x128xf32, #tpu.memory_space<vmem_shared>>)
              tpu.yield
            }) : () -> ()
          } else {
          }
          %add3A_109 = arith.constant 3 : i32
          %add3A_110 = arith.addi %add3A_72, %add3A_109 : i32
          %lt3A_111 = arith.constant 128 : i32
          %lt3A_112 = arith.cmpi slt, %add3A_110, %lt3A_111 : i32
          %convert_element_type3A_113 = arith.extui %lt3A_112 : i1 to i32
          %cond3A_114 = arith.constant 0 : i32
          %cond3A_115 = arith.cmpi ne, %convert_element_type3A_113, %cond3A_114 : i32
          scf.if %cond3A_115 {
            %add3A_116 = arith.constant 3 : i32
            %add3A_117 = arith.addi %add3A_72, %add3A_116 : i32
            %mul3A_118 = arith.constant 80 : i32
            %mul3A_119 = arith.muli %add3A_117, %mul3A_118 : i32
            %multiple_of3A_120 = tpu.assume_multiple %mul3A_119, 16 : i32
            %dma_start3A_121 = tpu.memref_slice %arg7[%multiple_of3A_120] : memref<10240xi32, #tpu.memory_space<vmem>> -> memref<80xi32, #tpu.memory_space<vmem>>
            %dma_start3A_122 = arith.constant 0 : i32
            %dma_start3A_123 = arith.constant 0 : i32
            %dma_start3A_124 = tpu.memref_slice %arg2[%dma_start3A_122, %dma_start3A_123] : memref<10000x128xf32, #tpu.memory_space<hbm>> -> memref<10000x128xf32, #tpu.memory_space<hbm>>
            tpu.enqueue_indirect_dma source(%dma_start3A_124 : memref<10000x128xf32, #tpu.memory_space<hbm>>) target(%arg11 : memref<80x128xf32, #tpu.memory_space<vmem>>) offsets(%dma_start3A_121 : memref<80xi32, #tpu.memory_space<vmem>>) semaphore(%arg15 : memref<!tpu.dma_semaphore, #tpu.memory_space<semaphore_mem>>)
          } else {
          }
        } else {
        }
        %eq3A_85 = arith.constant 2 : i32
        %eq3A_86 = arith.cmpi eq, %rem3A_74, %eq3A_85 : i32
        %convert_element_type3A_87 = arith.extui %eq3A_86 : i1 to i32
        %cond3A_88 = arith.constant 0 : i32
        %cond3A_89 = arith.cmpi ne, %convert_element_type3A_87, %cond3A_88 : i32
        scf.if %cond3A_89 {
          %dma_wait3A = arith.constant 0 : i32
          %dma_wait3A_90 = arith.constant 0 : i32
          %dma_wait3A_91 = tpu.memref_slice %arg2[%dma_wait3A, %dma_wait3A_90] : memref<10000x128xf32, #tpu.memory_space<hbm>> -> memref<80x128xf32, #tpu.memory_space<hbm>>
          %dma_wait3A_92 = arith.constant 0 : i32
          %dma_wait3A_93 = arith.constant 0 : i32
          %dma_wait3A_94 = tpu.memref_slice %arg2[%dma_wait3A_92, %dma_wait3A_93] : memref<10000x128xf32, #tpu.memory_space<hbm>> -> memref<80x128xf32, #tpu.memory_space<hbm>>
          tpu.wait_dma2 semaphore(%arg16 : memref<!tpu.dma_semaphore, #tpu.memory_space<semaphore_mem>>) src(%dma_wait3A_94 : memref<80x128xf32, #tpu.memory_space<hbm>>) dst(%arg12 : memref<80x128xf32, #tpu.memory_space<vmem>>)
          %rem3A_95 = arith.constant 2 : i32
          %rem3A_96 = arith.remsi %scan3A_44, %rem3A_95 : i32
          %eq3A_97 = arith.constant 0 : i32
          %eq3A_98 = arith.cmpi eq, %rem3A_96, %eq3A_97 : i32
          %convert_element_type3A_99 = arith.extui %eq3A_98 : i1 to i32
          %cond3A_100 = arith.constant 0 : i32
          %cond3A_101 = arith.cmpi ne, %convert_element_type3A_99, %cond3A_100 : i32
          scf.if %cond3A_101 {
            "tpu.region"() ({
              %run_scoped3A = tpu.sem_alloc : memref<!tpu.dma_semaphore, #tpu.memory_space<semaphore_mem>>
              %dma_start3A_116 = arith.constant 0 : i32
              %dma_start3A_117 = tpu.memref_slice %arg8[%scan3A_69, %dma_start3A_116] : memref<32x80xi32, #tpu.memory_space<vmem>> -> memref<1x80xi32, #tpu.memory_space<vmem>>
              %dma_start3A_118 = tpu.memref_squeeze %dma_start3A_117 : memref<1x80xi32, #tpu.memory_space<vmem>> -> memref<80xi32, #tpu.memory_space<vmem>>
              %dma_start3A_119 = arith.constant 0 : i32
              %dma_start3A_120 = arith.constant 0 : i32
              %dma_start3A_121 = tpu.memref_slice %arg13[%dma_start3A_119, %dma_start3A_120] : memref<10016x128xf32, #tpu.memory_space<vmem_shared>> -> memref<10016x128xf32, #tpu.memory_space<vmem_shared>>
              tpu.enqueue_indirect_dma source(%arg12 : memref<80x128xf32, #tpu.memory_space<vmem>>) target(%dma_start3A_121 : memref<10016x128xf32, #tpu.memory_space<vmem_shared>>) offsets(%dma_start3A_118 : memref<80xi32, #tpu.memory_space<vmem>>) semaphore(%run_scoped3A : memref<!tpu.dma_semaphore, #tpu.memory_space<semaphore_mem>>) {add = true}
              %dma_wait3A_122 = arith.constant 0 : i32
              %dma_wait3A_123 = tpu.memref_slice %arg8[%scan3A_69, %dma_wait3A_122] : memref<32x80xi32, #tpu.memory_space<vmem>> -> memref<1x80xi32, #tpu.memory_space<vmem>>
              %dma_wait3A_124 = tpu.memref_squeeze %dma_wait3A_123 : memref<1x80xi32, #tpu.memory_space<vmem>> -> memref<80xi32, #tpu.memory_space<vmem>>
              %dma_wait3A_125 = arith.constant 0 : i32
              %dma_wait3A_126 = arith.constant 0 : i32
              %dma_wait3A_127 = tpu.memref_slice %arg13[%dma_wait3A_125, %dma_wait3A_126] : memref<10016x128xf32, #tpu.memory_space<vmem_shared>> -> memref<10016x128xf32, #tpu.memory_space<vmem_shared>>
              tpu.wait_indirect_dma semaphore(%run_scoped3A : memref<!tpu.dma_semaphore, #tpu.memory_space<semaphore_mem>>) src(%arg12 : memref<80x128xf32, #tpu.memory_space<vmem>>) dst(%dma_wait3A_127 : memref<10016x128xf32, #tpu.memory_space<vmem_shared>>)
              tpu.yield
            }) : () -> ()
          } else {
          }
          %rem3A_102 = arith.constant 2 : i32
          %rem3A_103 = arith.remsi %scan3A_44, %rem3A_102 : i32
          %eq3A_104 = arith.constant 1 : i32
          %eq3A_105 = arith.cmpi eq, %rem3A_103, %eq3A_104 : i32
          %convert_element_type3A_106 = arith.extui %eq3A_105 : i1 to i32
          %cond3A_107 = arith.constant 0 : i32
          %cond3A_108 = arith.cmpi ne, %convert_element_type3A_106, %cond3A_107 : i32
          scf.if %cond3A_108 {
            "tpu.region"() ({
              %run_scoped3A = tpu.sem_alloc : memref<!tpu.dma_semaphore, #tpu.memory_space<semaphore_mem>>
              %dma_start3A_116 = arith.constant 0 : i32
              %dma_start3A_117 = tpu.memref_slice %arg9[%scan3A_69, %dma_start3A_116] : memref<32x80xi32, #tpu.memory_space<vmem>> -> memref<1x80xi32, #tpu.memory_space<vmem>>
              %dma_start3A_118 = tpu.memref_squeeze %dma_start3A_117 : memref<1x80xi32, #tpu.memory_space<vmem>> -> memref<80xi32, #tpu.memory_space<vmem>>
              %dma_start3A_119 = arith.constant 0 : i32
              %dma_start3A_120 = arith.constant 0 : i32
              %dma_start3A_121 = tpu.memref_slice %arg13[%dma_start3A_119, %dma_start3A_120] : memref<10016x128xf32, #tpu.memory_space<vmem_shared>> -> memref<10016x128xf32, #tpu.memory_space<vmem_shared>>
              tpu.enqueue_indirect_dma source(%arg12 : memref<80x128xf32, #tpu.memory_space<vmem>>) target(%dma_start3A_121 : memref<10016x128xf32, #tpu.memory_space<vmem_shared>>) offsets(%dma_start3A_118 : memref<80xi32, #tpu.memory_space<vmem>>) semaphore(%run_scoped3A : memref<!tpu.dma_semaphore, #tpu.memory_space<semaphore_mem>>) {add = true}
              %dma_wait3A_122 = arith.constant 0 : i32
              %dma_wait3A_123 = tpu.memref_slice %arg9[%scan3A_69, %dma_wait3A_122] : memref<32x80xi32, #tpu.memory_space<vmem>> -> memref<1x80xi32, #tpu.memory_space<vmem>>
              %dma_wait3A_124 = tpu.memref_squeeze %dma_wait3A_123 : memref<1x80xi32, #tpu.memory_space<vmem>> -> memref<80xi32, #tpu.memory_space<vmem>>
              %dma_wait3A_125 = arith.constant 0 : i32
              %dma_wait3A_126 = arith.constant 0 : i32
              %dma_wait3A_127 = tpu.memref_slice %arg13[%dma_wait3A_125, %dma_wait3A_126] : memref<10016x128xf32, #tpu.memory_space<vmem_shared>> -> memref<10016x128xf32, #tpu.memory_space<vmem_shared>>
              tpu.wait_indirect_dma semaphore(%run_scoped3A : memref<!tpu.dma_semaphore, #tpu.memory_space<semaphore_mem>>) src(%arg12 : memref<80x128xf32, #tpu.memory_space<vmem>>) dst(%dma_wait3A_127 : memref<10016x128xf32, #tpu.memory_space<vmem_shared>>)
              tpu.yield
            }) : () -> ()
          } else {
          }
          %add3A_109 = arith.constant 3 : i32
          %add3A_110 = arith.addi %add3A_72, %add3A_109 : i32
          %lt3A_111 = arith.constant 128 : i32
          %lt3A_112 = arith.cmpi slt, %add3A_110, %lt3A_111 : i32
          %convert_element_type3A_113 = arith.extui %lt3A_112 : i1 to i32
          %cond3A_114 = arith.constant 0 : i32
          %cond3A_115 = arith.cmpi ne, %convert_element_type3A_113, %cond3A_114 : i32
          scf.if %cond3A_115 {
            %add3A_116 = arith.constant 3 : i32
            %add3A_117 = arith.addi %add3A_72, %add3A_116 : i32
            %mul3A_118 = arith.constant 80 : i32
            %mul3A_119 = arith.muli %add3A_117, %mul3A_118 : i32
            %multiple_of3A_120 = tpu.assume_multiple %mul3A_119, 16 : i32
            %dma_start3A_121 = tpu.memref_slice %arg7[%multiple_of3A_120] : memref<10240xi32, #tpu.memory_space<vmem>> -> memref<80xi32, #tpu.memory_space<vmem>>
            %dma_start3A_122 = arith.constant 0 : i32
            %dma_start3A_123 = arith.constant 0 : i32
            %dma_start3A_124 = tpu.memref_slice %arg2[%dma_start3A_122, %dma_start3A_123] : memref<10000x128xf32, #tpu.memory_space<hbm>> -> memref<10000x128xf32, #tpu.memory_space<hbm>>
            tpu.enqueue_indirect_dma source(%dma_start3A_124 : memref<10000x128xf32, #tpu.memory_space<hbm>>) target(%arg12 : memref<80x128xf32, #tpu.memory_space<vmem>>) offsets(%dma_start3A_121 : memref<80xi32, #tpu.memory_space<vmem>>) semaphore(%arg16 : memref<!tpu.dma_semaphore, #tpu.memory_space<semaphore_mem>>)
          } else {
          }
        } else {
        }
      }
      %scan3A_68 = arith.constant 32 : i32
    }
    %scan3A_36 = arith.constant 4 : i32
    %barrier3A_37 = arith.constant 0 : index
    tpu.barrier barrier_id(%barrier3A_37)
    %scan3A_38 = arith.constant 0 : i32
    %scan3A_39 = arith.constant 0 : i32
    %scan3A_40 = arith.constant 2 : i32
    %scan3A_41 = arith.addi %scan3A_39, %scan3A_40 : i32
    %scan3A_42 = arith.constant 1 : i32
    scf.for %scan3A_44 = %scan3A_39 to %scan3A_41 step %scan3A_42  : i32 {
      %mul3A_45 = arith.constant 16 : i32
      %mul3A_46 = arith.muli %mul3A_45, %scan3A_44 : i32
      %add3A_47 = arith.addi %arg1, %mul3A_46 : i32
      %lt3A = arith.constant 25 : i32
      %lt3A_48 = arith.cmpi slt, %add3A_47, %lt3A : i32
      %convert_element_type3A = arith.extui %lt3A_48 : i1 to i32
      %cond3A = arith.constant 0 : i32
      %cond3A_49 = arith.cmpi ne, %convert_element_type3A, %cond3A : i32
      scf.if %cond3A_49 {
        %mul3A_50 = arith.constant 400 : i32
        %mul3A_51 = arith.muli %add3A_47, %mul3A_50 : i32
        %multiple_of3A_52 = tpu.assume_multiple %mul3A_51, 8 : i32
        %eq3A = arith.constant 0 : i32
        %eq3A_53 = arith.cmpi eq, %arg0, %eq3A : i32
        %convert_element_type3A_54 = arith.extui %eq3A_53 : i1 to i32
        %cond3A_55 = arith.constant 0 : i32
        %cond3A_56 = arith.cmpi ne, %convert_element_type3A_54, %cond3A_55 : i32
        scf.if %cond3A_56 {
          "tpu.region"() ({
            %run_scoped3A = tpu.sem_alloc : memref<!tpu.dma_semaphore, #tpu.memory_space<semaphore_mem>>
            %dma_start3A_62 = arith.constant 0 : i32
            %dma_start3A_63 = tpu.memref_slice %arg5[%multiple_of3A_52, %dma_start3A_62] : memref<10000x128xf32, #tpu.memory_space<hbm>> -> memref<400x128xf32, #tpu.memory_space<hbm>>
            %dma_start3A_64 = arith.constant 0 : i32
            %dma_start3A_65 = tpu.memref_slice %arg13[%multiple_of3A_52, %dma_start3A_64] : memref<10016x128xf32, #tpu.memory_space<vmem_shared>> -> memref<400x128xf32, #tpu.memory_space<vmem_shared>>
            tpu.enqueue_dma source(%dma_start3A_65 : memref<400x128xf32, #tpu.memory_space<vmem_shared>>) target(%dma_start3A_63 : memref<400x128xf32, #tpu.memory_space<hbm>>) target_semaphore(%run_scoped3A : memref<!tpu.dma_semaphore, #tpu.memory_space<semaphore_mem>>)
            %dma_wait3A = arith.constant 0 : i32
            %dma_wait3A_66 = tpu.memref_slice %arg5[%multiple_of3A_52, %dma_wait3A] : memref<10000x128xf32, #tpu.memory_space<hbm>> -> memref<400x128xf32, #tpu.memory_space<hbm>>
            %dma_wait3A_67 = arith.constant 0 : i32
            %dma_wait3A_68 = tpu.memref_slice %arg13[%multiple_of3A_52, %dma_wait3A_67] : memref<10016x128xf32, #tpu.memory_space<vmem_shared>> -> memref<400x128xf32, #tpu.memory_space<vmem_shared>>
            tpu.wait_dma2 semaphore(%run_scoped3A : memref<!tpu.dma_semaphore, #tpu.memory_space<semaphore_mem>>) src(%dma_wait3A_68 : memref<400x128xf32, #tpu.memory_space<vmem_shared>>) dst(%dma_wait3A_66 : memref<400x128xf32, #tpu.memory_space<hbm>>)
            tpu.yield
          }) : () -> ()
        } else {
        }
        %eq3A_57 = arith.constant 1 : i32
        %eq3A_58 = arith.cmpi eq, %arg0, %eq3A_57 : i32
        %convert_element_type3A_59 = arith.extui %eq3A_58 : i1 to i32
        %cond3A_60 = arith.constant 0 : i32
        %cond3A_61 = arith.cmpi ne, %convert_element_type3A_59, %cond3A_60 : i32
        scf.if %cond3A_61 {
          "tpu.region"() ({
            %run_scoped3A = tpu.sem_alloc : memref<!tpu.dma_semaphore, #tpu.memory_space<semaphore_mem>>
            %dma_start3A_62 = arith.constant 0 : i32
            %dma_start3A_63 = tpu.memref_slice %arg6[%multiple_of3A_52, %dma_start3A_62] : memref<10000x128xf32, #tpu.memory_space<hbm>> -> memref<400x128xf32, #tpu.memory_space<hbm>>
            %dma_start3A_64 = arith.constant 0 : i32
            %dma_start3A_65 = tpu.memref_slice %arg13[%multiple_of3A_52, %dma_start3A_64] : memref<10016x128xf32, #tpu.memory_space<vmem_shared>> -> memref<400x128xf32, #tpu.memory_space<vmem_shared>>
            tpu.enqueue_dma source(%dma_start3A_65 : memref<400x128xf32, #tpu.memory_space<vmem_shared>>) target(%dma_start3A_63 : memref<400x128xf32, #tpu.memory_space<hbm>>) target_semaphore(%run_scoped3A : memref<!tpu.dma_semaphore, #tpu.memory_space<semaphore_mem>>)
            %dma_wait3A = arith.constant 0 : i32
            %dma_wait3A_66 = tpu.memref_slice %arg6[%multiple_of3A_52, %dma_wait3A] : memref<10000x128xf32, #tpu.memory_space<hbm>> -> memref<400x128xf32, #tpu.memory_space<hbm>>
            %dma_wait3A_67 = arith.constant 0 : i32
            %dma_wait3A_68 = tpu.memref_slice %arg13[%multiple_of3A_52, %dma_wait3A_67] : memref<10016x128xf32, #tpu.memory_space<vmem_shared>> -> memref<400x128xf32, #tpu.memory_space<vmem_shared>>
            tpu.wait_dma2 semaphore(%run_scoped3A : memref<!tpu.dma_semaphore, #tpu.memory_space<semaphore_mem>>) src(%dma_wait3A_68 : memref<400x128xf32, #tpu.memory_space<vmem_shared>>) dst(%dma_wait3A_66 : memref<400x128xf32, #tpu.memory_space<hbm>>)
            tpu.yield
          }) : () -> ()
        } else {
        }
      } else {
      }
    }
    %scan3A_43 = arith.constant 2 : i32
    return
  }
}

module attributes {stable_mosaic.version = 14 : i64} {
  func.func @_g1_body(%arg0: i32, %arg1: memref<2000x128xf32, #tpu.memory_space<vmem>>, %arg2: memref<128x128xf32, #tpu.memory_space<vmem>>, %arg3: memref<2000x1xf32, #tpu.memory_space<vmem>>, %arg4: memref<2000x1xf32, #tpu.memory_space<vmem>>, %arg5: memref<2000x128xf32, #tpu.memory_space<vmem>>, %arg6: memref<2000x1xf32, #tpu.memory_space<vmem>>) attributes {dimension_semantics = [#tpu.dimension_semantics<arbitrary>], iteration_bounds = array<i64: 5>, scalar_prefetch = 0 : i64, scratch_operands = 0 : i64, tpu.core_type = #tpu.core_type<tc>, window_params = [{transform_indices = @transform_0, window_bounds = array<i64: 2000, 128>}, {pipeline_mode = #tpu.pipeline_mode<synchronous>, transform_indices = @transform_1, window_bounds = array<i64: 128, 128>}, {transform_indices = @transform_2, window_bounds = array<i64: 2000, 1>}, {transform_indices = @transform_3, window_bounds = array<i64: 2000, 1>}, {transform_indices = @transform_4, window_bounds = array<i64: 2000, 128>}, {transform_indices = @transform_5, window_bounds = array<i64: 2000, 1>}]} {
    %get3A = arith.constant 0 : index
    %get3A_0 = arith.constant 0 : index
    %get3A_1 = vector.load %arg3[%get3A, %get3A_0] : memref<2000x1xf32, #tpu.memory_space<vmem>>, vector<2000x1xf32>
    %get3A_2 = arith.constant 0 : index
    %get3A_3 = arith.constant 0 : index
    %get3A_4 = vector.load %arg4[%get3A_2, %get3A_3] : memref<2000x1xf32, #tpu.memory_space<vmem>>, vector<2000x1xf32>
    %add3A = arith.addf %get3A_1, %get3A_4 : vector<2000x1xf32>
    %add3A_5 = arith.constant 1.000000e+00 : f32
    %add3A_6 = vector.broadcast %add3A_5 : f32 to vector<2000x1xf32>
    %add3A_7 = arith.addf %add3A_6, %add3A : vector<2000x1xf32>
    %rsqrt3A = math.rsqrt %add3A_7 : vector<2000x1xf32>
    %get3A_8 = arith.constant 0 : index
    %get3A_9 = arith.constant 0 : index
    %get3A_10 = vector.load %arg1[%get3A_8, %get3A_9] : memref<2000x128xf32, #tpu.memory_space<vmem>>, vector<2000x128xf32>
    %get3A_11 = arith.constant 0 : index
    %get3A_12 = arith.constant 0 : index
    %get3A_13 = vector.load %arg2[%get3A_11, %get3A_12] : memref<128x128xf32, #tpu.memory_space<vmem>>, vector<128x128xf32>
    %dot_general3A = arith.constant dense<0.000000e+00> : vector<2000x128xf32>
    %dot_general3A_14 = tpu.matmul %get3A_10, %get3A_13, %dot_general3A {dimension_numbers = #tpu.dot_dimension_numbers<[1], [0], [0], [1], [0, 0, 1, 1], [], []>, transpose_lhs_hint = false} : vector<2000x128xf32>, vector<128x128xf32>, vector<2000x128xf32> -> vector<2000x128xf32>
    %mul3A = vector.broadcast %rsqrt3A : vector<2000x1xf32> to vector<2000x128xf32>
    %mul3A_15 = arith.mulf %dot_general3A_14, %mul3A : vector<2000x128xf32>
    %swap3A = arith.constant 0 : index
    %swap3A_16 = arith.constant 0 : index
    %swap3A_17 = vector.load %arg5[%swap3A, %swap3A_16] : memref<2000x128xf32, #tpu.memory_space<vmem>>, vector<2000x128xf32>
    tpu.vector_store %arg5[%swap3A, %swap3A_16], %mul3A_15 {strides = array<i32>} : memref<2000x128xf32, #tpu.memory_space<vmem>>, vector<2000x128xf32>,
    %swap3A_18 = arith.constant 0 : index
    %swap3A_19 = arith.constant 0 : index
    %swap3A_20 = vector.load %arg6[%swap3A_18, %swap3A_19] : memref<2000x1xf32, #tpu.memory_space<vmem>>, vector<2000x1xf32>
    tpu.vector_store %arg6[%swap3A_18, %swap3A_19], %rsqrt3A {strides = array<i32>} : memref<2000x1xf32, #tpu.memory_space<vmem>>, vector<2000x1xf32>,
    return
  }
  func.func @transform_0(%arg0: i32) -> (i32, i32) {
    %c0_i32 = arith.constant 0 : i32
    %c0_i32_0 = arith.constant 0 : i32
    return %arg0, %c0_i32 : i32, i32
  }
  func.func @transform_1(%arg0: i32) -> (i32, i32) {
    %c0_i32 = arith.constant 0 : i32
    %c0_i32_0 = arith.constant 0 : i32
    %c0_i32_1 = arith.constant 0 : i32
    return %c0_i32, %c0_i32_0 : i32, i32
  }
  func.func @transform_2(%arg0: i32) -> (i32, i32) {
    %c0_i32 = arith.constant 0 : i32
    %c0_i32_0 = arith.constant 0 : i32
    return %arg0, %c0_i32 : i32, i32
  }
  func.func @transform_3(%arg0: i32) -> (i32, i32) {
    %c0_i32 = arith.constant 0 : i32
    %c0_i32_0 = arith.constant 0 : i32
    return %arg0, %c0_i32 : i32, i32
  }
  func.func @transform_4(%arg0: i32) -> (i32, i32) {
    %c0_i32 = arith.constant 0 : i32
    %c0_i32_0 = arith.constant 0 : i32
    return %arg0, %c0_i32 : i32, i32
  }
  func.func @transform_5(%arg0: i32) -> (i32, i32) {
    %c0_i32 = arith.constant 0 : i32
    %c0_i32_0 = arith.constant 0 : i32
    return %arg0, %c0_i32 : i32, i32
  }
}

module attributes {stable_mosaic.version = 14 : i64} {
  func.func @_stats_body(%arg0: i32, %arg1: memref<2000x128xf32, #tpu.memory_space<vmem>>, %arg2: memref<2000x128xf32, #tpu.memory_space<vmem>>, %arg3: memref<2000x128xf32, #tpu.memory_space<vmem>>, %arg4: memref<2000x1xf32, #tpu.memory_space<vmem>>, %arg5: memref<1x128xf32, #tpu.memory_space<vmem>>, %arg6: memref<2000x128xf32, #tpu.memory_space<vmem>>, %arg7: memref<2x128xf32, #tpu.memory_space<vmem>>) attributes {dimension_semantics = [#tpu.dimension_semantics<arbitrary>], iteration_bounds = array<i64: 5>, scalar_prefetch = 0 : i64, scratch_operands = 0 : i64, tpu.core_type = #tpu.core_type<tc>, window_params = [{transform_indices = @transform_0, window_bounds = array<i64: 2000, 128>}, {transform_indices = @transform_1, window_bounds = array<i64: 2000, 128>}, {transform_indices = @transform_2, window_bounds = array<i64: 2000, 128>}, {transform_indices = @transform_3, window_bounds = array<i64: 2000, 1>}, {pipeline_mode = #tpu.pipeline_mode<synchronous>, transform_indices = @transform_4, window_bounds = array<i64: 1, 128>}, {transform_indices = @transform_5, window_bounds = array<i64: 2000, 128>}, {pipeline_mode = #tpu.pipeline_mode<synchronous>, transform_indices = @transform_6, window_bounds = array<i64: 2, 128>}]} {
    %get3A = arith.constant 0 : index
    %get3A_0 = arith.constant 0 : index
    %get3A_1 = vector.load %arg1[%get3A, %get3A_0] : memref<2000x128xf32, #tpu.memory_space<vmem>>, vector<2000x128xf32>
    %get3A_2 = arith.constant 0 : index
    %get3A_3 = arith.constant 0 : index
    %get3A_4 = vector.load %arg2[%get3A_2, %get3A_3] : memref<2000x128xf32, #tpu.memory_space<vmem>>, vector<2000x128xf32>
    %add3A = arith.addf %get3A_1, %get3A_4 : vector<2000x128xf32>
    %get3A_5 = arith.constant 0 : index
    %get3A_6 = arith.constant 0 : index
    %get3A_7 = vector.load %arg3[%get3A_5, %get3A_6] : memref<2000x128xf32, #tpu.memory_space<vmem>>, vector<2000x128xf32>
    %add3A_8 = arith.addf %add3A, %get3A_7 : vector<2000x128xf32>
    %get3A_9 = arith.constant 0 : index
    %get3A_10 = arith.constant 0 : index
    %get3A_11 = vector.load %arg4[%get3A_9, %get3A_10] : memref<2000x1xf32, #tpu.memory_space<vmem>>, vector<2000x1xf32>
    %mul3A = vector.broadcast %get3A_11 : vector<2000x1xf32> to vector<2000x128xf32>
    %mul3A_12 = arith.mulf %add3A_8, %mul3A : vector<2000x128xf32>
    %get3A_13 = arith.constant 0 : index
    %get3A_14 = arith.constant 0 : index
    %get3A_15 = vector.load %arg5[%get3A_13, %get3A_14] : memref<1x128xf32, #tpu.memory_space<vmem>>, vector<1x128xf32>
    %add3A_16 = vector.broadcast %get3A_15 : vector<1x128xf32> to vector<2000x128xf32>
    %add3A_17 = arith.addf %mul3A_12, %add3A_16 : vector<2000x128xf32>
    %max3A = arith.constant 0.000000e+00 : f32
    %max3A_18 = vector.broadcast %max3A : f32 to vector<2000x128xf32>
    %max3A_19 = arith.maximumf %add3A_17, %max3A_18 : vector<2000x128xf32>
    %swap3A = arith.constant 0 : index
    %swap3A_20 = arith.constant 0 : index
    %swap3A_21 = vector.load %arg6[%swap3A, %swap3A_20] : memref<2000x128xf32, #tpu.memory_space<vmem>>, vector<2000x128xf32>
    tpu.vector_store %arg6[%swap3A, %swap3A_20], %max3A_19 {strides = array<i32>} : memref<2000x128xf32, #tpu.memory_space<vmem>>, vector<2000x128xf32>,
    %reduce_sum3A = arith.constant dense<0.000000e+00> : vector<128xf32>
    %reduce_sum3A_22 = vector.multi_reduction <add>, %max3A_19, %reduce_sum3A [0] : vector<2000x128xf32> to vector<128xf32>
    %broadcast_in_dim3A = vector.shape_cast %reduce_sum3A_22 : vector<128xf32> to vector<1x128xf32>
    %mul3A_23 = arith.mulf %max3A_19, %max3A_19 : vector<2000x128xf32>
    %reduce_sum3A_24 = arith.constant dense<0.000000e+00> : vector<128xf32>
    %reduce_sum3A_25 = vector.multi_reduction <add>, %mul3A_23, %reduce_sum3A_24 [0] : vector<2000x128xf32> to vector<128xf32>
    %broadcast_in_dim3A_26 = vector.shape_cast %reduce_sum3A_25 : vector<128xf32> to vector<1x128xf32>
    %concatenate3A = tpu.concatenate %broadcast_in_dim3A, %broadcast_in_dim3A_26 in 0 : vector<1x128xf32>, vector<1x128xf32> -> vector<2x128xf32>
    %eq3A = arith.constant 0 : i32
    %eq3A_27 = arith.cmpi eq, %arg0, %eq3A : i32
    %convert_element_type3A = arith.extui %eq3A_27 : i1 to i32
    %cond3A = arith.constant 0 : i32
    %cond3A_28 = arith.cmpi ne, %convert_element_type3A, %cond3A : i32
    scf.if %cond3A_28 {
      %swap3A_33 = arith.constant 0 : index
      %swap3A_34 = arith.constant 0 : index
      %swap3A_35 = vector.load %arg7[%swap3A_33, %swap3A_34] : memref<2x128xf32, #tpu.memory_space<vmem>>, vector<2x128xf32>
      tpu.vector_store %arg7[%swap3A_33, %swap3A_34], %concatenate3A {strides = array<i32>} : memref<2x128xf32, #tpu.memory_space<vmem>>, vector<2x128xf32>,
    } else {
    }
    %gt3A = arith.constant 0 : i32
    %gt3A_29 = arith.cmpi sgt, %arg0, %gt3A : i32
    %convert_element_type3A_30 = arith.extui %gt3A_29 : i1 to i32
    %cond3A_31 = arith.constant 0 : i32
    %cond3A_32 = arith.cmpi ne, %convert_element_type3A_30, %cond3A_31 : i32
    scf.if %cond3A_32 {
      %get3A_33 = arith.constant 0 : index
      %get3A_34 = arith.constant 0 : index
      %get3A_35 = vector.load %arg7[%get3A_33, %get3A_34] : memref<2x128xf32, #tpu.memory_space<vmem>>, vector<2x128xf32>
      %add3A_36 = arith.addf %get3A_35, %concatenate3A : vector<2x128xf32>
      %swap3A_37 = arith.constant 0 : index
      %swap3A_38 = arith.constant 0 : index
      %swap3A_39 = vector.load %arg7[%swap3A_37, %swap3A_38] : memref<2x128xf32, #tpu.memory_space<vmem>>, vector<2x128xf32>
      tpu.vector_store %arg7[%swap3A_37, %swap3A_38], %add3A_36 {strides = array<i32>} : memref<2x128xf32, #tpu.memory_space<vmem>>, vector<2x128xf32>,
    } else {
    }
    return
  }
  func.func @transform_0(%arg0: i32) -> (i32, i32) {
    %c0_i32 = arith.constant 0 : i32
    %c0_i32_0 = arith.constant 0 : i32
    return %arg0, %c0_i32 : i32, i32
  }
  func.func @transform_1(%arg0: i32) -> (i32, i32) {
    %c0_i32 = arith.constant 0 : i32
    %c0_i32_0 = arith.constant 0 : i32
    return %arg0, %c0_i32 : i32, i32
  }
  func.func @transform_2(%arg0: i32) -> (i32, i32) {
    %c0_i32 = arith.constant 0 : i32
    %c0_i32_0 = arith.constant 0 : i32
    return %arg0, %c0_i32 : i32, i32
  }
  func.func @transform_3(%arg0: i32) -> (i32, i32) {
    %c0_i32 = arith.constant 0 : i32
    %c0_i32_0 = arith.constant 0 : i32
    return %arg0, %c0_i32 : i32, i32
  }
  func.func @transform_4(%arg0: i32) -> (i32, i32) {
    %c0_i32 = arith.constant 0 : i32
    %c0_i32_0 = arith.constant 0 : i32
    %c0_i32_1 = arith.constant 0 : i32
    return %c0_i32, %c0_i32_0 : i32, i32
  }
  func.func @transform_5(%arg0: i32) -> (i32, i32) {
    %c0_i32 = arith.constant 0 : i32
    %c0_i32_0 = arith.constant 0 : i32
    return %arg0, %c0_i32 : i32, i32
  }
  func.func @transform_6(%arg0: i32) -> (i32, i32) {
    %c0_i32 = arith.constant 0 : i32
    %c0_i32_0 = arith.constant 0 : i32
    %c0_i32_1 = arith.constant 0 : i32
    return %c0_i32, %c0_i32_0 : i32, i32
  }
}

module attributes {stable_mosaic.version = 14 : i64} {
  func.func @_mid_body(%arg0: i32, %arg1: memref<2000x128xf32, #tpu.memory_space<vmem>>, %arg2: memref<2x128xf32, #tpu.memory_space<vmem>>, %arg3: memref<2000x1xf32, #tpu.memory_space<vmem>>, %arg4: memref<1x128xf32, #tpu.memory_space<vmem>>, %arg5: memref<1x128xf32, #tpu.memory_space<vmem>>, %arg6: memref<1x128xf32, #tpu.memory_space<vmem>>, %arg7: memref<1x128xf32, #tpu.memory_space<vmem>>, %arg8: memref<1x128xf32, #tpu.memory_space<vmem>>, %arg9: memref<128x128xf32, #tpu.memory_space<vmem>>, %arg10: memref<2000x128xf32, #tpu.memory_space<vmem>>) attributes {dimension_semantics = [#tpu.dimension_semantics<arbitrary>], iteration_bounds = array<i64: 5>, scalar_prefetch = 0 : i64, scratch_operands = 0 : i64, tpu.core_type = #tpu.core_type<tc>, window_params = [{transform_indices = @transform_0, window_bounds = array<i64: 2000, 128>}, {pipeline_mode = #tpu.pipeline_mode<synchronous>, transform_indices = @transform_1, window_bounds = array<i64: 2, 128>}, {transform_indices = @transform_2, window_bounds = array<i64: 2000, 1>}, {pipeline_mode = #tpu.pipeline_mode<synchronous>, transform_indices = @transform_3, window_bounds = array<i64: 1, 128>}, {pipeline_mode = #tpu.pipeline_mode<synchronous>, transform_indices = @transform_4, window_bounds = array<i64: 1, 128>}, {pipeline_mode = #tpu.pipeline_mode<synchronous>, transform_indices = @transform_5, window_bounds = array<i64: 1, 128>}, {pipeline_mode = #tpu.pipeline_mode<synchronous>, transform_indices = @transform_6, window_bounds = array<i64: 1, 128>}, {pipeline_mode = #tpu.pipeline_mode<synchronous>, transform_indices = @transform_7, window_bounds = array<i64: 1, 128>}, {pipeline_mode = #tpu.pipeline_mode<synchronous>, transform_indices = @transform_8, window_bounds = array<i64: 128, 128>}, {transform_indices = @transform_9, window_bounds = array<i64: 2000, 128>}]} {
    %get3A = arith.constant 0 : index
    %get3A_0 = arith.constant 0 : index
    %get3A_1 = vector.load %arg1[%get3A, %get3A_0] : memref<2000x128xf32, #tpu.memory_space<vmem>>, vector<2000x128xf32>
    %get3A_2 = arith.constant 0 : index
    %get3A_3 = arith.constant 0 : index
    %get3A_4 = vector.load %arg2[%get3A_2, %get3A_3] : memref<2x128xf32, #tpu.memory_space<vmem>>, vector<2x128xf32>
    %get3A_5 = arith.constant 0 : index
    %get3A_6 = arith.constant 0 : index
    %get3A_7 = vector.load %arg4[%get3A_5, %get3A_6] : memref<1x128xf32, #tpu.memory_space<vmem>>, vector<1x128xf32>
    %get3A_8 = arith.constant 0 : index
    %get3A_9 = arith.constant 0 : index
    %get3A_10 = vector.load %arg5[%get3A_8, %get3A_9] : memref<1x128xf32, #tpu.memory_space<vmem>>, vector<1x128xf32>
    %get3A_11 = arith.constant 0 : index
    %get3A_12 = arith.constant 0 : index
    %get3A_13 = vector.load %arg6[%get3A_11, %get3A_12] : memref<1x128xf32, #tpu.memory_space<vmem>>, vector<1x128xf32>
    %get3A_14 = arith.constant 0 : index
    %get3A_15 = arith.constant 0 : index
    %get3A_16 = vector.load %arg7[%get3A_14, %get3A_15] : memref<1x128xf32, #tpu.memory_space<vmem>>, vector<1x128xf32>
    %get3A_17 = arith.constant 0 : index
    %get3A_18 = arith.constant 0 : index
    %get3A_19 = vector.load %arg8[%get3A_17, %get3A_18] : memref<1x128xf32, #tpu.memory_space<vmem>>, vector<1x128xf32>
    %slice3A = vector.extract_strided_slice %get3A_4 {offsets = [0, 0], sizes = [1, 128], strides = [1, 1]} : vector<2x128xf32> to vector<1x128xf32>
    %mul3A = arith.constant 9.99999974E-5 : f32
    %mul3A_20 = vector.broadcast %mul3A : f32 to vector<1x128xf32>
    %mul3A_21 = arith.mulf %slice3A, %mul3A_20 : vector<1x128xf32>
    %slice3A_22 = vector.extract_strided_slice %get3A_4 {offsets = [1, 0], sizes = [1, 128], strides = [1, 1]} : vector<2x128xf32> to vector<1x128xf32>
    %mul3A_23 = arith.constant 9.99999974E-5 : f32
    %mul3A_24 = vector.broadcast %mul3A_23 : f32 to vector<1x128xf32>
    %mul3A_25 = arith.mulf %slice3A_22, %mul3A_24 : vector<1x128xf32>
    %mul3A_26 = arith.mulf %mul3A_21, %get3A_13 : vector<1x128xf32>
    %mul3A_27 = arith.constant 2.000000e+00 : f32
    %mul3A_28 = vector.broadcast %mul3A_27 : f32 to vector<1x128xf32>
    %mul3A_29 = arith.mulf %mul3A_28, %mul3A_26 : vector<1x128xf32>
    %mul3A_30 = arith.mulf %mul3A_29, %mul3A_21 : vector<1x128xf32>
    %sub3A = arith.subf %mul3A_25, %mul3A_30 : vector<1x128xf32>
    %mul3A_31 = arith.mulf %mul3A_26, %mul3A_26 : vector<1x128xf32>
    %add3A = arith.addf %sub3A, %mul3A_31 : vector<1x128xf32>
    %sub3A_32 = vector.broadcast %mul3A_26 : vector<1x128xf32> to vector<2000x128xf32>
    %sub3A_33 = arith.subf %get3A_1, %sub3A_32 : vector<2000x128xf32>
    %mul3A_34 = vector.broadcast %get3A_7 : vector<1x128xf32> to vector<2000x128xf32>
    %mul3A_35 = arith.mulf %mul3A_34, %sub3A_33 : vector<2000x128xf32>
    %add3A_36 = arith.constant 9.99999974E-6 : f32
    %add3A_37 = vector.broadcast %add3A_36 : f32 to vector<1x128xf32>
    %add3A_38 = arith.addf %add3A, %add3A_37 : vector<1x128xf32>
    %rsqrt3A = math.rsqrt %add3A_38 : vector<1x128xf32>
    %mul3A_39 = vector.broadcast %rsqrt3A : vector<1x128xf32> to vector<2000x128xf32>
    %mul3A_40 = arith.mulf %mul3A_35, %mul3A_39 : vector<2000x128xf32>
    %add3A_41 = vector.broadcast %get3A_10 : vector<1x128xf32> to vector<2000x128xf32>
    %add3A_42 = arith.addf %mul3A_40, %add3A_41 : vector<2000x128xf32>
    %reduce_sum3A = arith.constant dense<0.000000e+00> : vector<2000xf32>
    %reduce_sum3A_43 = vector.multi_reduction <add>, %add3A_42, %reduce_sum3A [1] : vector<2000x128xf32> to vector<2000xf32>
    %broadcast_in_dim3A = vector.shape_cast %reduce_sum3A_43 : vector<2000xf32> to vector<2000x1xf32>
    %div3A = arith.constant 1.280000e+02 : f32
    %div3A_44 = vector.broadcast %div3A : f32 to vector<2000x1xf32>
    %div3A_45 = arith.divf %broadcast_in_dim3A, %div3A_44 : vector<2000x1xf32>
    %sub3A_46 = vector.broadcast %div3A_45 : vector<2000x1xf32> to vector<2000x128xf32>
    %sub3A_47 = arith.subf %add3A_42, %sub3A_46 : vector<2000x128xf32>
    %mul3A_48 = arith.mulf %sub3A_47, %sub3A_47 : vector<2000x128xf32>
    %reduce_sum3A_49 = arith.constant dense<0.000000e+00> : vector<2000xf32>
    %reduce_sum3A_50 = vector.multi_reduction <add>, %mul3A_48, %reduce_sum3A_49 [1] : vector<2000x128xf32> to vector<2000xf32>
    %broadcast_in_dim3A_51 = vector.shape_cast %reduce_sum3A_50 : vector<2000xf32> to vector<2000x1xf32>
    %div3A_52 = arith.constant 1.280000e+02 : f32
    %div3A_53 = vector.broadcast %div3A_52 : f32 to vector<2000x1xf32>
    %div3A_54 = arith.divf %broadcast_in_dim3A_51, %div3A_53 : vector<2000x1xf32>
    %add3A_55 = arith.constant 9.99999974E-6 : f32
    %add3A_56 = vector.broadcast %add3A_55 : f32 to vector<2000x1xf32>
    %add3A_57 = arith.addf %div3A_54, %add3A_56 : vector<2000x1xf32>
    %rsqrt3A_58 = math.rsqrt %add3A_57 : vector<2000x1xf32>
    %mul3A_59 = vector.broadcast %rsqrt3A_58 : vector<2000x1xf32> to vector<2000x128xf32>
    %mul3A_60 = arith.mulf %sub3A_47, %mul3A_59 : vector<2000x128xf32>
    %mul3A_61 = vector.broadcast %get3A_16 : vector<1x128xf32> to vector<2000x128xf32>
    %mul3A_62 = arith.mulf %mul3A_60, %mul3A_61 : vector<2000x128xf32>
    %add3A_63 = vector.broadcast %get3A_19 : vector<1x128xf32> to vector<2000x128xf32>
    %add3A_64 = arith.addf %mul3A_62, %add3A_63 : vector<2000x128xf32>
    %get3A_65 = arith.constant 0 : index
    %get3A_66 = arith.constant 0 : index
    %get3A_67 = vector.load %arg9[%get3A_65, %get3A_66] : memref<128x128xf32, #tpu.memory_space<vmem>>, vector<128x128xf32>
    %dot_general3A = arith.constant dense<0.000000e+00> : vector<2000x128xf32>
    %dot_general3A_68 = tpu.matmul %add3A_64, %get3A_67, %dot_general3A {dimension_numbers = #tpu.dot_dimension_numbers<[1], [0], [0], [1], [0, 0, 1, 1], [], []>, transpose_lhs_hint = false} : vector<2000x128xf32>, vector<128x128xf32>, vector<2000x128xf32> -> vector<2000x128xf32>
    %get3A_69 = arith.constant 0 : index
    %get3A_70 = arith.constant 0 : index
    %get3A_71 = vector.load %arg3[%get3A_69, %get3A_70] : memref<2000x1xf32, #tpu.memory_space<vmem>>, vector<2000x1xf32>
    %mul3A_72 = vector.broadcast %get3A_71 : vector<2000x1xf32> to vector<2000x128xf32>
    %mul3A_73 = arith.mulf %dot_general3A_68, %mul3A_72 : vector<2000x128xf32>
    %swap3A = arith.constant 0 : index
    %swap3A_74 = arith.constant 0 : index
    %swap3A_75 = vector.load %arg10[%swap3A, %swap3A_74] : memref<2000x128xf32, #tpu.memory_space<vmem>>, vector<2000x128xf32>
    tpu.vector_store %arg10[%swap3A, %swap3A_74], %mul3A_73 {strides = array<i32>} : memref<2000x128xf32, #tpu.memory_space<vmem>>, vector<2000x128xf32>,
    return
  }
  func.func @transform_0(%arg0: i32) -> (i32, i32) {
    %c0_i32 = arith.constant 0 : i32
    %c0_i32_0 = arith.constant 0 : i32
    return %arg0, %c0_i32 : i32, i32
  }
  func.func @transform_1(%arg0: i32) -> (i32, i32) {
    %c0_i32 = arith.constant 0 : i32
    %c0_i32_0 = arith.constant 0 : i32
    %c0_i32_1 = arith.constant 0 : i32
    return %c0_i32, %c0_i32_0 : i32, i32
  }
  func.func @transform_2(%arg0: i32) -> (i32, i32) {
    %c0_i32 = arith.constant 0 : i32
    %c0_i32_0 = arith.constant 0 : i32
    return %arg0, %c0_i32 : i32, i32
  }
  func.func @transform_3(%arg0: i32) -> (i32, i32) {
    %c0_i32 = arith.constant 0 : i32
    %c0_i32_0 = arith.constant 0 : i32
    %c0_i32_1 = arith.constant 0 : i32
    return %c0_i32, %c0_i32_0 : i32, i32
  }
  func.func @transform_4(%arg0: i32) -> (i32, i32) {
    %c0_i32 = arith.constant 0 : i32
    %c0_i32_0 = arith.constant 0 : i32
    %c0_i32_1 = arith.constant 0 : i32
    return %c0_i32, %c0_i32_0 : i32, i32
  }
  func.func @transform_5(%arg0: i32) -> (i32, i32) {
    %c0_i32 = arith.constant 0 : i32
    %c0_i32_0 = arith.constant 0 : i32
    %c0_i32_1 = arith.constant 0 : i32
    return %c0_i32, %c0_i32_0 : i32, i32
  }
  func.func @transform_6(%arg0: i32) -> (i32, i32) {
    %c0_i32 = arith.constant 0 : i32
    %c0_i32_0 = arith.constant 0 : i32
    %c0_i32_1 = arith.constant 0 : i32
    return %c0_i32, %c0_i32_0 : i32, i32
  }
  func.func @transform_7(%arg0: i32) -> (i32, i32) {
    %c0_i32 = arith.constant 0 : i32
    %c0_i32_0 = arith.constant 0 : i32
    %c0_i32_1 = arith.constant 0 : i32
    return %c0_i32, %c0_i32_0 : i32, i32
  }
  func.func @transform_8(%arg0: i32) -> (i32, i32) {
    %c0_i32 = arith.constant 0 : i32
    %c0_i32_0 = arith.constant 0 : i32
    %c0_i32_1 = arith.constant 0 : i32
    return %c0_i32, %c0_i32_0 : i32, i32
  }
  func.func @transform_9(%arg0: i32) -> (i32, i32) {
    %c0_i32 = arith.constant 0 : i32
    %c0_i32_0 = arith.constant 0 : i32
    return %arg0, %c0_i32 : i32, i32
  }
}

module attributes {stable_mosaic.version = 14 : i64} {
  func.func @_final_body(%arg0: i32, %arg1: memref<2000x128xf32, #tpu.memory_space<vmem>>, %arg2: memref<2x128xf32, #tpu.memory_space<vmem>>, %arg3: memref<1x128xf32, #tpu.memory_space<vmem>>, %arg4: memref<1x128xf32, #tpu.memory_space<vmem>>, %arg5: memref<1x128xf32, #tpu.memory_space<vmem>>, %arg6: memref<1x128xf32, #tpu.memory_space<vmem>>, %arg7: memref<1x128xf32, #tpu.memory_space<vmem>>, %arg8: memref<128x128xf32, #tpu.memory_space<vmem>>, %arg9: memref<1x128xf32, #tpu.memory_space<vmem>>, %arg10: memref<1x128xf32, #tpu.memory_space<vmem>>, %arg11: memref<1x128xf32, #tpu.memory_space<vmem>>) attributes {dimension_semantics = [#tpu.dimension_semantics<arbitrary>], iteration_bounds = array<i64: 5>, scalar_prefetch = 0 : i64, scratch_operands = 1 : i64, tpu.core_type = #tpu.core_type<tc>, window_params = [{transform_indices = @transform_0, window_bounds = array<i64: 2000, 128>}, {pipeline_mode = #tpu.pipeline_mode<synchronous>, transform_indices = @transform_1, window_bounds = array<i64: 2, 128>}, {pipeline_mode = #tpu.pipeline_mode<synchronous>, transform_indices = @transform_2, window_bounds = array<i64: 1, 128>}, {pipeline_mode = #tpu.pipeline_mode<synchronous>, transform_indices = @transform_3, window_bounds = array<i64: 1, 128>}, {pipeline_mode = #tpu.pipeline_mode<synchronous>, transform_indices = @transform_4, window_bounds = array<i64: 1, 128>}, {pipeline_mode = #tpu.pipeline_mode<synchronous>, transform_indices = @transform_5, window_bounds = array<i64: 1, 128>}, {pipeline_mode = #tpu.pipeline_mode<synchronous>, transform_indices = @transform_6, window_bounds = array<i64: 1, 128>}, {pipeline_mode = #tpu.pipeline_mode<synchronous>, transform_indices = @transform_7, window_bounds = array<i64: 128, 128>}, {pipeline_mode = #tpu.pipeline_mode<synchronous>, transform_indices = @transform_8, window_bounds = array<i64: 1, 128>}, {pipeline_mode = #tpu.pipeline_mode<synchronous>, transform_indices = @transform_9, window_bounds = array<i64: 1, 128>}]} {
    %get3A = arith.constant 0 : index
    %get3A_0 = arith.constant 0 : index
    %get3A_1 = vector.load %arg1[%get3A, %get3A_0] : memref<2000x128xf32, #tpu.memory_space<vmem>>, vector<2000x128xf32>
    %get3A_2 = arith.constant 0 : index
    %get3A_3 = arith.constant 0 : index
    %get3A_4 = vector.load %arg2[%get3A_2, %get3A_3] : memref<2x128xf32, #tpu.memory_space<vmem>>, vector<2x128xf32>
    %get3A_5 = arith.constant 0 : index
    %get3A_6 = arith.constant 0 : index
    %get3A_7 = vector.load %arg3[%get3A_5, %get3A_6] : memref<1x128xf32, #tpu.memory_space<vmem>>, vector<1x128xf32>
    %get3A_8 = arith.constant 0 : index
    %get3A_9 = arith.constant 0 : index
    %get3A_10 = vector.load %arg4[%get3A_8, %get3A_9] : memref<1x128xf32, #tpu.memory_space<vmem>>, vector<1x128xf32>
    %get3A_11 = arith.constant 0 : index
    %get3A_12 = arith.constant 0 : index
    %get3A_13 = vector.load %arg5[%get3A_11, %get3A_12] : memref<1x128xf32, #tpu.memory_space<vmem>>, vector<1x128xf32>
    %get3A_14 = arith.constant 0 : index
    %get3A_15 = arith.constant 0 : index
    %get3A_16 = vector.load %arg6[%get3A_14, %get3A_15] : memref<1x128xf32, #tpu.memory_space<vmem>>, vector<1x128xf32>
    %get3A_17 = arith.constant 0 : index
    %get3A_18 = arith.constant 0 : index
    %get3A_19 = vector.load %arg7[%get3A_17, %get3A_18] : memref<1x128xf32, #tpu.memory_space<vmem>>, vector<1x128xf32>
    %slice3A = vector.extract_strided_slice %get3A_4 {offsets = [0, 0], sizes = [1, 128], strides = [1, 1]} : vector<2x128xf32> to vector<1x128xf32>
    %mul3A = arith.constant 9.99999974E-5 : f32
    %mul3A_20 = vector.broadcast %mul3A : f32 to vector<1x128xf32>
    %mul3A_21 = arith.mulf %slice3A, %mul3A_20 : vector<1x128xf32>
    %slice3A_22 = vector.extract_strided_slice %get3A_4 {offsets = [1, 0], sizes = [1, 128], strides = [1, 1]} : vector<2x128xf32> to vector<1x128xf32>
    %mul3A_23 = arith.constant 9.99999974E-5 : f32
    %mul3A_24 = vector.broadcast %mul3A_23 : f32 to vector<1x128xf32>
    %mul3A_25 = arith.mulf %slice3A_22, %mul3A_24 : vector<1x128xf32>
    %mul3A_26 = arith.mulf %mul3A_21, %get3A_13 : vector<1x128xf32>
    %mul3A_27 = arith.constant 2.000000e+00 : f32
    %mul3A_28 = vector.broadcast %mul3A_27 : f32 to vector<1x128xf32>
    %mul3A_29 = arith.mulf %mul3A_28, %mul3A_26 : vector<1x128xf32>
    %mul3A_30 = arith.mulf %mul3A_29, %mul3A_21 : vector<1x128xf32>
    %sub3A = arith.subf %mul3A_25, %mul3A_30 : vector<1x128xf32>
    %mul3A_31 = arith.mulf %mul3A_26, %mul3A_26 : vector<1x128xf32>
    %add3A = arith.addf %sub3A, %mul3A_31 : vector<1x128xf32>
    %sub3A_32 = vector.broadcast %mul3A_26 : vector<1x128xf32> to vector<2000x128xf32>
    %sub3A_33 = arith.subf %get3A_1, %sub3A_32 : vector<2000x128xf32>
    %mul3A_34 = vector.broadcast %get3A_7 : vector<1x128xf32> to vector<2000x128xf32>
    %mul3A_35 = arith.mulf %mul3A_34, %sub3A_33 : vector<2000x128xf32>
    %add3A_36 = arith.constant 9.99999974E-6 : f32
    %add3A_37 = vector.broadcast %add3A_36 : f32 to vector<1x128xf32>
    %add3A_38 = arith.addf %add3A, %add3A_37 : vector<1x128xf32>
    %rsqrt3A = math.rsqrt %add3A_38 : vector<1x128xf32>
    %mul3A_39 = vector.broadcast %rsqrt3A : vector<1x128xf32> to vector<2000x128xf32>
    %mul3A_40 = arith.mulf %mul3A_35, %mul3A_39 : vector<2000x128xf32>
    %add3A_41 = vector.broadcast %get3A_10 : vector<1x128xf32> to vector<2000x128xf32>
    %add3A_42 = arith.addf %mul3A_40, %add3A_41 : vector<2000x128xf32>
    %reduce_sum3A = arith.constant dense<0.000000e+00> : vector<2000xf32>
    %reduce_sum3A_43 = vector.multi_reduction <add>, %add3A_42, %reduce_sum3A [1] : vector<2000x128xf32> to vector<2000xf32>
    %broadcast_in_dim3A = vector.shape_cast %reduce_sum3A_43 : vector<2000xf32> to vector<2000x1xf32>
    %div3A = arith.constant 1.280000e+02 : f32
    %div3A_44 = vector.broadcast %div3A : f32 to vector<2000x1xf32>
    %div3A_45 = arith.divf %broadcast_in_dim3A, %div3A_44 : vector<2000x1xf32>
    %sub3A_46 = vector.broadcast %div3A_45 : vector<2000x1xf32> to vector<2000x128xf32>
    %sub3A_47 = arith.subf %add3A_42, %sub3A_46 : vector<2000x128xf32>
    %mul3A_48 = arith.mulf %sub3A_47, %sub3A_47 : vector<2000x128xf32>
    %reduce_sum3A_49 = arith.constant dense<0.000000e+00> : vector<2000xf32>
    %reduce_sum3A_50 = vector.multi_reduction <add>, %mul3A_48, %reduce_sum3A_49 [1] : vector<2000x128xf32> to vector<2000xf32>
    %broadcast_in_dim3A_51 = vector.shape_cast %reduce_sum3A_50 : vector<2000xf32> to vector<2000x1xf32>
    %div3A_52 = arith.constant 1.280000e+02 : f32
    %div3A_53 = vector.broadcast %div3A_52 : f32 to vector<2000x1xf32>
    %div3A_54 = arith.divf %broadcast_in_dim3A_51, %div3A_53 : vector<2000x1xf32>
    %add3A_55 = arith.constant 9.99999974E-6 : f32
    %add3A_56 = vector.broadcast %add3A_55 : f32 to vector<2000x1xf32>
    %add3A_57 = arith.addf %div3A_54, %add3A_56 : vector<2000x1xf32>
    %rsqrt3A_58 = math.rsqrt %add3A_57 : vector<2000x1xf32>
    %mul3A_59 = vector.broadcast %rsqrt3A_58 : vector<2000x1xf32> to vector<2000x128xf32>
    %mul3A_60 = arith.mulf %sub3A_47, %mul3A_59 : vector<2000x128xf32>
    %mul3A_61 = vector.broadcast %get3A_16 : vector<1x128xf32> to vector<2000x128xf32>
    %mul3A_62 = arith.mulf %mul3A_60, %mul3A_61 : vector<2000x128xf32>
    %add3A_63 = vector.broadcast %get3A_19 : vector<1x128xf32> to vector<2000x128xf32>
    %add3A_64 = arith.addf %mul3A_62, %add3A_63 : vector<2000x128xf32>
    %reduce_max3A = arith.constant dense<0xFF800000> : vector<128xf32>
    %reduce_max3A_65 = vector.multi_reduction <maximumf>, %add3A_64, %reduce_max3A [0] : vector<2000x128xf32> to vector<128xf32>
    %broadcast_in_dim3A_66 = vector.shape_cast %reduce_max3A_65 : vector<128xf32> to vector<1x128xf32>
    %eq3A = arith.constant 0 : i32
    %eq3A_67 = arith.cmpi eq, %arg0, %eq3A : i32
    %convert_element_type3A = arith.extui %eq3A_67 : i1 to i32
    %cond3A = arith.constant 0 : i32
    %cond3A_68 = arith.cmpi ne, %convert_element_type3A, %cond3A : i32
    scf.if %cond3A_68 {
      %swap3A = arith.constant 0 : index
      %swap3A_78 = arith.constant 0 : index
      %swap3A_79 = vector.load %arg11[%swap3A, %swap3A_78] : memref<1x128xf32, #tpu.memory_space<vmem>>, vector<1x128xf32>
      tpu.vector_store %arg11[%swap3A, %swap3A_78], %broadcast_in_dim3A_66 {strides = array<i32>} : memref<1x128xf32, #tpu.memory_space<vmem>>, vector<1x128xf32>,
    } else {
    }
    %gt3A = arith.constant 0 : i32
    %gt3A_69 = arith.cmpi sgt, %arg0, %gt3A : i32
    %convert_element_type3A_70 = arith.extui %gt3A_69 : i1 to i32
    %cond3A_71 = arith.constant 0 : i32
    %cond3A_72 = arith.cmpi ne, %convert_element_type3A_70, %cond3A_71 : i32
    scf.if %cond3A_72 {
      %get3A_78 = arith.constant 0 : index
      %get3A_79 = arith.constant 0 : index
      %get3A_80 = vector.load %arg11[%get3A_78, %get3A_79] : memref<1x128xf32, #tpu.memory_space<vmem>>, vector<1x128xf32>
      %max3A = arith.maximumf %get3A_80, %broadcast_in_dim3A_66 : vector<1x128xf32>
      %swap3A = arith.constant 0 : index
      %swap3A_81 = arith.constant 0 : index
      %swap3A_82 = vector.load %arg11[%swap3A, %swap3A_81] : memref<1x128xf32, #tpu.memory_space<vmem>>, vector<1x128xf32>
      tpu.vector_store %arg11[%swap3A, %swap3A_81], %max3A {strides = array<i32>} : memref<1x128xf32, #tpu.memory_space<vmem>>, vector<1x128xf32>,
    } else {
    }
    %eq3A_73 = arith.constant 4 : i32
    %eq3A_74 = arith.cmpi eq, %arg0, %eq3A_73 : i32
    %convert_element_type3A_75 = arith.extui %eq3A_74 : i1 to i32
    %cond3A_76 = arith.constant 0 : i32
    %cond3A_77 = arith.cmpi ne, %convert_element_type3A_75, %cond3A_76 : i32
    scf.if %cond3A_77 {
      %get3A_78 = arith.constant 0 : index
      %get3A_79 = arith.constant 0 : index
      %get3A_80 = vector.load %arg11[%get3A_78, %get3A_79] : memref<1x128xf32, #tpu.memory_space<vmem>>, vector<1x128xf32>
      %get3A_81 = arith.constant 0 : index
      %get3A_82 = arith.constant 0 : index
      %get3A_83 = vector.load %arg8[%get3A_81, %get3A_82] : memref<128x128xf32, #tpu.memory_space<vmem>>, vector<128x128xf32>
      %dot_general3A = arith.constant dense<0.000000e+00> : vector<1x128xf32>
      %dot_general3A_84 = tpu.matmul %get3A_80, %get3A_83, %dot_general3A {dimension_numbers = #tpu.dot_dimension_numbers<[1], [1], [0], [0], [0, 0, 1, 0], [], []>, transpose_lhs_hint = false} : vector<1x128xf32>, vector<128x128xf32>, vector<1x128xf32> -> vector<1x128xf32>
      %get3A_85 = arith.constant 0 : index
      %get3A_86 = arith.constant 0 : index
      %get3A_87 = vector.load %arg9[%get3A_85, %get3A_86] : memref<1x128xf32, #tpu.memory_space<vmem>>, vector<1x128xf32>
      %add3A_88 = arith.addf %dot_general3A_84, %get3A_87 : vector<1x128xf32>
      %swap3A = arith.constant 0 : index
      %swap3A_89 = arith.constant 0 : index
      %swap3A_90 = vector.load %arg10[%swap3A, %swap3A_89] : memref<1x128xf32, #tpu.memory_space<vmem>>, vector<1x128xf32>
      tpu.vector_store %arg10[%swap3A, %swap3A_89], %add3A_88 {strides = array<i32>} : memref<1x128xf32, #tpu.memory_space<vmem>>, vector<1x128xf32>,
    } else {
    }
    return
  }
  func.func @transform_0(%arg0: i32) -> (i32, i32) {
    %c0_i32 = arith.constant 0 : i32
    %c0_i32_0 = arith.constant 0 : i32
    return %arg0, %c0_i32 : i32, i32
  }
  func.func @transform_1(%arg0: i32) -> (i32, i32) {
    %c0_i32 = arith.constant 0 : i32
    %c0_i32_0 = arith.constant 0 : i32
    %c0_i32_1 = arith.constant 0 : i32
    return %c0_i32, %c0_i32_0 : i32, i32
  }
  func.func @transform_2(%arg0: i32) -> (i32, i32) {
    %c0_i32 = arith.constant 0 : i32
    %c0_i32_0 = arith.constant 0 : i32
    %c0_i32_1 = arith.constant 0 : i32
    return %c0_i32, %c0_i32_0 : i32, i32
  }
  func.func @transform_3(%arg0: i32) -> (i32, i32) {
    %c0_i32 = arith.constant 0 : i32
    %c0_i32_0 = arith.constant 0 : i32
    %c0_i32_1 = arith.constant 0 : i32
    return %c0_i32, %c0_i32_0 : i32, i32
  }
  func.func @transform_4(%arg0: i32) -> (i32, i32) {
    %c0_i32 = arith.constant 0 : i32
    %c0_i32_0 = arith.constant 0 : i32
    %c0_i32_1 = arith.constant 0 : i32
    return %c0_i32, %c0_i32_0 : i32, i32
  }
  func.func @transform_5(%arg0: i32) -> (i32, i32) {
    %c0_i32 = arith.constant 0 : i32
    %c0_i32_0 = arith.constant 0 : i32
    %c0_i32_1 = arith.constant 0 : i32
    return %c0_i32, %c0_i32_0 : i32, i32
  }
  func.func @transform_6(%arg0: i32) -> (i32, i32) {
    %c0_i32 = arith.constant 0 : i32
    %c0_i32_0 = arith.constant 0 : i32
    %c0_i32_1 = arith.constant 0 : i32
    return %c0_i32, %c0_i32_0 : i32, i32
  }
  func.func @transform_7(%arg0: i32) -> (i32, i32) {
    %c0_i32 = arith.constant 0 : i32
    %c0_i32_0 = arith.constant 0 : i32
    %c0_i32_1 = arith.constant 0 : i32
    return %c0_i32, %c0_i32_0 : i32, i32
  }
  func.func @transform_8(%arg0: i32) -> (i32, i32) {
    %c0_i32 = arith.constant 0 : i32
    %c0_i32_0 = arith.constant 0 : i32
    %c0_i32_1 = arith.constant 0 : i32
    return %c0_i32, %c0_i32_0 : i32, i32
  }
  func.func @transform_9(%arg0: i32) -> (i32, i32) {
    %c0_i32 = arith.constant 0 : i32
    %c0_i32_0 = arith.constant 0 : i32
    %c0_i32_1 = arith.constant 0 : i32
    return %c0_i32, %c0_i32_0 : i32, i32
  }
}

</mosaic_0001>

<sc_bundles>
// kernel: kernel.10.cloned.1.call-start
scs
__scs_entry_jumppad:
0x0: {  	(pc) =	sbr.rel $0x88, $3  }
0x1: {  	(tag) =	ssettag $0x0;
	lr =	simm.s32 $0x1  }
0x2: {  	[smem:$0x3F94] =	sst lr;
	_ =	strace $0xD0000000  }
0x3: {  	_ = 	snop  }
0x4: {  	_ = 	snop  }
0x5: {  	_ = 	snop  }
0x6: {  	_ = 	snop  }
0x7: {  	_ = 	snop  }
__scs_overlays_trampoline_lowered:
0x8: {  	[smem:$0x3FA3] =	sst s0  }
0x9: {  	[smem:$0x3FA4] =	sst s1  }
0xa: {  	[smem:$0x3FA5] =	sst s2  }
0xb: {  	[smem:$0x3FA6] =	sst s3  }
0xc: {  	[smem:$0x3FA7] =	sst s4  }
0xd: {  	[smem:$0x3FA8] =	sst s5  }
0xe: {  	[smem:$0x3FA9] =	sst s6  }
0xf: {  	[smem:$0x3FAA] =	sst s7  }
0x10: {  	[smem:$0x3FAB] =	sst s8  }
0x11: {  	[smem:$0x3FAC] =	sst s9;
	s0 =	simm.s32 @!p0 $0x0  }
0x12: {  	s1 =	sld [smem:$0x3F92];
	s0 =	simm.s32 @p0 $0x1  }
0x13: {  	[smem:$0x3FAD] =	sst s0;
	s0 =	simm.s32 @!p1 $0x0  }
0x14: {  	s2 =	sld [smem:$0x3F91];
	s0 =	simm.s32 @p1 $0x1  }
0x15: {  	[smem:$0x3FAE] =	sst s0;
	s0 =	simm.s32 @!p2 $0x0  }
0x16: {  	s3 =	sld [smem:$0x3FDB];
	s0 =	simm.s32 @p2 $0x1  }
0x17: {  	s4 =	simm.s32 $0x1BF5;
	[smem:$0x3FB0] =	sst s0  }
0x18: {  	s0 =	sld [smem:$0x3F93];
	_ =	swait.ge [sflag:s4], $0x0  }
0x19: {  	s7 =	sld [smem:$0x3F94]  }
0x1a: {  	s8 =	sadd.s32 $0xFFFFE003, lr  }
0x1b: {  	s9 =	sadd.s32 $0xFFFFFEF7, lr;
	s5 =	simm.s32 $0xFFFFFFFF;
	p2 =	slt.u32 s8, $0xFFFFF086  }
0x1c: {  	p1 =	slt.u32 s9, $0xF7A;
	s5 =	simm.s32 @!p2 $0x0  }
0x1d: {  	s5 =	simm.s32 @p1 $0x1;
	p0 =	seq.s32 s7, s2  }
0x1e: {  	s7 =	smul.u32 @!p0 $0xF7A, s2;
	p2 =	seq.s32 @!p0 s5, $0x0  }
0x1f: {  	s9 =	smul.u32 $0xF7A, s1;
	s8 =	simm.s32 @!p0 $0x1BF5;
	p2 =	por !p2, p0  }
0x20: {  	[sflag:s8] =	ssyncset.s32 @!p0 $0xFFFFF086;
	s6 =	sadd.s32 @!p0 s3, s7;
	s7 =	simm.s32 @!p0 $0x108  }
0x21: {  	s3 =	sadd.s32 s3, s9;
	s6 =	sadd.s32 @!p0 $0x88, s6;
	s7 =	simm.s32 @p2 $0x1082  }
0x22: {  	[simem:s7], [sflag:s8] =	dma.local @!p0 [hbm:s6], $0xF7A  }
0x23: {  	s9 =	sor.u32 $0xD0000000, s2;
	s6 =	simm.s32 $0x108;
	_ =	swait.ge @!p0 [sflag:s8], $0x0  }
0x24: {  	s3 =	sadd.s32 $0x88, s3;
	s6 =	simm.s32 @!p1 $0x1082;
	[sflag:s4] =	ssyncset.s32 $0xFFFFF086  }
0x25: {  	[simem:s6], [sflag:s4] =	dma.local [hbm:s3], $0xF7A  }
0x26: {  	[smem:$0x3F94] =	sst s1;
	(tag) =	ssettag s2;
	_ =	strace s9  }
0x27: {  	s1 =	sld [smem:$0x3FA4]  }
0x28: {  	s2 =	sld [smem:$0x3FA5]  }
0x29: {  	s4 =	sld [smem:$0x3FA7]  }
0x2a: {  	p0 =	seq.s32 s5, $0x0;
	s5 =	sld [smem:$0x3FA8]  }
0x2b: {  	s6 =	sld [smem:$0x3FA9]  }
0x2c: {  	s7 =	sld [smem:$0x3FAA]  }
0x2d: {  	s3 =	simm.s32 $0x108;
	s8 =	sld [smem:$0x3FAB]  }
0x2e: {  	s3 =	simm.s32 @!p0 $0x1082;
	s9 =	sld [smem:$0x3FAC]  }
0x2f: {  	lr =	sadd.s32 s0, s3;
	s0 =	sld [smem:$0x3FA3]  }
0x30: {  	s3 =	sld [smem:$0x3FA6]  }
0x31: {  	[smem:$0x3FAF] =	sst s10  }
0x32: {  	s10 =	sld [smem:$0x3FAD];
	_ =	sdelay $0x3  }
0x33: {  	p0 =	seq.s32 s10, $0x1;
	s10 =	sld [smem:$0x3FAF];
	_ =	sdelay $0x3  }
0x34: {  	[smem:$0x3FAF] =	sst s10  }
0x35: {  	s10 =	sld [smem:$0x3FAE];
	_ =	sdelay $0x3  }
0x36: {  	p1 =	seq.s32 s10, $0x1;
	s10 =	sld [smem:$0x3FAF];
	_ =	sdelay $0x3  }
0x37: {  	[smem:$0x3FAF] =	sst s10  }
0x38: {  	s10 =	sld [smem:$0x3FB0]  }
0x39: {  	_ = 	snop;
	(pc) =	sbr.ind lr, $3  }
0x3a: {  	_ = 	snop  }
0x3b: {  	_ = 	snop  }
0x3c: {  	p2 =	seq.s32 s10, $0x1;
	s10 =	sld [smem:$0x3FAF]  }
0x3d: {  	_ =	shalt  }
0x3e: {  	_ =	shalt  }
0x3f: {  	_ =	shalt  }
0x40: {  	_ =	shalt  }
0x41: {  	_ =	shalt  }
0x42: {  	_ =	shalt  }
0x43: {  	_ =	shalt  }
0x44: {  	_ =	shalt  }
0x45: {  	_ =	shalt  }
0x46: {  	_ =	shalt  }
0x47: {  	_ =	shalt  }
0x48: {  	_ =	shalt  }
0x49: {  	_ =	shalt  }
0x4a: {  	_ =	shalt  }
0x4b: {  	_ =	shalt  }
0x4c: {  	_ =	shalt  }
0x4d: {  	_ =	shalt  }
0x4e: {  	_ =	shalt  }
0x4f: {  	_ =	shalt  }
0x50: {  	_ =	shalt  }
0x51: {  	_ =	shalt  }
0x52: {  	_ =	shalt  }
0x53: {  	_ =	shalt  }
0x54: {  	_ =	shalt  }
0x55: {  	_ =	shalt  }
0x56: {  	_ =	shalt  }
0x57: {  	_ =	shalt  }
0x58: {  	_ =	shalt  }
0x59: {  	_ =	shalt  }
0x5a: {  	_ =	shalt  }
0x5b: {  	_ =	shalt  }
0x5c: {  	_ =	shalt  }
0x5d: {  	_ =	shalt  }
0x5e: {  	_ =	shalt  }
0x5f: {  	_ =	shalt  }
0x60: {  	_ =	shalt  }
0x61: {  	_ =	shalt  }
0x62: {  	_ =	shalt  }
0x63: {  	_ =	shalt  }
0x64: {  	_ =	shalt  }
0x65: {  	_ =	shalt  }
0x66: {  	_ =	shalt  }
0x67: {  	_ =	shalt  }
0x68: {  	_ =	shalt  }
0x69: {  	_ =	shalt  }
0x6a: {  	_ =	shalt  }
0x6b: {  	_ =	shalt  }
0x6c: {  	_ =	shalt  }
0x6d: {  	_ =	shalt  }
0x6e: {  	_ =	shalt  }
0x6f: {  	_ =	shalt  }
0x70: {  	_ =	shalt  }
0x71: {  	_ =	shalt  }
0x72: {  	_ =	shalt  }
0x73: {  	_ =	shalt  }
0x74: {  	_ =	shalt  }
0x75: {  	_ =	shalt  }
0x76: {  	_ =	shalt  }
0x77: {  	_ =	shalt  }
0x78: {  	_ =	shalt  }
0x79: {  	_ =	shalt  }
0x7a: {  	_ =	shalt  }
0x7b: {  	_ =	shalt  }
0x7c: {  	_ =	shalt  }
0x7d: {  	_ =	shalt  }
0x7e: {  	_ =	shalt  }
0x7f: {  	_ =	shalt  }
0x80: {  	_ =	shalt  }
0x81: {  	_ =	shalt  }
0x82: {  	_ =	shalt  }
0x83: {  	_ =	shalt  }
0x84: {  	_ =	shalt  }
0x85: {  	_ =	shalt  }
0x86: {  	_ =	shalt  }
0x87: {  	_ =	shalt  }
.Lfunc_end0:
.L_simem_size_0:
called_computation_lowered:
.L_overlay_start_0:
0x88: {  	s2 =	sld [smem:$0x3FD9]  }
0x89: {  	s3 =	sld [smem:$0x3FFE];
	_ =	sdelay $0x1  }
0x8a: {  	s1 =	srdreg.scid  }
0x8b: {  	s0 =	sand.u32 $0x1, s1  }
0x8c: {  	s16 =	sshll.u32 s0, $0xA;
	s2 =	sadd.s32 s3, s2  }
0x8d: {  	s2 =	sadd.s32 s2, s16  }
0x8e: {  	[smem:$0x3FBB] =	sst s2  }
0x8f: {  	_ = 	snop  }
0x90: {  	(tm) =	ssettm $0x1  }
0x91: {  	s17 =	sld [smem:$0x3FFB];
	_ =	sdelay $0x3  }
0x92: {  	_ =	strace s17  }
0x93: {  	s2 =	sld [smem:$0x3FFC];
	_ =	sdelay $0x3  }
0x94: {  	_ =	strace s2  }
0x95: {  	s2 =	sld [smem:$0x3FFD];
	_ =	sdelay $0x3  }
0x96: {  	_ =	strace s2  }
0x97: {  	_ =	strace $0x8FFFFFFF  }
0x98: {  	s18 =	sld [smem:$0x3FDB];
	_ =	sdelay $0x1  }
0x99: {  	s19 =	simm.s32 $_scs_section_size  }
0x9a: {  	s4 =	simm.s32 $_size__tile_overlayer_lowered;
	s5 =	simm.s32 $_tile_overlayer_lowered  }
0x9b: {  	s22 =	simm.s32 $0x1BFF;
	s21 =	sshll.u32 s5, $0x1;
	s2 =	sadd.s32 s19, s18  }
0x9c: {  	s6 =	simm.s32 $0x0;
	s20 =	sshll.u32 s4, $0x1;
	s4 =	sadd.s32 s21, s2  }
0x9d: {  	[timem:s6], [sflag:s22] =	dma.local [hbm:s4], s20  }
0x9e: {  	_ =	swait.ge [sflag:s22], s20  }
0x9f: {  	s3 =	ssub.s32 $0x0, s20;
	[sflag:s22] =	ssyncset.done $0x0  }
0xa0: {  	[sflag:s22] =	ssyncadd.s32 s3;
	_ =	sdelay $0x1  }
0xa1: {  	s23 =	simm.s32 $0x1B8B  }
0xa2: {  	_ =	swait.ge [sflag:s23], $0x1  }
0xa3: {  	[sflag:s23] =	ssyncset.done $0x0  }
0xa4: {  	s25 =	simm.s32 $0x1B8E;
	s24 =	sld [smem:$0x3FFE];
	[sflag:s23] =	ssyncadd.s32 $0xFFFFFFFF  }
0xa5: {  	s26 =	simm.s32 $execute0_lowered;
	[smem:$0x3FD2] =	sst s25  }
0xa6: {  	s4 =	sshll.u32 s26, $0x1;
	_ =	strace $0x80000046;
	[dreg:$0x1] =	wrdreg $0xFFFFFFFF  }
0xa7: {  	s28 =	simm.s32 $_size_execute0_lowered;
	s2 =	sadd.s32 s2, s4;
	[dreg:$0x0] =	wrdreg $0x0  }
0xa8: {  	s4 =	sshll.u32 s28, $0x1;
	[dreg:$0x2] =	wrdreg s2  }
0xa9: {  	[dreg:$0x3] =	wrdreg s4  }
0xaa: {  	[dreg:$0x4] =	wrdreg $0xC0  }
0xab: {  	_ =	task [dreg:s6], $0x5FFFF  }
0xac: {  	[dreg:$0x1] =	wrdreg $0xFFFFFFFF  }
0xad: {  	[dreg:$0x0] =	wrdreg $0x60  }
0xae: {  	[dreg:$0x2] =	wrdreg s24  }
0xaf: {  	[dreg:$0x3] =	wrdreg $0x68000  }
0xb0: {  	[dreg:$0x4] =	wrdreg $0x9  }
0xb1: {  	_ =	task.clear_ibuf [dreg:s6], $0x5FFFF;
	_ =	strace $0x90000046  }
0xb2: {  	s29 =	simm.s32 $0x9;
	_ =	strace $0x80000048  }
0xb3: {  	_ =	swait.ge [sflag:s29], $0x1  }
0xb4: {  	[sflag:s29] =	ssyncadd.s32 $0xFFFFFFFF  }
0xb5: {  	_ =	strace $0x90000048  }
0xb6: {  	_ =	sfence  }
0xb7: {  	s30 =	sld [smem:$0x0];
	_ =	sdelay $0x2  }
0xb8: {  	s31 =	sshll.u32 s1, $0xD;
	s1 =	sshrl.u32 s1, $0x2  }
0xb9: {  	s3 =	sand.u32 $0x4000, s31;
	s1 =	sadd.s32 s1, s30  }
0xba: {  	s0 =	sor.u32 s3, s0;
	s1 =	sshll.u32 s1, $0x11  }
0xbb: {  	s0 =	sor.u32 s1, s0  }
0xbc: {  	s0 =	sadd.s32 $0x8F2B, s0  }
0xbd: {  	[sflag:s0] =	ssyncadd.remote.s32 $0x1  }
0xbe: {  	_ =	sfence.sel $0xFFFF  }
0xbf: {  	[dreg:$0x0] =	wrdreg $0xFFFFFFFF;
	(pc) =	sbr.abs _section_cstart, $3  }
0xc0: {  	[dreg:$0x1] =	wrdreg $0xFFFFFFFF  }
0xc1: {  	_ =	task.clear_ibuf [dreg:s6], $0x2FFFF;
	_ =	strace $0x9FFFFFFF  }
0xc2: {  	(tm) =	ssettm $0x7FFFFFFF  }
0xc3: {  	_ =	shalt  }
tec
execute0_lowered:
.L_overlay_start_1:
0x0: {  	(tag) =	ssettag $0x1  }
0x1: {  	s4 =	rddreg [dreg:$0x0]  }
0x2: {  	s1 =	rddreg [dreg:$0x1]  }
0x3: {  	s0 =	rddreg [dreg:$0x2]  }
0x4: {  	s2 =	simm.s32 $0x0;
	s9 =	stileid.u32;
	s3 =	srdreg.scid  }
0x5: {  	s14 =	simm.s32 $0x0;
	[smem:$0x7FF] =	sst s2;
	s5 =	sshll.u32 s9, $0xB  }
0x6: {  	s6 =	sand.u32 $0x1, s3;
	s3 =	sadd.s32 $0x15C00, s4;
	p0 =	seq.s32 s9, $0x0  }
0x7: {  	_ =	strace $0x80000047;
	s5 =	sadd.s32 s5, s4;
	s7 =	ssub.s32 $0x2, s6  }
0x8: {  	s4 =	sadd.s32 $0x15600, s4;
	s10 =	sshll.u32 s6, $0xF;
	p1 =	seq.s32 s6, $0x1  }
0x9: {  	s31 =	sor.u32 s6, s9;
	s8 =	sshrl.u32 s7, $0x1;
	s5 =	sadd.s32 s10, s5  }
0xa: {  	p0 =	por !p0, !p1;
	p2 =	sne.s32 s31, $0x0;
	s10 =	simm.s32 $0x4000  }
0xb: {  	s7 =	ssub.s32 s7, s8;
	s5 =	sadd.s32 $0x5600, s5;
	p1 =	por !p0, !p0  }
0xc: {  	p0 =	sne.s32 s9, $0x0;
	s8 =	simm.s32 $0x4080;
	s11 =	sshll.u32 @!p2 s9, $0x6  }
0xd: {  	s9 =	simm.s32 $0x50;
	s12 =	sshrl.u32 @!p2 s1, $0x3;
	s6 =	smax.u32 s7, $0x1  }
0xe: {  	v0 =	vimm.f32 $1.000000000e+00;
	v1 =	vimm.f32 $0.0e+00;
	s7 =	simm.s32 $0x1;
	s11 =	sor.u32 @!p2 $0x1C01, s11;
	s13 =	sshrl.u32 @p1 s1, $0x3  }
.LBB2_1:
0xf: {  	[tilespmem:s2], [sflag:$0x1] =	stream.linear.gather [hbm4b:s5+s2], $0x4000, $0x38;
	[tilespmem:$0x6A78] =	vst v63  }
0x10: {  	_ =	swait.ge [sflag:s7], $0x4000  }
0x11: {  	[sflag:s7] =	ssyncset.done $0x0  }
0x12: {  	[sflag:s7] =	ssyncadd.s32 $0xFFFFC000  }
.Ltmp0:
0x13: {  	[tilespmem:$0x4000] =	vst v0;
	(pc) =	sbr.rel @p0 .LBB2_5-.Ltmp0, $4  }
0x14: {  	[tilespmem:$0x4010] =	vst v0  }
0x15: {  	[tilespmem:$0x4020] =	vst v0  }
0x16: {  	[tilespmem:$0x4030] =	vst v0  }
0x17: {  	[tilespmem:$0x4040] =	vst v0  }
0x18: {  	s15 =	simm.s32 $0x40;
	s16 =	simm.s32 $0x0  }
.LBB2_3:
0x19: {  	p3 =	sne.s32 s15, $0x9C40;
	[tilespmem:s16+$0x4080] =	vst v1;
	s16 =	smov.u32 s15;
	s15 =	sadd.s32 $0x40, s15  }
.Ltmp1:
0x1a: {  	(pc) =	sbr.rel @p3 .LBB2_3-.Ltmp1, $2  }
0x1b: {  	_ =	sdelay $0x2  }
0x1c: {  	s16 =	sshra.s32 s16, $0x2  }
0x1d: {  	[tilespmem:s16+$0x4080] =	vst v1  }
0x1e: {  	[spmem:s1] =	stream.linear.scatter [tilespmem:s8], [sflag:$0x1], $0x2780, $0x38;
	[tilespmem:$0x6A78] =	vst v63  }
0x1f: {  	_ =	swait.ge [sflag:s7], $0x2780  }
0x20: {  	[sflag:s7] =	ssyncset.done $0x0  }
0x21: {  	[sflag:s7] =	ssyncadd.s32 $0xFFFFD880  }
.LBB2_5:
0x22: {  	[bflag:$0x0] =	sbarrier.arrive $0xFFFF;
	s15 =	simm.s32 $0x0  }
0x23: {  	[spmem:s1] =	stream.indirect.scatter.add.f32 [tilespmem:s10], [sflag:$0x1], $0x1, s15, s9, $0xb8;
	[tilespmem:$0x6A78] =	vst v63  }
0x24: {  	_ =	swait.ge [sflag:s7], $0x50  }
0x25: {  	s15 =	simm.s32 $0x200;
	[sflag:s7] =	ssyncset.done $0x0  }
.LBB2_6:
0x26: {  	s16 =	sshra.s32 s15, $0x2;
	[sflag:s7] =	ssyncadd.s32 $0xFFFFFFB0;
	p3 =	sne.s32 s15, $0xFE00  }
0x27: {  	[spmem:s1] =	stream.indirect.scatter.add.f32 [tilespmem:s10], [sflag:$0x1], $0x1, s16, s9, $0xb8;
	[tilespmem:$0x6A78] =	vst v63  }
.Ltmp2:
0x28: {  	_ = 	snop;
	(pc) =	sbr.rel @p3 .LBB2_6-.Ltmp2, $4  }
0x29: {  	_ = 	snop  }
0x2a: {  	s15 =	sadd.s32 $0x200, s15  }
0x2b: {  	_ =	swait.ge [sflag:s7], $0x50  }
0x2c: {  	[sflag:s7] =	ssyncset.done $0x0  }
0x2d: {  	[sflag:s7] =	ssyncadd.s32 $0xFFFFFFB0  }
0x2e: {  	s15 =	simm.s32 @!p2 $0x1;
	[bflag:$0x0] =	sbarrier.arrive $0xFFFF  }
0x2f: {  	[hbm:s3], [sflag:s11] =	dma.local @!p2 [spmem:s12], $0x4F0  }
0x30: {  	_ =	swait.ge @!p2 [sflag:s15], $0x4F0  }
0x31: {  	s14 =	sadd.s32 $0x1, s14;
	[sflag:s15] =	ssyncset.done @!p2 $0x0  }
0x32: {  	p3 =	sne.s32 s14, s6;
	[sflag:s15] =	ssyncadd.s32 @!p2 $0xFFFFFB10;
	s15 =	simm.s32 @p1 $0x1C01  }
0x33: {  	[hbm:s4], [sflag:s15] =	dma.local @p1 [spmem:s13], $0x4F0  }
.Ltmp3:
0x34: {  	_ = 	snop;
	(pc) =	sbr.rel @p3 .LBB2_1-.Ltmp3, $4  }
0x35: {  	s15 =	simm.s32 @p1 $0x1  }
0x36: {  	_ =	swait.ge @p1 [sflag:s15], $0x4F0  }
0x37: {  	[sflag:s15] =	ssyncset.done @p1 $0x0  }
0x38: {  	[sflag:s15] =	ssyncadd.s32 @p1 $0xFFFFFB10  }
0x39: {  	_ =	sfence.sel $0x180000  }
0x3a: {  	[bflag:$0x0] =	sbarrier.arrive $0xFFFF  }
0x3b: {  	_ =	strace $0x90000047  }
0x3c: {  	s0 =	sadd.s32 @!p0 $0x100000, s0;
	[bflag:$0x2] =	sbarrier.arrive $0xFFFF  }
0x3d: {  	[sflag:s0] =	ssyncadd.tile.s32 @!p0 $0x1;
	_ =	shalt  }
.Lfunc_end2:
_tile_overlayer_lowered:
.L_overlay_start_2:
0x3e: {  	(tag) =	ssettag $0x2  }
0x3f: {  	s0 =	rddreg [dreg:$0x0];
	s2 =	stileid.u32  }
0x40: {  	s1 =	rddreg [dreg:$0x1];
	p0 =	sne.s32 s2, $0x0  }
0x41: {  	s3 =	rddreg [dreg:$0x2];
	[bflag:$0x3] =	sbarrier.arrive $0xFFFF;
	s2 =	simm.s32 @!p0 $0x1C01  }
0x42: {  	[timem:s3], [sflag:s2] =	dma.local @!p0 [hbm:s0], s1  }
0x43: {  	s0 =	simm.s32 @!p0 $0x1  }
0x44: {  	_ =	swait.ge @!p0 [sflag:s0], s1  }
0x45: {  	s1 =	ssub.s32 @!p0 $0x0, s1;
	[sflag:s0] =	ssyncset.done @!p0 $0x0  }
0x46: {  	[sflag:s0] =	ssyncadd.s32 @!p0 s1  }
0x47: {  	[bflag:$0x3] =	sbarrier.arrive $0xFFFF  }
0x48: {  	_ =	shalt  }

// kernel: kernel.13.cloned.1.call-start
scs
__scs_entry_jumppad:
0x0: {  	(pc) =	sbr.rel $0x88, $3  }
0x1: {  	(tag) =	ssettag $0x0;
	lr =	simm.s32 $0x1  }
0x2: {  	[smem:$0x3F94] =	sst lr;
	_ =	strace $0xD0000000  }
0x3: {  	_ = 	snop  }
0x4: {  	_ = 	snop  }
0x5: {  	_ = 	snop  }
0x6: {  	_ = 	snop  }
0x7: {  	_ = 	snop  }
__scs_overlays_trampoline_lowered:
0x8: {  	[smem:$0x3FA3] =	sst s0  }
0x9: {  	[smem:$0x3FA4] =	sst s1  }
0xa: {  	[smem:$0x3FA5] =	sst s2  }
0xb: {  	[smem:$0x3FA6] =	sst s3  }
0xc: {  	[smem:$0x3FA7] =	sst s4  }
0xd: {  	[smem:$0x3FA8] =	sst s5  }
0xe: {  	[smem:$0x3FA9] =	sst s6  }
0xf: {  	[smem:$0x3FAA] =	sst s7  }
0x10: {  	[smem:$0x3FAB] =	sst s8  }
0x11: {  	[smem:$0x3FAC] =	sst s9;
	s0 =	simm.s32 @!p0 $0x0  }
0x12: {  	s1 =	sld [smem:$0x3F92];
	s0 =	simm.s32 @p0 $0x1  }
0x13: {  	[smem:$0x3FAD] =	sst s0;
	s0 =	simm.s32 @!p1 $0x0  }
0x14: {  	s2 =	sld [smem:$0x3F91];
	s0 =	simm.s32 @p1 $0x1  }
0x15: {  	[smem:$0x3FAE] =	sst s0;
	s0 =	simm.s32 @!p2 $0x0  }
0x16: {  	s3 =	sld [smem:$0x3FDB];
	s0 =	simm.s32 @p2 $0x1  }
0x17: {  	s4 =	simm.s32 $0x1BF5;
	[smem:$0x3FB0] =	sst s0  }
0x18: {  	s0 =	sld [smem:$0x3F93];
	_ =	swait.ge [sflag:s4], $0x0  }
0x19: {  	s7 =	sld [smem:$0x3F94]  }
0x1a: {  	s8 =	sadd.s32 $0xFFFFE003, lr  }
0x1b: {  	s9 =	sadd.s32 $0xFFFFFEF7, lr;
	s5 =	simm.s32 $0xFFFFFFFF;
	p2 =	slt.u32 s8, $0xFFFFF086  }
0x1c: {  	p1 =	slt.u32 s9, $0xF7A;
	s5 =	simm.s32 @!p2 $0x0  }
0x1d: {  	s5 =	simm.s32 @p1 $0x1;
	p0 =	seq.s32 s7, s2  }
0x1e: {  	s7 =	smul.u32 @!p0 $0xF7A, s2;
	p2 =	seq.s32 @!p0 s5, $0x0  }
0x1f: {  	s9 =	smul.u32 $0xF7A, s1;
	s8 =	simm.s32 @!p0 $0x1BF5;
	p2 =	por !p2, p0  }
0x20: {  	[sflag:s8] =	ssyncset.s32 @!p0 $0xFFFFF086;
	s6 =	sadd.s32 @!p0 s3, s7;
	s7 =	simm.s32 @!p0 $0x108  }
0x21: {  	s3 =	sadd.s32 s3, s9;
	s6 =	sadd.s32 @!p0 $0x88, s6;
	s7 =	simm.s32 @p2 $0x1082  }
0x22: {  	[simem:s7], [sflag:s8] =	dma.local @!p0 [hbm:s6], $0xF7A  }
0x23: {  	s9 =	sor.u32 $0xD0000000, s2;
	s6 =	simm.s32 $0x108;
	_ =	swait.ge @!p0 [sflag:s8], $0x0  }
0x24: {  	s3 =	sadd.s32 $0x88, s3;
	s6 =	simm.s32 @!p1 $0x1082;
	[sflag:s4] =	ssyncset.s32 $0xFFFFF086  }
0x25: {  	[simem:s6], [sflag:s4] =	dma.local [hbm:s3], $0xF7A  }
0x26: {  	[smem:$0x3F94] =	sst s1;
	(tag) =	ssettag s2;
	_ =	strace s9  }
0x27: {  	s1 =	sld [smem:$0x3FA4]  }
0x28: {  	s2 =	sld [smem:$0x3FA5]  }
0x29: {  	s4 =	sld [smem:$0x3FA7]  }
0x2a: {  	p0 =	seq.s32 s5, $0x0;
	s5 =	sld [smem:$0x3FA8]  }
0x2b: {  	s6 =	sld [smem:$0x3FA9]  }
0x2c: {  	s7 =	sld [smem:$0x3FAA]  }
0x2d: {  	s3 =	simm.s32 $0x108;
	s8 =	sld [smem:$0x3FAB]  }
0x2e: {  	s3 =	simm.s32 @!p0 $0x1082;
	s9 =	sld [smem:$0x3FAC]  }
0x2f: {  	lr =	sadd.s32 s0, s3;
	s0 =	sld [smem:$0x3FA3]  }
0x30: {  	s3 =	sld [smem:$0x3FA6]  }
0x31: {  	[smem:$0x3FAF] =	sst s10  }
0x32: {  	s10 =	sld [smem:$0x3FAD];
	_ =	sdelay $0x3  }
0x33: {  	p0 =	seq.s32 s10, $0x1;
	s10 =	sld [smem:$0x3FAF];
	_ =	sdelay $0x3  }
0x34: {  	[smem:$0x3FAF] =	sst s10  }
0x35: {  	s10 =	sld [smem:$0x3FAE];
	_ =	sdelay $0x3  }
0x36: {  	p1 =	seq.s32 s10, $0x1;
	s10 =	sld [smem:$0x3FAF];
	_ =	sdelay $0x3  }
0x37: {  	[smem:$0x3FAF] =	sst s10  }
0x38: {  	s10 =	sld [smem:$0x3FB0]  }
0x39: {  	_ = 	snop;
	(pc) =	sbr.ind lr, $3  }
0x3a: {  	_ = 	snop  }
0x3b: {  	_ = 	snop  }
0x3c: {  	p2 =	seq.s32 s10, $0x1;
	s10 =	sld [smem:$0x3FAF]  }
0x3d: {  	_ =	shalt  }
0x3e: {  	_ =	shalt  }
0x3f: {  	_ =	shalt  }
0x40: {  	_ =	shalt  }
0x41: {  	_ =	shalt  }
0x42: {  	_ =	shalt  }
0x43: {  	_ =	shalt  }
0x44: {  	_ =	shalt  }
0x45: {  	_ =	shalt  }
0x46: {  	_ =	shalt  }
0x47: {  	_ =	shalt  }
0x48: {  	_ =	shalt  }
0x49: {  	_ =	shalt  }
0x4a: {  	_ =	shalt  }
0x4b: {  	_ =	shalt  }
0x4c: {  	_ =	shalt  }
0x4d: {  	_ =	shalt  }
0x4e: {  	_ =	shalt  }
0x4f: {  	_ =	shalt  }
0x50: {  	_ =	shalt  }
0x51: {  	_ =	shalt  }
0x52: {  	_ =	shalt  }
0x53: {  	_ =	shalt  }
0x54: {  	_ =	shalt  }
0x55: {  	_ =	shalt  }
0x56: {  	_ =	shalt  }
0x57: {  	_ =	shalt  }
0x58: {  	_ =	shalt  }
0x59: {  	_ =	shalt  }
0x5a: {  	_ =	shalt  }
0x5b: {  	_ =	shalt  }
0x5c: {  	_ =	shalt  }
0x5d: {  	_ =	shalt  }
0x5e: {  	_ =	shalt  }
0x5f: {  	_ =	shalt  }
0x60: {  	_ =	shalt  }
0x61: {  	_ =	shalt  }
0x62: {  	_ =	shalt  }
0x63: {  	_ =	shalt  }
0x64: {  	_ =	shalt  }
0x65: {  	_ =	shalt  }
0x66: {  	_ =	shalt  }
0x67: {  	_ =	shalt  }
0x68: {  	_ =	shalt  }
0x69: {  	_ =	shalt  }
0x6a: {  	_ =	shalt  }
0x6b: {  	_ =	shalt  }
0x6c: {  	_ =	shalt  }
0x6d: {  	_ =	shalt  }
0x6e: {  	_ =	shalt  }
0x6f: {  	_ =	shalt  }
0x70: {  	_ =	shalt  }
0x71: {  	_ =	shalt  }
0x72: {  	_ =	shalt  }
0x73: {  	_ =	shalt  }
0x74: {  	_ =	shalt  }
0x75: {  	_ =	shalt  }
0x76: {  	_ =	shalt  }
0x77: {  	_ =	shalt  }
0x78: {  	_ =	shalt  }
0x79: {  	_ =	shalt  }
0x7a: {  	_ =	shalt  }
0x7b: {  	_ =	shalt  }
0x7c: {  	_ =	shalt  }
0x7d: {  	_ =	shalt  }
0x7e: {  	_ =	shalt  }
0x7f: {  	_ =	shalt  }
0x80: {  	_ =	shalt  }
0x81: {  	_ =	shalt  }
0x82: {  	_ =	shalt  }
0x83: {  	_ =	shalt  }
0x84: {  	_ =	shalt  }
0x85: {  	_ =	shalt  }
0x86: {  	_ =	shalt  }
0x87: {  	_ =	shalt  }
.Lfunc_end0:
.L_simem_size_0:
called_computation.1_lowered:
.L_overlay_start_0:
0x88: {  	s2 =	sld [smem:$0x3FD9]  }
0x89: {  	s3 =	sld [smem:$0x3FFE];
	_ =	sdelay $0x1  }
0x8a: {  	s1 =	srdreg.scid  }
0x8b: {  	s0 =	sand.u32 $0x1, s1  }
0x8c: {  	s16 =	sshll.u32 s0, $0xA;
	s2 =	sadd.s32 s3, s2  }
0x8d: {  	s2 =	sadd.s32 s2, s16  }
0x8e: {  	[smem:$0x3FBB] =	sst s2  }
0x8f: {  	_ = 	snop  }
0x90: {  	(tm) =	ssettm $0x1  }
0x91: {  	s17 =	sld [smem:$0x3FFB];
	_ =	sdelay $0x3  }
0x92: {  	_ =	strace s17  }
0x93: {  	s2 =	sld [smem:$0x3FFC];
	_ =	sdelay $0x3  }
0x94: {  	_ =	strace s2  }
0x95: {  	s2 =	sld [smem:$0x3FFD];
	_ =	sdelay $0x3  }
0x96: {  	_ =	strace s2  }
0x97: {  	_ =	strace $0x8FFFFFFF  }
0x98: {  	s18 =	sld [smem:$0x3FDB];
	_ =	sdelay $0x1  }
0x99: {  	s19 =	simm.s32 $_scs_section_size  }
0x9a: {  	s4 =	simm.s32 $_size__tile_overlayer_lowered;
	s5 =	simm.s32 $_tile_overlayer_lowered  }
0x9b: {  	s22 =	simm.s32 $0x1BFF;
	s21 =	sshll.u32 s5, $0x1;
	s2 =	sadd.s32 s19, s18  }
0x9c: {  	s6 =	simm.s32 $0x0;
	s20 =	sshll.u32 s4, $0x1;
	s4 =	sadd.s32 s21, s2  }
0x9d: {  	[timem:s6], [sflag:s22] =	dma.local [hbm:s4], s20  }
0x9e: {  	_ =	swait.ge [sflag:s22], s20  }
0x9f: {  	s3 =	ssub.s32 $0x0, s20;
	[sflag:s22] =	ssyncset.done $0x0  }
0xa0: {  	[sflag:s22] =	ssyncadd.s32 s3;
	_ =	sdelay $0x1  }
0xa1: {  	s23 =	simm.s32 $0x1B8B  }
0xa2: {  	_ =	swait.ge [sflag:s23], $0x1  }
0xa3: {  	[sflag:s23] =	ssyncset.done $0x0  }
0xa4: {  	s25 =	simm.s32 $0x1B8E;
	s24 =	sld [smem:$0x3FFE];
	[sflag:s23] =	ssyncadd.s32 $0xFFFFFFFF  }
0xa5: {  	s26 =	simm.s32 $execute0_lowered;
	[smem:$0x3FD2] =	sst s25  }
0xa6: {  	s4 =	sshll.u32 s26, $0x1;
	_ =	strace $0x80000049;
	[dreg:$0x1] =	wrdreg $0xFFFFFFFF  }
0xa7: {  	s28 =	simm.s32 $_size_execute0_lowered;
	s2 =	sadd.s32 s2, s4;
	[dreg:$0x0] =	wrdreg $0x0  }
0xa8: {  	s4 =	sshll.u32 s28, $0x1;
	[dreg:$0x2] =	wrdreg s2  }
0xa9: {  	[dreg:$0x3] =	wrdreg s4  }
0xaa: {  	[dreg:$0x4] =	wrdreg $0xC0  }
0xab: {  	_ =	task [dreg:s6], $0x5FFFF  }
0xac: {  	[dreg:$0x1] =	wrdreg $0xFFFFFFFF  }
0xad: {  	[dreg:$0x0] =	wrdreg $0x60  }
0xae: {  	[dreg:$0x2] =	wrdreg s24  }
0xaf: {  	[dreg:$0x3] =	wrdreg $0xC0000  }
0xb0: {  	[dreg:$0x4] =	wrdreg $0x9  }
0xb1: {  	_ =	task.clear_ibuf [dreg:s6], $0x5FFFF;
	_ =	strace $0x90000049  }
0xb2: {  	s29 =	simm.s32 $0x9;
	_ =	strace $0x8000004B  }
0xb3: {  	_ =	swait.ge [sflag:s29], $0x1  }
0xb4: {  	[sflag:s29] =	ssyncadd.s32 $0xFFFFFFFF  }
0xb5: {  	_ =	strace $0x9000004B  }
0xb6: {  	_ =	sfence  }
0xb7: {  	s30 =	sld [smem:$0x0];
	_ =	sdelay $0x2  }
0xb8: {  	s31 =	sshll.u32 s1, $0xD;
	s1 =	sshrl.u32 s1, $0x2  }
0xb9: {  	s3 =	sand.u32 $0x4000, s31;
	s1 =	sadd.s32 s1, s30  }
0xba: {  	s0 =	sor.u32 s3, s0;
	s1 =	sshll.u32 s1, $0x11  }
0xbb: {  	s0 =	sor.u32 s1, s0  }
0xbc: {  	s0 =	sadd.s32 $0x8F2B, s0  }
0xbd: {  	[sflag:s0] =	ssyncadd.remote.s32 $0x1  }
0xbe: {  	_ =	sfence.sel $0xFFFF  }
0xbf: {  	[dreg:$0x0] =	wrdreg $0xFFFFFFFF;
	(pc) =	sbr.abs _section_cstart, $3  }
0xc0: {  	[dreg:$0x1] =	wrdreg $0xFFFFFFFF  }
0xc1: {  	_ =	task.clear_ibuf [dreg:s6], $0x2FFFF;
	_ =	strace $0x9FFFFFFF  }
0xc2: {  	(tm) =	ssettm $0x7FFFFFFF  }
0xc3: {  	_ =	shalt  }
tec
execute0_lowered:
.L_overlay_start_1:
0x0: {  	(tag) =	ssettag $0x1  }
0x1: {  	s1 =	rddreg [dreg:$0x0]  }
0x2: {  	s0 =	srdreg.scid;
	s2 =	rddreg [dreg:$0x1]  }
0x3: {  	s10 =	stileid.u32;
	s3 =	simm.s32 $0x0;
	s28 =	simm.s32 $0x4800  }
0x4: {  	s29 =	simm.s32 $0x50;
	s30 =	simm.s32 $0x7000;
	s0 =	sand.u32 $0x1, s0  }
0x5: {  	[smem:$0x7FF] =	sst s3;
	s11 =	sadd.s32 $0x6E600, s1;
	s12 =	smul.u32 $0x32000, s10  }
0x6: {  	s13 =	sadd.s32 $0x95800, s1;
	s14 =	sor.u32 $0x10, s10;
	s25 =	smul.u32 $0x1900, s10  }
0x7: {  	s4 =	sshll.u32 s0, $0x4;
	_ =	strace $0x8000004A;
	s8 =	ssub.s32 $0x2, s0  }
0x8: {  	s20 =	smul.u32 $0x32000, s14;
	p0 =	seq.s32 s0, $0x1;
	[dreg:$0x3] =	wrdreg s11  }
0x9: {  	s31 =	smul.u32 $0x1900, s14;
	[dreg:$0x4] =	wrdreg s13;
	p1 =	sgt.u32 s14, $0x18  }
0xa: {  	p2 =	slt.u32 s14, $0x19;
	s6 =	sor.u32 s10, s4;
	s4 =	sadd.s32 $0x20200, s1  }
0xb: {  	s9 =	sshrl.u32 s8, $0x1;
	s19 =	sshrl.u32 s12, $0x2;
	s26 =	sadd.s32 s11, s25  }
0xc: {  	s0 =	sadd.s32 s13, s25;
	s25 =	simm.s32 $0x4;
	[dreg:$0xa] =	wrdreg s26  }
0xd: {  	s5 =	smul.u32 $0x500, s6;
	s12 =	sadd.s32 s19, s2;
	[dreg:$0xb] =	wrdreg s31  }
0xe: {  	s24 =	sshrl.u32 s20, $0x2;
	[dreg:$0xc] =	wrdreg s0;
	s0 =	simm.s32 $0x9800  }
0xf: {  	s26 =	simm.s32 $0x0;
	s22 =	sadd.s32 $0x2800, s12;
	s23 =	sadd.s32 $0x5000, s12  }
0x10: {  	s15 =	sadd.s32 $0x7800, s12;
	s16 =	sadd.s32 s24, s2;
	s17 =	sadd.s32 $0xA000, s12  }
0x11: {  	s7 =	sadd.s32 s5, s1;
	s5 =	sadd.s32 $0x5600, s1;
	s1 =	ssub.s32 s8, s9  }
0x12: {  	s9 =	sshll.u32 s6, $0xE;
	s6 =	sshll.u32 s6, $0xB;
	[dreg:$0x8] =	wrdreg s22  }
.Ltmp0:
0x13: {  	[dreg:$0x9] =	wrdreg s23;
	s7 =	sadd.s32 $0x16200, s7;
	(pc) =	sbr.rel .LBB2_1-.Ltmp0, $4  }
0x14: {  	s18 =	sadd.s32 $0x2800, s16;
	s6 =	sadd.s32 s5, s6;
	[dreg:$0x5] =	wrdreg s7  }
0x15: {  	s19 =	sadd.s32 $0x5000, s16;
	s21 =	smax.u32 s1, $0x1;
	[dreg:$0x6] =	wrdreg s6  }
0x16: {  	s20 =	sadd.s32 $0x7800, s16;
	s1 =	simm.s32 $0x3;
	[dreg:$0x7] =	wrdreg s21  }
0x17: {  	v0 =	vimm.f32 $0.0e+00;
	s21 =	sadd.s32 $0xA000, s16;
	s6 =	simm.s32 $0x2;
	s7 =	simm.s32 $0x1  }
.LBB2_15:
0x18: {  	s8 =	sadd.s32 s10, s8;
	s11 =	rddreg [dreg:$0xb]  }
0x19: {  	s13 =	sshrl.u32 s16, $0x3;
	s11 =	sadd.s32 s22, s11;
	s8 =	sadd.s32 $0x1C00, s8  }
0x1a: {  	[hbm:s11], [sflag:s8] =	dma.local [spmem:s13], $0x1900  }
0x1b: {  	_ =	swait.ge [sflag:s10], $0x1900  }
0x1c: {  	[sflag:s10] =	ssyncset.done $0x0  }
0x1d: {  	[sflag:s10] =	ssyncadd.s32 $0xFFFFE700  }
.LBB2_16:
0x1e: {  	s26 =	sadd.s32 $0x1, s26;
	s8 =	rddreg [dreg:$0x7]  }
0x1f: {  	p3 =	sne.s32 s26, s8  }
.Ltmp1:
0x20: {  	_ = 	snop;
	(pc) =	sbr.rel @!p3 .LBB2_17-.Ltmp1, $1  }
0x21: {  	_ =	sdelay $0x3  }
.LBB2_1:
0x22: {  	s8 =	rddreg [dreg:$0x5]  }
0x23: {  	[tilespmem:s3], [sflag:$0x4] =	stream.linear.gather [hbm4b:s8+s3], $0x2800, $0x38;
	[tilespmem:$0x1F900] =	vst v63  }
0x24: {  	_ =	swait.ge [sflag:s25], $0x2800  }
0x25: {  	[sflag:s25] =	ssyncset.done $0x0  }
0x26: {  	s10 =	simm.s32 $0x2800;
	s23 =	rddreg [dreg:$0x6];
	[sflag:s25] =	ssyncadd.s32 $0xFFFFD800  }
0x27: {  	[tilespmem:s10], [sflag:$0x4] =	stream.linear.gather [hbm4b:s23+s3], $0x1000, $0x38;
	[tilespmem:$0x1F900] =	vst v63  }
0x28: {  	s24 =	sand.u32 $0xFE00, s3;
	s31 =	sand.u32 $0x70, s3;
	_ =	swait.ge [sflag:s25], $0x1000  }
0x29: {  	s11 =	sshrl.u32 s24, $0x2;
	s8 =	simm.s32 $0x40;
	[sflag:s25] =	ssyncset.done $0x0  }
0x2a: {  	s22 =	sor.u32 s31, s11;
	s10 =	simm.s32 $0x0;
	[sflag:s25] =	ssyncadd.s32 $0xFFFFF000  }
.LBB2_2:
0x2b: {  	p3 =	sne.s32 s8, $0x9FC0  }
0x2c: {  	[tilespmem:s22+$0x4800] =	vst v0;
	s10 =	sadd.s32 $0x10, s10;
	s11 =	smov.u32 s8;
	s8 =	sadd.s32 $0x40, s8  }
.Ltmp2:
0x2d: {  	(pc) =	sbr.rel @p3 .LBB2_2-.Ltmp2, $4  }
0x2e: {  	_ = 	snop  }
0x2f: {  	s11 =	sand.u32 $0xFE00, s11  }
0x30: {  	s22 =	sand.u32 $0x70, s10;
	s11 =	sshrl.u32 s11, $0x2  }
0x31: {  	s22 =	sor.u32 s22, s11  }
0x32: {  	[tilespmem:s22+$0x4800] =	vst v0  }
0x33: {  	[spmem:s12] =	stream.linear.scatter [tilespmem:s28], [sflag:$0x4], $0x2800, $0x38;
	[tilespmem:$0x1F900] =	vst v63  }
0x34: {  	_ =	swait.ge [sflag:s25], $0x2800  }
0x35: {  	[sflag:s25] =	ssyncset.done $0x0  }
0x36: {  	s8 =	rddreg [dreg:$0x8];
	[sflag:s25] =	ssyncadd.s32 $0xFFFFD800  }
0x37: {  	[spmem:s8] =	stream.linear.scatter [tilespmem:s28], [sflag:$0x4], $0x2800, $0x38;
	[tilespmem:$0x1F900] =	vst v63  }
0x38: {  	_ =	swait.ge [sflag:s25], $0x2800  }
0x39: {  	[sflag:s25] =	ssyncset.done $0x0  }
0x3a: {  	s24 =	rddreg [dreg:$0x9];
	[sflag:s25] =	ssyncadd.s32 $0xFFFFD800  }
0x3b: {  	[spmem:s24] =	stream.linear.scatter [tilespmem:s28], [sflag:$0x4], $0x2800, $0x38;
	[tilespmem:$0x1F900] =	vst v63  }
0x3c: {  	_ =	swait.ge [sflag:s25], $0x2800  }
0x3d: {  	[sflag:s25] =	ssyncset.done $0x0  }
0x3e: {  	[sflag:s25] =	ssyncadd.s32 $0xFFFFD800  }
0x3f: {  	[spmem:s15] =	stream.linear.scatter [tilespmem:s28], [sflag:$0x4], $0x2800, $0x38;
	[tilespmem:$0x1F900] =	vst v63  }
0x40: {  	_ =	swait.ge [sflag:s25], $0x2800  }
0x41: {  	[sflag:s25] =	ssyncset.done $0x0  }
0x42: {  	[sflag:s25] =	ssyncadd.s32 $0xFFFFD800  }
0x43: {  	[spmem:s17] =	stream.linear.scatter [tilespmem:s28], [sflag:$0x4], $0x2800, $0x38;
	[tilespmem:$0x1F900] =	vst v63  }
0x44: {  	_ =	swait.ge [sflag:s25], $0x2800  }
0x45: {  	[sflag:s25] =	ssyncset.done $0x0  }
0x46: {  	s10 =	simm.s32 @!p1 $0x4;
	s8 =	simm.s32 @!p1 $0x4800;
	[sflag:s25] =	ssyncadd.s32 $0xFFFFD800  }
0x47: {  	[spmem:s16] =	stream.linear.scatter @!p1 [tilespmem:s8], [sflag:$0x4], $0x2800, $0x38;
	[tilespmem:$0x1F900] =	vst v63  }
0x48: {  	_ =	swait.ge @!p1 [sflag:s10], $0x2800  }
0x49: {  	[sflag:s10] =	ssyncset.done @!p1 $0x0  }
0x4a: {  	[sflag:s10] =	ssyncadd.s32 @!p1 $0xFFFFD800  }
0x4b: {  	[spmem:s18] =	stream.linear.scatter @!p1 [tilespmem:s8], [sflag:$0x4], $0x2800, $0x38;
	[tilespmem:$0x1F900] =	vst v63  }
0x4c: {  	_ =	swait.ge @!p1 [sflag:s10], $0x2800  }
0x4d: {  	[sflag:s10] =	ssyncset.done @!p1 $0x0  }
0x4e: {  	[sflag:s10] =	ssyncadd.s32 @!p1 $0xFFFFD800  }
0x4f: {  	[spmem:s19] =	stream.linear.scatter @!p1 [tilespmem:s8], [sflag:$0x4], $0x2800, $0x38;
	[tilespmem:$0x1F900] =	vst v63  }
0x50: {  	_ =	swait.ge @!p1 [sflag:s10], $0x2800  }
0x51: {  	[sflag:s10] =	ssyncset.done @!p1 $0x0  }
0x52: {  	[sflag:s10] =	ssyncadd.s32 @!p1 $0xFFFFD800  }
0x53: {  	[spmem:s20] =	stream.linear.scatter @!p1 [tilespmem:s8], [sflag:$0x4], $0x2800, $0x38;
	[tilespmem:$0x1F900] =	vst v63  }
0x54: {  	_ =	swait.ge @!p1 [sflag:s10], $0x2800  }
0x55: {  	[sflag:s10] =	ssyncset.done @!p1 $0x0  }
0x56: {  	[sflag:s10] =	ssyncadd.s32 @!p1 $0xFFFFD800  }
0x57: {  	[spmem:s21] =	stream.linear.scatter @!p1 [tilespmem:s8], [sflag:$0x4], $0x2800, $0x38;
	[tilespmem:$0x1F900] =	vst v63  }
0x58: {  	_ =	swait.ge @!p1 [sflag:s10], $0x2800  }
0x59: {  	[sflag:s10] =	ssyncset.done @!p1 $0x0  }
0x5a: {  	[sflag:s10] =	ssyncadd.s32 @!p1 $0xFFFFD800  }
0x5b: {  	s10 =	simm.s32 $0x0;
	[bflag:$0x0] =	sbarrier.arrive $0xFFFF  }
0x5c: {  	[tilespmem:s28], [sflag:$0x1] =	stream.indirect.gather [hbm4b:s4+s29], $0x80, s10, s29, $0xb8;
	[tilespmem:$0x1F900] =	vst v63  }
.Ltmp3:
0x5d: {  	_ = 	snop;
	(pc) =	sbr.rel .LBB2_5-.Ltmp3, $4  }
0x5e: {  	_ = 	snop  }
0x5f: {  	[tilespmem:s30], [sflag:$0x2] =	stream.indirect.gather [hbm4b:s4+s29], $0x80, s29, s29, $0xb8;
	[tilespmem:$0x1F900] =	vst v63  }
0x60: {  	s31 =	simm.s32 $0xA0;
	s23 =	simm.s32 $0x0;
	s24 =	simm.s32 $0x0  }
0x61: {  	[tilespmem:s0], [sflag:$0x3] =	stream.indirect.gather [hbm4b:s4+s29], $0x80, s31, s29, $0xb8;
	[tilespmem:$0x1F900] =	vst v63  }
.LBB2_4:
0x62: {  	p3 =	seq.s32 s24, $0x4  }
.Ltmp4:
0x63: {  	_ = 	snop;
	(pc) =	sbr.rel @p3 .LBB2_12-.Ltmp4, $2  }
0x64: {  	_ =	sdelay $0x2  }
0x65: {  	s23 =	sadd.s32 $0xA00, s23;
	s10 =	sadd.s32 $0x20, s10  }
.LBB2_5:
0x66: {  	s8 =	smov.u32 s24;
	p3 =	seq.s32 s24, $0x3;
	s24 =	sadd.s32 $0x1, s24  }
0x67: {  	s8 =	sand.u32 $0x1, s8;
	s11 =	sshll.u32 @!p3 s24, $0xC  }
0x68: {  	p4 =	seq.s32 s8, $0x1;
	s8 =	sadd.s32 @!p3 s9, s11  }
0x69: {  	s11 =	simm.s32 @!p3 $0x2800;
	p5 =	por !p4, p3;
	s8 =	sshrl.u32 @!p3 s8, $0x3  }
0x6a: {  	s22 =	simm.s32 @!p3 $0x0;
	s11 =	simm.s32 @p5 $0x3800;
	s8 =	sadd.s32 @!p3 s5, s8  }
0x6b: {  	[tilespmem:s11], [sflag:$0x4] =	stream.linear.gather @!p3 [hbm4b:s8+s22], $0x1000, $0x38;
	[tilespmem:$0x1F900] =	vst v63  }
.Ltmp5:
0x6c: {  	_ = 	snop;
	(pc) =	sbr.rel .LBB2_6-.Ltmp5, $4  }
0x6d: {  	s8 =	simm.s32 @!p3 $0x4  }
0x6e: {  	s31 =	simm.s32 $0x3800;
	_ =	swait.ge @!p3 [sflag:s8], $0x1000  }
0x6f: {  	s31 =	simm.s32 @!p4 $0x2800;
	[sflag:s8] =	ssyncset.done @!p3 $0x0  }
0x70: {  	s22 =	smov.u32 s10;
	[sflag:s8] =	ssyncadd.s32 @!p3 $0xFFFFF000;
	s8 =	simm.s32 $0x3C0  }
.LBB2_10:
0x71: {  	_ =	swait.ge [sflag:s1], $0x2800  }
0x72: {  	[sflag:s1] =	ssyncset.done $0x0  }
0x73: {  	[sflag:s1] =	ssyncadd.s32 $0xFFFFD800  }
0x74: {  	[spmem:s2] =	stream.indirect.scatter.add.f32 [tilespmem:s0], [sflag:$0x4], $0x80, s31, s29, $0xb8;
	[tilespmem:$0x1F900] =	vst v63  }
0x75: {  	p3 =	sgt.u32 s22, $0x7C;
	_ =	swait.ge [sflag:s25], $0x2800  }
0x76: {  	s11 =	sshra.s32 @!p3 s8, $0x2;
	s13 =	simm.s32 @!p3 $0x50;
	[sflag:s25] =	ssyncset.done $0x0  }
0x77: {  	s14 =	simm.s32 @!p3 $0x9800;
	s11 =	sadd.s32 @!p3 s11, s23;
	[sflag:s25] =	ssyncadd.s32 $0xFFFFD800  }
0x78: {  	[tilespmem:s14], [sflag:$0x3] =	stream.indirect.gather @!p3 [hbm4b:s4+s13], $0x80, s11, s13, $0xb8;
	[tilespmem:$0x1F900] =	vst v63  }
.LBB2_11:
0x79: {  	s8 =	sadd.s32 $0x140, s8  }
0x7a: {  	p3 =	seq.s32 s8, $0x2BC0  }
.Ltmp6:
0x7b: {  	_ = 	snop;
	(pc) =	sbr.rel @p3 .LBB2_4-.Ltmp6, $2  }
0x7c: {  	_ =	sdelay $0x2  }
0x7d: {  	s31 =	sadd.s32 $0x80, s31;
	s22 =	sadd.s32 $0x1, s22  }
.LBB2_6:
0x7e: {  	s11 =	smulhi.u32 $0xAAAAAAAB, s22;
	_ =	sdelay $0x1  }
0x7f: {  	s11 =	sshrl.u32 s11, $0x1  }
0x80: {  	s11 =	smul.u32 $0x3, s11;
	_ =	sdelay $0x1  }
0x81: {  	s11 =	ssub.s32 s22, s11  }
0x82: {  	p3 =	seq.s32 s11, $0x2  }
.Ltmp7:
0x83: {  	_ = 	snop;
	(pc) =	sbr.rel @p3 .LBB2_10-.Ltmp7, $1  }
0x84: {  	_ =	sdelay $0x3  }
0x85: {  	p3 =	seq.s32 s11, $0x1  }
.Ltmp8:
0x86: {  	_ = 	snop;
	(pc) =	sbr.rel @!p3 .LBB2_8-.Ltmp8, $1  }
0x87: {  	_ =	sdelay $0x3  }
0x88: {  	_ =	swait.ge [sflag:s6], $0x2800  }
0x89: {  	[sflag:s6] =	ssyncset.done $0x0  }
0x8a: {  	[sflag:s6] =	ssyncadd.s32 $0xFFFFD800  }
0x8b: {  	[spmem:s2] =	stream.indirect.scatter.add.f32 [tilespmem:s30], [sflag:$0x4], $0x80, s31, s29, $0xb8;
	[tilespmem:$0x1F900] =	vst v63  }
.Ltmp9:
0x8c: {  	_ = 	snop;
	(pc) =	sbr.rel .LBB2_11-.Ltmp9, $4  }
0x8d: {  	p3 =	sgt.u32 s22, $0x7C;
	_ =	swait.ge [sflag:s25], $0x2800  }
0x8e: {  	s11 =	sshra.s32 @!p3 s8, $0x2;
	s13 =	simm.s32 @!p3 $0x50;
	[sflag:s25] =	ssyncset.done $0x0  }
0x8f: {  	s14 =	simm.s32 @!p3 $0x7000;
	s11 =	sadd.s32 @!p3 s11, s23;
	[sflag:s25] =	ssyncadd.s32 $0xFFFFD800  }
0x90: {  	[tilespmem:s14], [sflag:$0x2] =	stream.indirect.gather @!p3 [hbm4b:s4+s13], $0x80, s11, s13, $0xb8;
	[tilespmem:$0x1F900] =	vst v63  }
.LBB2_8:
0x91: {  	_ =	swait.ge [sflag:s7], $0x2800  }
0x92: {  	[sflag:s7] =	ssyncset.done $0x0  }
0x93: {  	[sflag:s7] =	ssyncadd.s32 $0xFFFFD800  }
0x94: {  	[spmem:s2] =	stream.indirect.scatter.add.f32 [tilespmem:s28], [sflag:$0x4], $0x80, s31, s29, $0xb8;
	[tilespmem:$0x1F900] =	vst v63  }
.Ltmp10:
0x95: {  	_ = 	snop;
	(pc) =	sbr.rel .LBB2_11-.Ltmp10, $4  }
0x96: {  	p3 =	sgt.u32 s22, $0x7C;
	_ =	swait.ge [sflag:s25], $0x2800  }
0x97: {  	s11 =	sshra.s32 @!p3 s8, $0x2;
	s13 =	simm.s32 @!p3 $0x50;
	[sflag:s25] =	ssyncset.done $0x0  }
0x98: {  	s14 =	simm.s32 @!p3 $0x4800;
	s11 =	sadd.s32 @!p3 s11, s23;
	[sflag:s25] =	ssyncadd.s32 $0xFFFFD800  }
0x99: {  	[tilespmem:s14], [sflag:$0x1] =	stream.indirect.gather @!p3 [hbm4b:s4+s13], $0x80, s11, s13, $0xb8;
	[tilespmem:$0x1F900] =	vst v63  }
.LBB2_12:
.Ltmp11:
0x9a: {  	(pc) =	sbr.rel @!p0 .LBB2_14-.Ltmp11, $3  }
0x9b: {  	_ =	sdelay $0x1  }
0x9c: {  	[bflag:$0x0] =	sbarrier.arrive $0xFFFF;
	s8 =	stileid.u32  }
0x9d: {  	s10 =	sshrl.u32 s12, $0x3;
	s8 =	sshll.u32 s8, $0x6  }
0x9e: {  	s11 =	sor.u32 $0x1C04, s8;
	s13 =	rddreg [dreg:$0xc]  }
0x9f: {  	[hbm:s13], [sflag:s11] =	dma.local [spmem:s10], $0x1900  }
.Ltmp12:
0xa0: {  	_ = 	snop;
	(pc) =	sbr.rel @p2 .LBB2_15-.Ltmp12, $4  }
.Ltmp13:
0xa1: {  	s10 =	simm.s32 $0x4;
	(pc) =	sbr.rel @!p2 .LBB2_16-.Ltmp13, $4  }
0xa2: {  	_ =	swait.ge [sflag:s10], $0x1900  }
0xa3: {  	[sflag:s10] =	ssyncset.done $0x0  }
0xa4: {  	s22 =	rddreg [dreg:$0x4];
	[sflag:s10] =	ssyncadd.s32 $0xFFFFE700  }
0xa5: {  	_ = 	snop  }
.LBB2_14:
0xa6: {  	s11 =	sor.u32 $0x1C05, s8;
	s13 =	rddreg [dreg:$0xa]  }
0xa7: {  	[hbm:s13], [sflag:s11] =	dma.local [spmem:s10], $0x1900  }
.Ltmp14:
0xa8: {  	_ = 	snop;
	(pc) =	sbr.rel @p1 .LBB2_16-.Ltmp14, $4  }
.Ltmp15:
0xa9: {  	s10 =	simm.s32 $0x5;
	(pc) =	sbr.rel @!p1 .LBB2_15-.Ltmp15, $4  }
0xaa: {  	_ =	swait.ge [sflag:s10], $0x1900  }
0xab: {  	[sflag:s10] =	ssyncset.done $0x0  }
0xac: {  	s22 =	rddreg [dreg:$0x3];
	[sflag:s10] =	ssyncadd.s32 $0xFFFFE700  }
0xad: {  	_ = 	snop  }
.LBB2_17:
0xae: {  	_ =	sfence.sel $0x180000  }
0xaf: {  	[bflag:$0x0] =	sbarrier.arrive $0xFFFF  }
0xb0: {  	_ =	strace $0x9000004A  }
0xb1: {  	s0 =	stileid.u32;
	[bflag:$0x2] =	sbarrier.arrive $0xFFFF  }
0xb2: {  	p0 =	sne.s32 s0, $0x0;
	s0 =	rddreg [dreg:$0x2]  }
0xb3: {  	s0 =	sadd.s32 @!p0 $0x100000, s0  }
0xb4: {  	[sflag:s0] =	ssyncadd.tile.s32 @!p0 $0x1;
	_ =	shalt  }
.Lfunc_end2:
_tile_overlayer_lowered:
.L_overlay_start_2:
0xb5: {  	(tag) =	ssettag $0x2  }
0xb6: {  	s0 =	rddreg [dreg:$0x0];
	s2 =	stileid.u32  }
0xb7: {  	s1 =	rddreg [dreg:$0x1];
	p0 =	sne.s32 s2, $0x0  }
0xb8: {  	s3 =	rddreg [dreg:$0x2];
	[bflag:$0x3] =	sbarrier.arrive $0xFFFF;
	s2 =	simm.s32 @!p0 $0x1C04  }
0xb9: {  	[timem:s3], [sflag:s2] =	dma.local @!p0 [hbm:s0], s1  }
0xba: {  	s0 =	simm.s32 @!p0 $0x4  }
0xbb: {  	_ =	swait.ge @!p0 [sflag:s0], s1  }
0xbc: {  	s1 =	ssub.s32 @!p0 $0x0, s1;
	[sflag:s0] =	ssyncset.done @!p0 $0x0  }
0xbd: {  	[sflag:s0] =	ssyncadd.s32 @!p0 s1  }
0xbe: {  	[bflag:$0x3] =	sbarrier.arrive $0xFFFF  }
0xbf: {  	_ =	shalt  }

// kernel: kernel.16.cloned.1.call-start
scs
__scs_entry_jumppad:
0x0: {  	(pc) =	sbr.rel $0x88, $3  }
0x1: {  	(tag) =	ssettag $0x0;
	lr =	simm.s32 $0x1  }
0x2: {  	[smem:$0x3F94] =	sst lr;
	_ =	strace $0xD0000000  }
0x3: {  	_ = 	snop  }
0x4: {  	_ = 	snop  }
0x5: {  	_ = 	snop  }
0x6: {  	_ = 	snop  }
0x7: {  	_ = 	snop  }
__scs_overlays_trampoline_lowered:
0x8: {  	[smem:$0x3FA3] =	sst s0  }
0x9: {  	[smem:$0x3FA4] =	sst s1  }
0xa: {  	[smem:$0x3FA5] =	sst s2  }
0xb: {  	[smem:$0x3FA6] =	sst s3  }
0xc: {  	[smem:$0x3FA7] =	sst s4  }
0xd: {  	[smem:$0x3FA8] =	sst s5  }
0xe: {  	[smem:$0x3FA9] =	sst s6  }
0xf: {  	[smem:$0x3FAA] =	sst s7  }
0x10: {  	[smem:$0x3FAB] =	sst s8  }
0x11: {  	[smem:$0x3FAC] =	sst s9;
	s0 =	simm.s32 @!p0 $0x0  }
0x12: {  	s1 =	sld [smem:$0x3F92];
	s0 =	simm.s32 @p0 $0x1  }
0x13: {  	[smem:$0x3FAD] =	sst s0;
	s0 =	simm.s32 @!p1 $0x0  }
0x14: {  	s2 =	sld [smem:$0x3F91];
	s0 =	simm.s32 @p1 $0x1  }
0x15: {  	[smem:$0x3FAE] =	sst s0;
	s0 =	simm.s32 @!p2 $0x0  }
0x16: {  	s3 =	sld [smem:$0x3FDB];
	s0 =	simm.s32 @p2 $0x1  }
0x17: {  	s4 =	simm.s32 $0x1BF5;
	[smem:$0x3FB0] =	sst s0  }
0x18: {  	s0 =	sld [smem:$0x3F93];
	_ =	swait.ge [sflag:s4], $0x0  }
0x19: {  	s7 =	sld [smem:$0x3F94]  }
0x1a: {  	s8 =	sadd.s32 $0xFFFFE003, lr  }
0x1b: {  	s9 =	sadd.s32 $0xFFFFFEF7, lr;
	s5 =	simm.s32 $0xFFFFFFFF;
	p2 =	slt.u32 s8, $0xFFFFF086  }
0x1c: {  	p1 =	slt.u32 s9, $0xF7A;
	s5 =	simm.s32 @!p2 $0x0  }
0x1d: {  	s5 =	simm.s32 @p1 $0x1;
	p0 =	seq.s32 s7, s2  }
0x1e: {  	s7 =	smul.u32 @!p0 $0xF7A, s2;
	p2 =	seq.s32 @!p0 s5, $0x0  }
0x1f: {  	s9 =	smul.u32 $0xF7A, s1;
	s8 =	simm.s32 @!p0 $0x1BF5;
	p2 =	por !p2, p0  }
0x20: {  	[sflag:s8] =	ssyncset.s32 @!p0 $0xFFFFF086;
	s6 =	sadd.s32 @!p0 s3, s7;
	s7 =	simm.s32 @!p0 $0x108  }
0x21: {  	s3 =	sadd.s32 s3, s9;
	s6 =	sadd.s32 @!p0 $0x88, s6;
	s7 =	simm.s32 @p2 $0x1082  }
0x22: {  	[simem:s7], [sflag:s8] =	dma.local @!p0 [hbm:s6], $0xF7A  }
0x23: {  	s9 =	sor.u32 $0xD0000000, s2;
	s6 =	simm.s32 $0x108;
	_ =	swait.ge @!p0 [sflag:s8], $0x0  }
0x24: {  	s3 =	sadd.s32 $0x88, s3;
	s6 =	simm.s32 @!p1 $0x1082;
	[sflag:s4] =	ssyncset.s32 $0xFFFFF086  }
0x25: {  	[simem:s6], [sflag:s4] =	dma.local [hbm:s3], $0xF7A  }
0x26: {  	[smem:$0x3F94] =	sst s1;
	(tag) =	ssettag s2;
	_ =	strace s9  }
0x27: {  	s1 =	sld [smem:$0x3FA4]  }
0x28: {  	s2 =	sld [smem:$0x3FA5]  }
0x29: {  	s4 =	sld [smem:$0x3FA7]  }
0x2a: {  	p0 =	seq.s32 s5, $0x0;
	s5 =	sld [smem:$0x3FA8]  }
0x2b: {  	s6 =	sld [smem:$0x3FA9]  }
0x2c: {  	s7 =	sld [smem:$0x3FAA]  }
0x2d: {  	s3 =	simm.s32 $0x108;
	s8 =	sld [smem:$0x3FAB]  }
0x2e: {  	s3 =	simm.s32 @!p0 $0x1082;
	s9 =	sld [smem:$0x3FAC]  }
0x2f: {  	lr =	sadd.s32 s0, s3;
	s0 =	sld [smem:$0x3FA3]  }
0x30: {  	s3 =	sld [smem:$0x3FA6]  }
0x31: {  	[smem:$0x3FAF] =	sst s10  }
0x32: {  	s10 =	sld [smem:$0x3FAD];
	_ =	sdelay $0x3  }
0x33: {  	p0 =	seq.s32 s10, $0x1;
	s10 =	sld [smem:$0x3FAF];
	_ =	sdelay $0x3  }
0x34: {  	[smem:$0x3FAF] =	sst s10  }
0x35: {  	s10 =	sld [smem:$0x3FAE];
	_ =	sdelay $0x3  }
0x36: {  	p1 =	seq.s32 s10, $0x1;
	s10 =	sld [smem:$0x3FAF];
	_ =	sdelay $0x3  }
0x37: {  	[smem:$0x3FAF] =	sst s10  }
0x38: {  	s10 =	sld [smem:$0x3FB0]  }
0x39: {  	_ = 	snop;
	(pc) =	sbr.ind lr, $3  }
0x3a: {  	_ = 	snop  }
0x3b: {  	_ = 	snop  }
0x3c: {  	p2 =	seq.s32 s10, $0x1;
	s10 =	sld [smem:$0x3FAF]  }
0x3d: {  	_ =	shalt  }
0x3e: {  	_ =	shalt  }
0x3f: {  	_ =	shalt  }
0x40: {  	_ =	shalt  }
0x41: {  	_ =	shalt  }
0x42: {  	_ =	shalt  }
0x43: {  	_ =	shalt  }
0x44: {  	_ =	shalt  }
0x45: {  	_ =	shalt  }
0x46: {  	_ =	shalt  }
0x47: {  	_ =	shalt  }
0x48: {  	_ =	shalt  }
0x49: {  	_ =	shalt  }
0x4a: {  	_ =	shalt  }
0x4b: {  	_ =	shalt  }
0x4c: {  	_ =	shalt  }
0x4d: {  	_ =	shalt  }
0x4e: {  	_ =	shalt  }
0x4f: {  	_ =	shalt  }
0x50: {  	_ =	shalt  }
0x51: {  	_ =	shalt  }
0x52: {  	_ =	shalt  }
0x53: {  	_ =	shalt  }
0x54: {  	_ =	shalt  }
0x55: {  	_ =	shalt  }
0x56: {  	_ =	shalt  }
0x57: {  	_ =	shalt  }
0x58: {  	_ =	shalt  }
0x59: {  	_ =	shalt  }
0x5a: {  	_ =	shalt  }
0x5b: {  	_ =	shalt  }
0x5c: {  	_ =	shalt  }
0x5d: {  	_ =	shalt  }
0x5e: {  	_ =	shalt  }
0x5f: {  	_ =	shalt  }
0x60: {  	_ =	shalt  }
0x61: {  	_ =	shalt  }
0x62: {  	_ =	shalt  }
0x63: {  	_ =	shalt  }
0x64: {  	_ =	shalt  }
0x65: {  	_ =	shalt  }
0x66: {  	_ =	shalt  }
0x67: {  	_ =	shalt  }
0x68: {  	_ =	shalt  }
0x69: {  	_ =	shalt  }
0x6a: {  	_ =	shalt  }
0x6b: {  	_ =	shalt  }
0x6c: {  	_ =	shalt  }
0x6d: {  	_ =	shalt  }
0x6e: {  	_ =	shalt  }
0x6f: {  	_ =	shalt  }
0x70: {  	_ =	shalt  }
0x71: {  	_ =	shalt  }
0x72: {  	_ =	shalt  }
0x73: {  	_ =	shalt  }
0x74: {  	_ =	shalt  }
0x75: {  	_ =	shalt  }
0x76: {  	_ =	shalt  }
0x77: {  	_ =	shalt  }
0x78: {  	_ =	shalt  }
0x79: {  	_ =	shalt  }
0x7a: {  	_ =	shalt  }
0x7b: {  	_ =	shalt  }
0x7c: {  	_ =	shalt  }
0x7d: {  	_ =	shalt  }
0x7e: {  	_ =	shalt  }
0x7f: {  	_ =	shalt  }
0x80: {  	_ =	shalt  }
0x81: {  	_ =	shalt  }
0x82: {  	_ =	shalt  }
0x83: {  	_ =	shalt  }
0x84: {  	_ =	shalt  }
0x85: {  	_ =	shalt  }
0x86: {  	_ =	shalt  }
0x87: {  	_ =	shalt  }
.Lfunc_end0:
.L_simem_size_0:
called_computation.2_lowered:
.L_overlay_start_0:
0x88: {  	s2 =	sld [smem:$0x3FD9]  }
0x89: {  	s3 =	sld [smem:$0x3FFE];
	_ =	sdelay $0x1  }
0x8a: {  	s1 =	srdreg.scid  }
0x8b: {  	s0 =	sand.u32 $0x1, s1  }
0x8c: {  	s16 =	sshll.u32 s0, $0xA;
	s2 =	sadd.s32 s3, s2  }
0x8d: {  	s2 =	sadd.s32 s2, s16  }
0x8e: {  	[smem:$0x3FBB] =	sst s2  }
0x8f: {  	_ = 	snop  }
0x90: {  	(tm) =	ssettm $0x1  }
0x91: {  	s17 =	sld [smem:$0x3FFB];
	_ =	sdelay $0x3  }
0x92: {  	_ =	strace s17  }
0x93: {  	s2 =	sld [smem:$0x3FFC];
	_ =	sdelay $0x3  }
0x94: {  	_ =	strace s2  }
0x95: {  	s2 =	sld [smem:$0x3FFD];
	_ =	sdelay $0x3  }
0x96: {  	_ =	strace s2  }
0x97: {  	_ =	strace $0x8FFFFFFF  }
0x98: {  	s18 =	sld [smem:$0x3FDB];
	_ =	sdelay $0x1  }
0x99: {  	s19 =	simm.s32 $_scs_section_size  }
0x9a: {  	s4 =	simm.s32 $_size__tile_overlayer_lowered;
	s5 =	simm.s32 $_tile_overlayer_lowered  }
0x9b: {  	s22 =	simm.s32 $0x1BFF;
	s21 =	sshll.u32 s5, $0x1;
	s2 =	sadd.s32 s19, s18  }
0x9c: {  	s6 =	simm.s32 $0x0;
	s20 =	sshll.u32 s4, $0x1;
	s4 =	sadd.s32 s21, s2  }
0x9d: {  	[timem:s6], [sflag:s22] =	dma.local [hbm:s4], s20  }
0x9e: {  	_ =	swait.ge [sflag:s22], s20  }
0x9f: {  	s3 =	ssub.s32 $0x0, s20;
	[sflag:s22] =	ssyncset.done $0x0  }
0xa0: {  	[sflag:s22] =	ssyncadd.s32 s3;
	_ =	sdelay $0x1  }
0xa1: {  	s23 =	simm.s32 $0x1B8B  }
0xa2: {  	_ =	swait.ge [sflag:s23], $0x1  }
0xa3: {  	[sflag:s23] =	ssyncset.done $0x0  }
0xa4: {  	s25 =	simm.s32 $0x1B8E;
	s24 =	sld [smem:$0x3FFE];
	[sflag:s23] =	ssyncadd.s32 $0xFFFFFFFF  }
0xa5: {  	s26 =	simm.s32 $execute0_lowered;
	[smem:$0x3FD2] =	sst s25  }
0xa6: {  	s4 =	sshll.u32 s26, $0x1;
	_ =	strace $0x8000004C;
	[dreg:$0x1] =	wrdreg $0xFFFFFFFF  }
0xa7: {  	s28 =	simm.s32 $_size_execute0_lowered;
	s2 =	sadd.s32 s2, s4;
	[dreg:$0x0] =	wrdreg $0x0  }
0xa8: {  	s4 =	sshll.u32 s28, $0x1;
	[dreg:$0x2] =	wrdreg s2  }
0xa9: {  	[dreg:$0x3] =	wrdreg s4  }
0xaa: {  	[dreg:$0x4] =	wrdreg $0xC0  }
0xab: {  	_ =	task [dreg:s6], $0x5FFFF  }
0xac: {  	[dreg:$0x1] =	wrdreg $0xFFFFFFFF  }
0xad: {  	[dreg:$0x0] =	wrdreg $0x60  }
0xae: {  	[dreg:$0x2] =	wrdreg s24  }
0xaf: {  	[dreg:$0x3] =	wrdreg $0xC0000  }
0xb0: {  	[dreg:$0x4] =	wrdreg $0x9  }
0xb1: {  	_ =	task.clear_ibuf [dreg:s6], $0x5FFFF;
	_ =	strace $0x9000004C  }
0xb2: {  	s29 =	simm.s32 $0x9;
	_ =	strace $0x8000004E  }
0xb3: {  	_ =	swait.ge [sflag:s29], $0x1  }
0xb4: {  	[sflag:s29] =	ssyncadd.s32 $0xFFFFFFFF  }
0xb5: {  	_ =	strace $0x9000004E  }
0xb6: {  	_ =	sfence  }
0xb7: {  	s30 =	sld [smem:$0x0];
	_ =	sdelay $0x2  }
0xb8: {  	s31 =	sshll.u32 s1, $0xD;
	s1 =	sshrl.u32 s1, $0x2  }
0xb9: {  	s3 =	sand.u32 $0x4000, s31;
	s1 =	sadd.s32 s1, s30  }
0xba: {  	s0 =	sor.u32 s3, s0;
	s1 =	sshll.u32 s1, $0x11  }
0xbb: {  	s0 =	sor.u32 s1, s0  }
0xbc: {  	s0 =	sadd.s32 $0x8F2B, s0  }
0xbd: {  	[sflag:s0] =	ssyncadd.remote.s32 $0x1  }
0xbe: {  	_ =	sfence.sel $0xFFFF  }
0xbf: {  	[dreg:$0x0] =	wrdreg $0xFFFFFFFF;
	(pc) =	sbr.abs _section_cstart, $3  }
0xc0: {  	[dreg:$0x1] =	wrdreg $0xFFFFFFFF  }
0xc1: {  	_ =	task.clear_ibuf [dreg:s6], $0x2FFFF;
	_ =	strace $0x9FFFFFFF  }
0xc2: {  	(tm) =	ssettm $0x7FFFFFFF  }
0xc3: {  	_ =	shalt  }
tec
execute0_lowered:
.L_overlay_start_1:
0x0: {  	(tag) =	ssettag $0x1  }
0x1: {  	s1 =	rddreg [dreg:$0x0]  }
0x2: {  	s0 =	srdreg.scid;
	s2 =	rddreg [dreg:$0x1]  }
0x3: {  	s10 =	stileid.u32;
	s3 =	simm.s32 $0x0;
	s28 =	simm.s32 $0x4800  }
0x4: {  	s29 =	simm.s32 $0x50;
	s30 =	simm.s32 $0x7000;
	s0 =	sand.u32 $0x1, s0  }
0x5: {  	[smem:$0x7FF] =	sst s3;
	s11 =	sadd.s32 $0x6E600, s1;
	s12 =	smul.u32 $0x32000, s10  }
0x6: {  	s13 =	sadd.s32 $0x95800, s1;
	s14 =	sor.u32 $0x10, s10;
	s25 =	smul.u32 $0x1900, s10  }
0x7: {  	s4 =	sshll.u32 s0, $0x4;
	_ =	strace $0x8000004D;
	s8 =	ssub.s32 $0x2, s0  }
0x8: {  	s20 =	smul.u32 $0x32000, s14;
	p0 =	seq.s32 s0, $0x1;
	[dreg:$0x3] =	wrdreg s11  }
0x9: {  	s31 =	smul.u32 $0x1900, s14;
	[dreg:$0x4] =	wrdreg s13;
	p1 =	sgt.u32 s14, $0x18  }
0xa: {  	p2 =	slt.u32 s14, $0x19;
	s6 =	sor.u32 s10, s4;
	s4 =	sadd.s32 $0x20200, s1  }
0xb: {  	s9 =	sshrl.u32 s8, $0x1;
	s19 =	sshrl.u32 s12, $0x2;
	s26 =	sadd.s32 s11, s25  }
0xc: {  	s0 =	sadd.s32 s13, s25;
	s25 =	simm.s32 $0x4;
	[dreg:$0xa] =	wrdreg s26  }
0xd: {  	s5 =	smul.u32 $0x500, s6;
	s12 =	sadd.s32 s19, s2;
	[dreg:$0xb] =	wrdreg s31  }
0xe: {  	s24 =	sshrl.u32 s20, $0x2;
	[dreg:$0xc] =	wrdreg s0;
	s0 =	simm.s32 $0x9800  }
0xf: {  	s26 =	simm.s32 $0x0;
	s22 =	sadd.s32 $0x2800, s12;
	s23 =	sadd.s32 $0x5000, s12  }
0x10: {  	s15 =	sadd.s32 $0x7800, s12;
	s16 =	sadd.s32 s24, s2;
	s17 =	sadd.s32 $0xA000, s12  }
0x11: {  	s7 =	sadd.s32 s5, s1;
	s5 =	sadd.s32 $0x5600, s1;
	s1 =	ssub.s32 s8, s9  }
0x12: {  	s9 =	sshll.u32 s6, $0xE;
	s6 =	sshll.u32 s6, $0xB;
	[dreg:$0x8] =	wrdreg s22  }
.Ltmp0:
0x13: {  	[dreg:$0x9] =	wrdreg s23;
	s7 =	sadd.s32 $0x16200, s7;
	(pc) =	sbr.rel .LBB2_1-.Ltmp0, $4  }
0x14: {  	s18 =	sadd.s32 $0x2800, s16;
	s6 =	sadd.s32 s5, s6;
	[dreg:$0x5] =	wrdreg s7  }
0x15: {  	s19 =	sadd.s32 $0x5000, s16;
	s21 =	smax.u32 s1, $0x1;
	[dreg:$0x6] =	wrdreg s6  }
0x16: {  	s20 =	sadd.s32 $0x7800, s16;
	s1 =	simm.s32 $0x3;
	[dreg:$0x7] =	wrdreg s21  }
0x17: {  	v0 =	vimm.f32 $0.0e+00;
	s21 =	sadd.s32 $0xA000, s16;
	s6 =	simm.s32 $0x2;
	s7 =	simm.s32 $0x1  }
.LBB2_15:
0x18: {  	s8 =	sadd.s32 s10, s8;
	s11 =	rddreg [dreg:$0xb]  }
0x19: {  	s13 =	sshrl.u32 s16, $0x3;
	s11 =	sadd.s32 s22, s11;
	s8 =	sadd.s32 $0x1C00, s8  }
0x1a: {  	[hbm:s11], [sflag:s8] =	dma.local [spmem:s13], $0x1900  }
0x1b: {  	_ =	swait.ge [sflag:s10], $0x1900  }
0x1c: {  	[sflag:s10] =	ssyncset.done $0x0  }
0x1d: {  	[sflag:s10] =	ssyncadd.s32 $0xFFFFE700  }
.LBB2_16:
0x1e: {  	s26 =	sadd.s32 $0x1, s26;
	s8 =	rddreg [dreg:$0x7]  }
0x1f: {  	p3 =	sne.s32 s26, s8  }
.Ltmp1:
0x20: {  	_ = 	snop;
	(pc) =	sbr.rel @!p3 .LBB2_17-.Ltmp1, $1  }
0x21: {  	_ =	sdelay $0x3  }
.LBB2_1:
0x22: {  	s8 =	rddreg [dreg:$0x5]  }
0x23: {  	[tilespmem:s3], [sflag:$0x4] =	stream.linear.gather [hbm4b:s8+s3], $0x2800, $0x38;
	[tilespmem:$0x1F900] =	vst v63  }
0x24: {  	_ =	swait.ge [sflag:s25], $0x2800  }
0x25: {  	[sflag:s25] =	ssyncset.done $0x0  }
0x26: {  	s10 =	simm.s32 $0x2800;
	s23 =	rddreg [dreg:$0x6];
	[sflag:s25] =	ssyncadd.s32 $0xFFFFD800  }
0x27: {  	[tilespmem:s10], [sflag:$0x4] =	stream.linear.gather [hbm4b:s23+s3], $0x1000, $0x38;
	[tilespmem:$0x1F900] =	vst v63  }
0x28: {  	s24 =	sand.u32 $0xFE00, s3;
	s31 =	sand.u32 $0x70, s3;
	_ =	swait.ge [sflag:s25], $0x1000  }
0x29: {  	s11 =	sshrl.u32 s24, $0x2;
	s8 =	simm.s32 $0x40;
	[sflag:s25] =	ssyncset.done $0x0  }
0x2a: {  	s22 =	sor.u32 s31, s11;
	s10 =	simm.s32 $0x0;
	[sflag:s25] =	ssyncadd.s32 $0xFFFFF000  }
.LBB2_2:
0x2b: {  	p3 =	sne.s32 s8, $0x9FC0  }
0x2c: {  	[tilespmem:s22+$0x4800] =	vst v0;
	s10 =	sadd.s32 $0x10, s10;
	s11 =	smov.u32 s8;
	s8 =	sadd.s32 $0x40, s8  }
.Ltmp2:
0x2d: {  	(pc) =	sbr.rel @p3 .LBB2_2-.Ltmp2, $4  }
0x2e: {  	_ = 	snop  }
0x2f: {  	s11 =	sand.u32 $0xFE00, s11  }
0x30: {  	s22 =	sand.u32 $0x70, s10;
	s11 =	sshrl.u32 s11, $0x2  }
0x31: {  	s22 =	sor.u32 s22, s11  }
0x32: {  	[tilespmem:s22+$0x4800] =	vst v0  }
0x33: {  	[spmem:s12] =	stream.linear.scatter [tilespmem:s28], [sflag:$0x4], $0x2800, $0x38;
	[tilespmem:$0x1F900] =	vst v63  }
0x34: {  	_ =	swait.ge [sflag:s25], $0x2800  }
0x35: {  	[sflag:s25] =	ssyncset.done $0x0  }
0x36: {  	s8 =	rddreg [dreg:$0x8];
	[sflag:s25] =	ssyncadd.s32 $0xFFFFD800  }
0x37: {  	[spmem:s8] =	stream.linear.scatter [tilespmem:s28], [sflag:$0x4], $0x2800, $0x38;
	[tilespmem:$0x1F900] =	vst v63  }
0x38: {  	_ =	swait.ge [sflag:s25], $0x2800  }
0x39: {  	[sflag:s25] =	ssyncset.done $0x0  }
0x3a: {  	s24 =	rddreg [dreg:$0x9];
	[sflag:s25] =	ssyncadd.s32 $0xFFFFD800  }
0x3b: {  	[spmem:s24] =	stream.linear.scatter [tilespmem:s28], [sflag:$0x4], $0x2800, $0x38;
	[tilespmem:$0x1F900] =	vst v63  }
0x3c: {  	_ =	swait.ge [sflag:s25], $0x2800  }
0x3d: {  	[sflag:s25] =	ssyncset.done $0x0  }
0x3e: {  	[sflag:s25] =	ssyncadd.s32 $0xFFFFD800  }
0x3f: {  	[spmem:s15] =	stream.linear.scatter [tilespmem:s28], [sflag:$0x4], $0x2800, $0x38;
	[tilespmem:$0x1F900] =	vst v63  }
0x40: {  	_ =	swait.ge [sflag:s25], $0x2800  }
0x41: {  	[sflag:s25] =	ssyncset.done $0x0  }
0x42: {  	[sflag:s25] =	ssyncadd.s32 $0xFFFFD800  }
0x43: {  	[spmem:s17] =	stream.linear.scatter [tilespmem:s28], [sflag:$0x4], $0x2800, $0x38;
	[tilespmem:$0x1F900] =	vst v63  }
0x44: {  	_ =	swait.ge [sflag:s25], $0x2800  }
0x45: {  	[sflag:s25] =	ssyncset.done $0x0  }
0x46: {  	s10 =	simm.s32 @!p1 $0x4;
	s8 =	simm.s32 @!p1 $0x4800;
	[sflag:s25] =	ssyncadd.s32 $0xFFFFD800  }
0x47: {  	[spmem:s16] =	stream.linear.scatter @!p1 [tilespmem:s8], [sflag:$0x4], $0x2800, $0x38;
	[tilespmem:$0x1F900] =	vst v63  }
0x48: {  	_ =	swait.ge @!p1 [sflag:s10], $0x2800  }
0x49: {  	[sflag:s10] =	ssyncset.done @!p1 $0x0  }
0x4a: {  	[sflag:s10] =	ssyncadd.s32 @!p1 $0xFFFFD800  }
0x4b: {  	[spmem:s18] =	stream.linear.scatter @!p1 [tilespmem:s8], [sflag:$0x4], $0x2800, $0x38;
	[tilespmem:$0x1F900] =	vst v63  }
0x4c: {  	_ =	swait.ge @!p1 [sflag:s10], $0x2800  }
0x4d: {  	[sflag:s10] =	ssyncset.done @!p1 $0x0  }
0x4e: {  	[sflag:s10] =	ssyncadd.s32 @!p1 $0xFFFFD800  }
0x4f: {  	[spmem:s19] =	stream.linear.scatter @!p1 [tilespmem:s8], [sflag:$0x4], $0x2800, $0x38;
	[tilespmem:$0x1F900] =	vst v63  }
0x50: {  	_ =	swait.ge @!p1 [sflag:s10], $0x2800  }
0x51: {  	[sflag:s10] =	ssyncset.done @!p1 $0x0  }
0x52: {  	[sflag:s10] =	ssyncadd.s32 @!p1 $0xFFFFD800  }
0x53: {  	[spmem:s20] =	stream.linear.scatter @!p1 [tilespmem:s8], [sflag:$0x4], $0x2800, $0x38;
	[tilespmem:$0x1F900] =	vst v63  }
0x54: {  	_ =	swait.ge @!p1 [sflag:s10], $0x2800  }
0x55: {  	[sflag:s10] =	ssyncset.done @!p1 $0x0  }
0x56: {  	[sflag:s10] =	ssyncadd.s32 @!p1 $0xFFFFD800  }
0x57: {  	[spmem:s21] =	stream.linear.scatter @!p1 [tilespmem:s8], [sflag:$0x4], $0x2800, $0x38;
	[tilespmem:$0x1F900] =	vst v63  }
0x58: {  	_ =	swait.ge @!p1 [sflag:s10], $0x2800  }
0x59: {  	[sflag:s10] =	ssyncset.done @!p1 $0x0  }
0x5a: {  	[sflag:s10] =	ssyncadd.s32 @!p1 $0xFFFFD800  }
0x5b: {  	s10 =	simm.s32 $0x0;
	[bflag:$0x0] =	sbarrier.arrive $0xFFFF  }
0x5c: {  	[tilespmem:s28], [sflag:$0x1] =	stream.indirect.gather [hbm4b:s4+s29], $0x80, s10, s29, $0xb8;
	[tilespmem:$0x1F900] =	vst v63  }
.Ltmp3:
0x5d: {  	_ = 	snop;
	(pc) =	sbr.rel .LBB2_5-.Ltmp3, $4  }
0x5e: {  	_ = 	snop  }
0x5f: {  	[tilespmem:s30], [sflag:$0x2] =	stream.indirect.gather [hbm4b:s4+s29], $0x80, s29, s29, $0xb8;
	[tilespmem:$0x1F900] =	vst v63  }
0x60: {  	s31 =	simm.s32 $0xA0;
	s23 =	simm.s32 $0x0;
	s24 =	simm.s32 $0x0  }
0x61: {  	[tilespmem:s0], [sflag:$0x3] =	stream.indirect.gather [hbm4b:s4+s29], $0x80, s31, s29, $0xb8;
	[tilespmem:$0x1F900] =	vst v63  }
.LBB2_4:
0x62: {  	p3 =	seq.s32 s24, $0x4  }
.Ltmp4:
0x63: {  	_ = 	snop;
	(pc) =	sbr.rel @p3 .LBB2_12-.Ltmp4, $2  }
0x64: {  	_ =	sdelay $0x2  }
0x65: {  	s23 =	sadd.s32 $0xA00, s23;
	s10 =	sadd.s32 $0x20, s10  }
.LBB2_5:
0x66: {  	s8 =	smov.u32 s24;
	p3 =	seq.s32 s24, $0x3;
	s24 =	sadd.s32 $0x1, s24  }
0x67: {  	s8 =	sand.u32 $0x1, s8;
	s11 =	sshll.u32 @!p3 s24, $0xC  }
0x68: {  	p4 =	seq.s32 s8, $0x1;
	s8 =	sadd.s32 @!p3 s9, s11  }
0x69: {  	s11 =	simm.s32 @!p3 $0x2800;
	p5 =	por !p4, p3;
	s8 =	sshrl.u32 @!p3 s8, $0x3  }
0x6a: {  	s22 =	simm.s32 @!p3 $0x0;
	s11 =	simm.s32 @p5 $0x3800;
	s8 =	sadd.s32 @!p3 s5, s8  }
0x6b: {  	[tilespmem:s11], [sflag:$0x4] =	stream.linear.gather @!p3 [hbm4b:s8+s22], $0x1000, $0x38;
	[tilespmem:$0x1F900] =	vst v63  }
.Ltmp5:
0x6c: {  	_ = 	snop;
	(pc) =	sbr.rel .LBB2_6-.Ltmp5, $4  }
0x6d: {  	s8 =	simm.s32 @!p3 $0x4  }
0x6e: {  	s31 =	simm.s32 $0x3800;
	_ =	swait.ge @!p3 [sflag:s8], $0x1000  }
0x6f: {  	s31 =	simm.s32 @!p4 $0x2800;
	[sflag:s8] =	ssyncset.done @!p3 $0x0  }
0x70: {  	s22 =	smov.u32 s10;
	[sflag:s8] =	ssyncadd.s32 @!p3 $0xFFFFF000;
	s8 =	simm.s32 $0x3C0  }
.LBB2_10:
0x71: {  	_ =	swait.ge [sflag:s1], $0x2800  }
0x72: {  	[sflag:s1] =	ssyncset.done $0x0  }
0x73: {  	[sflag:s1] =	ssyncadd.s32 $0xFFFFD800  }
0x74: {  	[spmem:s2] =	stream.indirect.scatter.add.f32 [tilespmem:s0], [sflag:$0x4], $0x80, s31, s29, $0xb8;
	[tilespmem:$0x1F900] =	vst v63  }
0x75: {  	p3 =	sgt.u32 s22, $0x7C;
	_ =	swait.ge [sflag:s25], $0x2800  }
0x76: {  	s11 =	sshra.s32 @!p3 s8, $0x2;
	s13 =	simm.s32 @!p3 $0x50;
	[sflag:s25] =	ssyncset.done $0x0  }
0x77: {  	s14 =	simm.s32 @!p3 $0x9800;
	s11 =	sadd.s32 @!p3 s11, s23;
	[sflag:s25] =	ssyncadd.s32 $0xFFFFD800  }
0x78: {  	[tilespmem:s14], [sflag:$0x3] =	stream.indirect.gather @!p3 [hbm4b:s4+s13], $0x80, s11, s13, $0xb8;
	[tilespmem:$0x1F900] =	vst v63  }
.LBB2_11:
0x79: {  	s8 =	sadd.s32 $0x140, s8  }
0x7a: {  	p3 =	seq.s32 s8, $0x2BC0  }
.Ltmp6:
0x7b: {  	_ = 	snop;
	(pc) =	sbr.rel @p3 .LBB2_4-.Ltmp6, $2  }
0x7c: {  	_ =	sdelay $0x2  }
0x7d: {  	s31 =	sadd.s32 $0x80, s31;
	s22 =	sadd.s32 $0x1, s22  }
.LBB2_6:
0x7e: {  	s11 =	smulhi.u32 $0xAAAAAAAB, s22;
	_ =	sdelay $0x1  }
0x7f: {  	s11 =	sshrl.u32 s11, $0x1  }
0x80: {  	s11 =	smul.u32 $0x3, s11;
	_ =	sdelay $0x1  }
0x81: {  	s11 =	ssub.s32 s22, s11  }
0x82: {  	p3 =	seq.s32 s11, $0x2  }
.Ltmp7:
0x83: {  	_ = 	snop;
	(pc) =	sbr.rel @p3 .LBB2_10-.Ltmp7, $1  }
0x84: {  	_ =	sdelay $0x3  }
0x85: {  	p3 =	seq.s32 s11, $0x1  }
.Ltmp8:
0x86: {  	_ = 	snop;
	(pc) =	sbr.rel @!p3 .LBB2_8-.Ltmp8, $1  }
0x87: {  	_ =	sdelay $0x3  }
0x88: {  	_ =	swait.ge [sflag:s6], $0x2800  }
0x89: {  	[sflag:s6] =	ssyncset.done $0x0  }
0x8a: {  	[sflag:s6] =	ssyncadd.s32 $0xFFFFD800  }
0x8b: {  	[spmem:s2] =	stream.indirect.scatter.add.f32 [tilespmem:s30], [sflag:$0x4], $0x80, s31, s29, $0xb8;
	[tilespmem:$0x1F900] =	vst v63  }
.Ltmp9:
0x8c: {  	_ = 	snop;
	(pc) =	sbr.rel .LBB2_11-.Ltmp9, $4  }
0x8d: {  	p3 =	sgt.u32 s22, $0x7C;
	_ =	swait.ge [sflag:s25], $0x2800  }
0x8e: {  	s11 =	sshra.s32 @!p3 s8, $0x2;
	s13 =	simm.s32 @!p3 $0x50;
	[sflag:s25] =	ssyncset.done $0x0  }
0x8f: {  	s14 =	simm.s32 @!p3 $0x7000;
	s11 =	sadd.s32 @!p3 s11, s23;
	[sflag:s25] =	ssyncadd.s32 $0xFFFFD800  }
0x90: {  	[tilespmem:s14], [sflag:$0x2] =	stream.indirect.gather @!p3 [hbm4b:s4+s13], $0x80, s11, s13, $0xb8;
	[tilespmem:$0x1F900] =	vst v63  }
.LBB2_8:
0x91: {  	_ =	swait.ge [sflag:s7], $0x2800  }
0x92: {  	[sflag:s7] =	ssyncset.done $0x0  }
0x93: {  	[sflag:s7] =	ssyncadd.s32 $0xFFFFD800  }
0x94: {  	[spmem:s2] =	stream.indirect.scatter.add.f32 [tilespmem:s28], [sflag:$0x4], $0x80, s31, s29, $0xb8;
	[tilespmem:$0x1F900] =	vst v63  }
.Ltmp10:
0x95: {  	_ = 	snop;
	(pc) =	sbr.rel .LBB2_11-.Ltmp10, $4  }
0x96: {  	p3 =	sgt.u32 s22, $0x7C;
	_ =	swait.ge [sflag:s25], $0x2800  }
0x97: {  	s11 =	sshra.s32 @!p3 s8, $0x2;
	s13 =	simm.s32 @!p3 $0x50;
	[sflag:s25] =	ssyncset.done $0x0  }
0x98: {  	s14 =	simm.s32 @!p3 $0x4800;
	s11 =	sadd.s32 @!p3 s11, s23;
	[sflag:s25] =	ssyncadd.s32 $0xFFFFD800  }
0x99: {  	[tilespmem:s14], [sflag:$0x1] =	stream.indirect.gather @!p3 [hbm4b:s4+s13], $0x80, s11, s13, $0xb8;
	[tilespmem:$0x1F900] =	vst v63  }
.LBB2_12:
.Ltmp11:
0x9a: {  	(pc) =	sbr.rel @!p0 .LBB2_14-.Ltmp11, $3  }
0x9b: {  	_ =	sdelay $0x1  }
0x9c: {  	[bflag:$0x0] =	sbarrier.arrive $0xFFFF;
	s8 =	stileid.u32  }
0x9d: {  	s10 =	sshrl.u32 s12, $0x3;
	s8 =	sshll.u32 s8, $0x6  }
0x9e: {  	s11 =	sor.u32 $0x1C04, s8;
	s13 =	rddreg [dreg:$0xc]  }
0x9f: {  	[hbm:s13], [sflag:s11] =	dma.local [spmem:s10], $0x1900  }
.Ltmp12:
0xa0: {  	_ = 	snop;
	(pc) =	sbr.rel @p2 .LBB2_15-.Ltmp12, $4  }
.Ltmp13:
0xa1: {  	s10 =	simm.s32 $0x4;
	(pc) =	sbr.rel @!p2 .LBB2_16-.Ltmp13, $4  }
0xa2: {  	_ =	swait.ge [sflag:s10], $0x1900  }
0xa3: {  	[sflag:s10] =	ssyncset.done $0x0  }
0xa4: {  	s22 =	rddreg [dreg:$0x4];
	[sflag:s10] =	ssyncadd.s32 $0xFFFFE700  }
0xa5: {  	_ = 	snop  }
.LBB2_14:
0xa6: {  	s11 =	sor.u32 $0x1C05, s8;
	s13 =	rddreg [dreg:$0xa]  }
0xa7: {  	[hbm:s13], [sflag:s11] =	dma.local [spmem:s10], $0x1900  }
.Ltmp14:
0xa8: {  	_ = 	snop;
	(pc) =	sbr.rel @p1 .LBB2_16-.Ltmp14, $4  }
.Ltmp15:
0xa9: {  	s10 =	simm.s32 $0x5;
	(pc) =	sbr.rel @!p1 .LBB2_15-.Ltmp15, $4  }
0xaa: {  	_ =	swait.ge [sflag:s10], $0x1900  }
0xab: {  	[sflag:s10] =	ssyncset.done $0x0  }
0xac: {  	s22 =	rddreg [dreg:$0x3];
	[sflag:s10] =	ssyncadd.s32 $0xFFFFE700  }
0xad: {  	_ = 	snop  }
.LBB2_17:
0xae: {  	_ =	sfence.sel $0x180000  }
0xaf: {  	[bflag:$0x0] =	sbarrier.arrive $0xFFFF  }
0xb0: {  	_ =	strace $0x9000004D  }
0xb1: {  	s0 =	stileid.u32;
	[bflag:$0x2] =	sbarrier.arrive $0xFFFF  }
0xb2: {  	p0 =	sne.s32 s0, $0x0;
	s0 =	rddreg [dreg:$0x2]  }
0xb3: {  	s0 =	sadd.s32 @!p0 $0x100000, s0  }
0xb4: {  	[sflag:s0] =	ssyncadd.tile.s32 @!p0 $0x1;
	_ =	shalt  }
.Lfunc_end2:
_tile_overlayer_lowered:
.L_overlay_start_2:
0xb5: {  	(tag) =	ssettag $0x2  }
0xb6: {  	s0 =	rddreg [dreg:$0x0];
	s2 =	stileid.u32  }
0xb7: {  	s1 =	rddreg [dreg:$0x1];
	p0 =	sne.s32 s2, $0x0  }
0xb8: {  	s3 =	rddreg [dreg:$0x2];
	[bflag:$0x3] =	sbarrier.arrive $0xFFFF;
	s2 =	simm.s32 @!p0 $0x1C04  }
0xb9: {  	[timem:s3], [sflag:s2] =	dma.local @!p0 [hbm:s0], s1  }
0xba: {  	s0 =	simm.s32 @!p0 $0x4  }
0xbb: {  	_ =	swait.ge @!p0 [sflag:s0], s1  }
0xbc: {  	s1 =	ssub.s32 @!p0 $0x0, s1;
	[sflag:s0] =	ssyncset.done @!p0 $0x0  }
0xbd: {  	[sflag:s0] =	ssyncadd.s32 @!p0 s1  }
0xbe: {  	[bflag:$0x3] =	sbarrier.arrive $0xFFFF  }
0xbf: {  	_ =	shalt  }

</sc_bundles>
